<compile_context>
chip_gen: v7x
topology: tpu7x:2x2x1
jax: 0.10.2.dev20260603
libtpu: 0.0.44.dev20260713+nightly
codegen_flags: <defaults>
</compile_context>

<pallas_src>
import jax
import jax.numpy as jnp
from jax import lax
from jax.experimental import pallas as pl
from jax.experimental.pallas import tpu as pltpu
from jax.experimental.pallas import tpu_sc as plsc

N = 10000
E = 160000
D = 256

NC = 2
NS = 16
L = 16

NP = 10240
COLS = NP // NS
DEG_EPT = E // NS

PW = 4
NPASS = D // (NC * NS * PW)
EB = 3200
NCH = E // EB

BN = 1280


def _mesh():
    return plsc.VectorSubcoreMesh(core_axis_name="c", subcore_axis_name="s",
                                  num_cores=NC, num_subcores=NS)


def _deg_body(dst_hbm, dis_hbm, dstv, degv, colbuf, disv, spm, semr):
    c = lax.axis_index("c")
    s = lax.axis_index("s")
    zero16 = jnp.zeros((L,), jnp.float32)
    ones16 = jnp.ones((L,), jnp.float32)

    def zloop(i, _):
        degv[pl.ds(i * L, L)] = zero16
        return 0
    lax.fori_loop(0, NP // L, zloop, 0)

    pltpu.sync_copy(dst_hbm.at[pl.ds(s * DEG_EPT, DEG_EPT)], dstv)

    def hist(i, _):
        d = dstv[pl.ds(i * L, L)]
        plsc.addupdate_scatter(degv, [d], ones16)
        return 0
    lax.fori_loop(0, DEG_EPT // L, hist, 0)

    pltpu.sync_copy(degv, spm.at[s])
    plsc.subcore_barrier()

    for r in range(NS):
        pltpu.make_async_copy(spm.at[r, pl.ds(s * COLS, COLS)],
                              colbuf.at[r], semr).start()
    for r in range(NS):
        pltpu.make_async_copy(spm.at[r, pl.ds(s * COLS, COLS)],
                              colbuf.at[r], semr).wait()

    def red(k, _):
        acc = colbuf[0, pl.ds(k * L, L)]
        for r in range(1, NS):
            acc = acc + colbuf[r, pl.ds(k * L, L)]
        deg = acc + 1.0
        iv = plsc.bitcast(deg, jnp.int32)
        y = plsc.bitcast(jnp.int32(0x5F3759DF) - (iv >> 1), jnp.float32)
        for _ in range(3):
            y = y * (1.5 - 0.5 * deg * y * y)
        disv[pl.ds(k * L, L)] = y
        return 0
    lax.fori_loop(0, COLS // L, red, 0)

    @pl.when((c == 0) & (s < NS - 1))
    def _():
        pltpu.sync_copy(disv, dis_hbm.at[pl.ds(s * COLS, COLS)])

    TAIL = N - (NS - 1) * COLS
    @pl.when((c == 0) & (s == NS - 1))
    def _():
        pltpu.sync_copy(disv.at[pl.ds(0, TAIL)],
                        dis_hbm.at[pl.ds((NS - 1) * COLS, TAIL)])


def _deg_kernel(dst):
    k = pl.kernel(
        _deg_body,
        out_type=jax.ShapeDtypeStruct((N,), jnp.float32),
        mesh=_mesh(),
        compiler_params=pltpu.CompilerParams(needs_layout_passes=False),
        scratch_types=[
            pltpu.VMEM((DEG_EPT,), jnp.int32),
            pltpu.VMEM((NP,), jnp.float32),
            pltpu.VMEM((NS, COLS), jnp.float32),
            pltpu.VMEM((COLS,), jnp.float32),
            pltpu.VMEM_SHARED((NS, NP), jnp.float32),
            pltpu.SemaphoreType.DMA,
        ],
    )
    return k(dst)


def _mm_body(w_ref, x_ref, dis_ref, hpt_ref):
    h = lax.dot_general(w_ref[...], x_ref[...], (((0,), (1,)), ((), ())),
                        preferred_element_type=jnp.float32)
    hpt_ref[...] = h * dis_ref[...]


def _mm_kernel(W, x, disT):
    return pl.pallas_call(
        _mm_body,
        out_shape=jax.ShapeDtypeStruct((D, N), jnp.float32),
    )(W, x, disT)


def _agg_body(hpt_hbm, src_hbm, dst_hbm, aggt_hbm,
              sb0, db0, sb1, db1, p0, p1, p2, p3, a0, a1, a2, a3,
              sem0, sem1, semp, semw):
    c = lax.axis_index("c")
    s = lax.axis_index("s")
    wid = c * NS + s
    zero16 = jnp.zeros((L,), jnp.float32)
    panels = [p0, p1, p2, p3]
    aggs = [a0, a1, a2, a3]

    def start_stage(jb, sb, db, sem):
        pltpu.make_async_copy(src_hbm.at[pl.ds(jb * EB, EB)],
                              sb.at[pl.ds(0, EB)], sem).start()
        pltpu.make_async_copy(dst_hbm.at[pl.ds(jb * EB, EB)],
                              db.at[pl.ds(0, EB)], sem).start()

    def wait_stage(sb, db, sem):
        pltpu.make_async_copy(src_hbm.at[pl.ds(0, EB)],
                              sb.at[pl.ds(0, EB)], sem).wait()
        pltpu.make_async_copy(dst_hbm.at[pl.ds(0, EB)],
                              db.at[pl.ds(0, EB)], sem).wait()

    def compute(sb, db):
        n = EB // L
        s0 = sb[pl.ds(0, L)]
        d0 = db[pl.ds(0, L)]
        s1 = sb[pl.ds(L, L)]
        d1 = db[pl.ds(L, L)]
        v0 = tuple(plsc.load_gather(panels[k], [s0]) for k in range(PW))

        def body(i, carry):
            s_cur, d_cur, d_prev = carry[0], carry[1], carry[2]
            vs = carry[3:]
            s_next = sb[pl.ds((i + 1) * L, L)]
            d_next = db[pl.ds((i + 1) * L, L)]
            v_cur = tuple(plsc.load_gather(panels[k], [s_cur])
                          for k in range(PW))
            for k in range(PW):
                plsc.addupdate_scatter(aggs[k], [d_prev], vs[k])
            return (s_next, d_next, d_cur) + v_cur

        carry = lax.fori_loop(1, n, body, (s1, d1, d0) + v0)
        d_last, v_last = carry[2], carry[3:]
        for k in range(PW):
            plsc.addupdate_scatter(aggs[k], [d_last], v_last[k])

    for p in range(NPASS):
        cb = p * (NC * NS * PW) + wid * PW

        for r in range(PW):
            pltpu.make_async_copy(hpt_hbm.at[cb + r], panels[r], semp).start()
        if p > 0:
            pcb = (p - 1) * (NC * NS * PW) + wid * PW
            for r in range(PW):
                pltpu.make_async_copy(aggs[r], aggt_hbm.at[pcb + r],
                                      semw).wait()
        start_stage(0, sb0, db0, sem0)

        def zloop(i, _):
            for k in range(PW):
                aggs[k][pl.ds(i * L, L)] = zero16
            return 0
        lax.fori_loop(0, N // L, zloop, 0)

        for r in range(PW):
            pltpu.make_async_copy(hpt_hbm.at[cb + r], panels[r], semp).wait()

        def outer(g, _):
            j1 = 2 * g + 1
            wait_stage(sb0, db0, sem0)
            start_stage(j1, sb1, db1, sem1)
            compute(sb0, db0)
            wait_stage(sb1, db1, sem1)

            @pl.when(j1 + 1 < NCH)
            def _():
                start_stage(j1 + 1, sb0, db0, sem0)
            compute(sb1, db1)
            return 0
        lax.fori_loop(0, NCH // 2, outer, 0)

        for r in range(PW):
            pltpu.make_async_copy(aggs[r], aggt_hbm.at[cb + r], semw).start()
        if p == NPASS - 1:
            for r in range(PW):
                pltpu.make_async_copy(aggs[r], aggt_hbm.at[cb + r],
                                      semw).wait()


def _agg_kernel(hpT, src, dst):
    k = pl.kernel(
        _agg_body,
        out_type=jax.ShapeDtypeStruct((D, N), jnp.float32),
        mesh=_mesh(),
        compiler_params=pltpu.CompilerParams(needs_layout_passes=False),
        scratch_types=[
            pltpu.VMEM((EB + 2 * L,), jnp.int32),
            pltpu.VMEM((EB + 2 * L,), jnp.int32),
            pltpu.VMEM((EB + 2 * L,), jnp.int32),
            pltpu.VMEM((EB + 2 * L,), jnp.int32),
            pltpu.VMEM((N,), jnp.float32),
            pltpu.VMEM((N,), jnp.float32),
            pltpu.VMEM((N,), jnp.float32),
            pltpu.VMEM((N,), jnp.float32),
            pltpu.VMEM((N,), jnp.float32),
            pltpu.VMEM((N,), jnp.float32),
            pltpu.VMEM((N,), jnp.float32),
            pltpu.VMEM((N,), jnp.float32),
            pltpu.SemaphoreType.DMA,
            pltpu.SemaphoreType.DMA,
            pltpu.SemaphoreType.DMA,
            pltpu.SemaphoreType.DMA,
        ],
    )
    return k(hpT, src, dst)


def _ln_body(agg_ref, hp_ref, dis_ref, x_ref, b_ref, g_ref, be_ref, o_ref):
    pre = dis_ref[...] * (agg_ref[...] + hp_ref[...]) + b_ref[...]
    mu = jnp.mean(pre, axis=0, keepdims=True)
    var = jnp.mean((pre - mu) ** 2, axis=0, keepdims=True)
    y = (pre - mu) * lax.rsqrt(var + 1e-5) * g_ref[...] + be_ref[...]
    o_ref[...] = jnp.maximum(y.T + x_ref[...], 0.0)


def _ln_kernel(aggT, hpT, disT, x, b, gamma, beta):
    mspec = pl.BlockSpec((D, BN), lambda i: (0, i))
    nspec = pl.BlockSpec((BN, D), lambda i: (i, 0))
    vspec = pl.BlockSpec((D, 1), lambda i: (0, 0))
    return pl.pallas_call(
        _ln_body,
        grid=(pl.cdiv(N, BN),),
        in_specs=[mspec, mspec, pl.BlockSpec((1, BN), lambda i: (0, i)),
                  nspec, vspec, vspec, vspec],
        out_specs=nspec,
        out_shape=jax.ShapeDtypeStruct((N, D), jnp.float32),
    )(aggT, hpT, disT, x, b.reshape(D, 1), gamma.reshape(D, 1),
      beta.reshape(D, 1))


def kernel(x, edge_index, W, b, gamma, beta):
    src = edge_index[0]
    dst = edge_index[1]
    dis = _deg_kernel(dst)
    disT = dis.reshape(1, N)
    hpT = _mm_kernel(W, x, disT)
    aggT = _agg_kernel(hpT, src, dst)
    return _ln_kernel(aggT, hpT, disT, x, b, gamma, beta)

# --- scband reference (transcript-rebuilt; emitter-appended) ---
"""Pipeline reference for scband-residual-gcnlayer-10746008174754 (READ-ONLY COPY).

The authoritative reference and input builder live on the scoring server;
editing this copy changes nothing except your own understanding.
"""

import jax, jax.numpy as jnp
import numpy as np

N = 10000
E = 160000
D = 256


def setup_inputs(seed: int = 0) -> dict:
    key = jax.random.key(seed)
    k1, k2, k3 = jax.random.split(key, 3)
    x = jax.random.normal(k1, (N, D), dtype=jnp.float32)
    edge_index = jax.random.randint(k2, (2, E), 0, N, dtype=jnp.int32)
    # GCNConv weight [in, out] + bias (glorot-ish init)
    W = jax.random.normal(k3, (D, D), dtype=jnp.float32) * (1.0 / np.sqrt(D))
    b = jnp.zeros((D,), dtype=jnp.float32)
    # LayerNorm params
    gamma = jnp.ones((D,), dtype=jnp.float32)
    beta = jnp.zeros((D,), dtype=jnp.float32)
    return {"x": x, "edge_index": edge_index, "W": W, "b": b, "gamma": gamma, "beta": beta}


def reference(x, edge_index, W, b, gamma, beta):
    n = x.shape[0]
    # GCNConv: add self-loops, symmetric normalization, linear transform, scatter-add
    loop = jnp.arange(n, dtype=edge_index.dtype)
    src = jnp.concatenate([edge_index[0], loop])
    dst = jnp.concatenate([edge_index[1], loop])
    deg = jnp.zeros((n,), dtype=x.dtype).at[dst].add(1.0)
    deg_inv_sqrt = jnp.where(deg > 0, 1.0 / jnp.sqrt(deg), 0.0)
    norm = deg_inv_sqrt[src] * deg_inv_sqrt[dst]
    h = x @ W
    msgs = h[src] * norm[:, None]
    out = jnp.zeros_like(h).at[dst].add(msgs) + b
    # LayerNorm over last dim
    mu = out.mean(axis=-1, keepdims=True)
    var = ((out - mu) ** 2).mean(axis=-1, keepdims=True)
    out = (out - mu) / jnp.sqrt(var + 1e-5) * gamma + beta
    # Dropout(0.1) in eval mode -> identity
    # Residual (in_channels == out_channels so no projection) + ReLU
    out = out + x
    return jax.nn.relu(out)

if __name__ == "__main__":
    import jax
    _d = setup_inputs()
    print(jax.jit(kernel)(*tuple(_d.values())))

</pallas_src>

<mosaic_0001>
#map = affine_map<(d0, d1) -> (0, 0)>
#map1 = affine_map<(d0, d1) -> (0)>
module attributes {stable_mosaic.version = 14 : i64} {
  func.func @_agg_body(%arg0: i32, %arg1: i32, %arg2: memref<256x10000xf32, #tpu.memory_space<hbm>>, %arg3: memref<160000xi32, #tpu.memory_space<hbm>>, %arg4: memref<160000xi32, #tpu.memory_space<hbm>>, %arg5: memref<256x10000xf32, #tpu.memory_space<hbm>>, %arg6: memref<3232xi32, #tpu.memory_space<vmem>>, %arg7: memref<3232xi32, #tpu.memory_space<vmem>>, %arg8: memref<3232xi32, #tpu.memory_space<vmem>>, %arg9: memref<3232xi32, #tpu.memory_space<vmem>>, %arg10: memref<10000xf32, #tpu.memory_space<vmem>>, %arg11: memref<10000xf32, #tpu.memory_space<vmem>>, %arg12: memref<10000xf32, #tpu.memory_space<vmem>>, %arg13: memref<10000xf32, #tpu.memory_space<vmem>>, %arg14: memref<10000xf32, #tpu.memory_space<vmem>>, %arg15: memref<10000xf32, #tpu.memory_space<vmem>>, %arg16: memref<10000xf32, #tpu.memory_space<vmem>>, %arg17: memref<10000xf32, #tpu.memory_space<vmem>>, %arg18: memref<!tpu.dma_semaphore, #tpu.memory_space<semaphore_mem>>, %arg19: memref<!tpu.dma_semaphore, #tpu.memory_space<semaphore_mem>>, %arg20: memref<!tpu.dma_semaphore, #tpu.memory_space<semaphore_mem>>, %arg21: memref<!tpu.dma_semaphore, #tpu.memory_space<semaphore_mem>>) attributes {dimension_semantics = [#tpu.dimension_semantics<core_parallel>, #tpu.dimension_semantics<subcore_parallel>], iteration_bounds = array<i64: 2, 16>, scalar_prefetch = 0 : i64, scratch_operands = 16 : i64, tpu.core_type = #tpu.core_type<sc_vector_subcore>, window_params = [{transform_indices = #map}, {transform_indices = #map1}, {transform_indices = #map1}, {transform_indices = #map}]} {
    %mul3A = arith.constant 16 : i32
    %mul3A_0 = arith.muli %arg0, %mul3A : i32
    %add3A = arith.addi %mul3A_0, %arg1 : i32
    %broadcast_in_dim3A = arith.constant 0.000000e+00 : f32
    %broadcast_in_dim3A_1 = vector.broadcast %broadcast_in_dim3A : f32 to vector<16xf32>
    %mul3A_2 = arith.constant 4 : i32
    %mul3A_3 = arith.muli %add3A, %mul3A_2 : i32
    %add3A_4 = arith.constant 0 : i32
    %add3A_5 = arith.addi %add3A_4, %mul3A_3 : i32
    %add3A_6 = arith.constant 0 : i32
    %add3A_7 = arith.addi %add3A_5, %add3A_6 : i32
    %dma_start3A = arith.constant 0 : i32
    %dma_start3A_8 = tpu.memref_slice %arg2[%add3A_7, %dma_start3A] : memref<256x10000xf32, #tpu.memory_space<hbm>> -> memref<1x10000xf32, #tpu.memory_space<hbm>>
    %dma_start3A_9 = tpu.memref_squeeze %dma_start3A_8 : memref<1x10000xf32, #tpu.memory_space<hbm>> -> memref<10000xf32, #tpu.memory_space<hbm>>
    %dma_start3A_10 = arith.constant 0 : i32
    %dma_start3A_11 = tpu.memref_slice %arg2[%add3A_7, %dma_start3A_10] : memref<256x10000xf32, #tpu.memory_space<hbm>> -> memref<1x10000xf32, #tpu.memory_space<hbm>>
    %dma_start3A_12 = tpu.memref_squeeze %dma_start3A_11 : memref<1x10000xf32, #tpu.memory_space<hbm>> -> memref<10000xf32, #tpu.memory_space<hbm>>
    tpu.enqueue_dma source(%dma_start3A_12 : memref<10000xf32, #tpu.memory_space<hbm>>) target(%arg10 : memref<10000xf32, #tpu.memory_space<vmem>>) target_semaphore(%arg20 : memref<!tpu.dma_semaphore, #tpu.memory_space<semaphore_mem>>)
    %add3A_13 = arith.constant 1 : i32
    %add3A_14 = arith.addi %add3A_5, %add3A_13 : i32
    %dma_start3A_15 = arith.constant 0 : i32
    %dma_start3A_16 = tpu.memref_slice %arg2[%add3A_14, %dma_start3A_15] : memref<256x10000xf32, #tpu.memory_space<hbm>> -> memref<1x10000xf32, #tpu.memory_space<hbm>>
    %dma_start3A_17 = tpu.memref_squeeze %dma_start3A_16 : memref<1x10000xf32, #tpu.memory_space<hbm>> -> memref<10000xf32, #tpu.memory_space<hbm>>
    %dma_start3A_18 = arith.constant 0 : i32
    %dma_start3A_19 = tpu.memref_slice %arg2[%add3A_14, %dma_start3A_18] : memref<256x10000xf32, #tpu.memory_space<hbm>> -> memref<1x10000xf32, #tpu.memory_space<hbm>>
    %dma_start3A_20 = tpu.memref_squeeze %dma_start3A_19 : memref<1x10000xf32, #tpu.memory_space<hbm>> -> memref<10000xf32, #tpu.memory_space<hbm>>
    tpu.enqueue_dma source(%dma_start3A_20 : memref<10000xf32, #tpu.memory_space<hbm>>) target(%arg11 : memref<10000xf32, #tpu.memory_space<vmem>>) target_semaphore(%arg20 : memref<!tpu.dma_semaphore, #tpu.memory_space<semaphore_mem>>)
    %add3A_21 = arith.constant 2 : i32
    %add3A_22 = arith.addi %add3A_5, %add3A_21 : i32
    %dma_start3A_23 = arith.constant 0 : i32
    %dma_start3A_24 = tpu.memref_slice %arg2[%add3A_22, %dma_start3A_23] : memref<256x10000xf32, #tpu.memory_space<hbm>> -> memref<1x10000xf32, #tpu.memory_space<hbm>>
    %dma_start3A_25 = tpu.memref_squeeze %dma_start3A_24 : memref<1x10000xf32, #tpu.memory_space<hbm>> -> memref<10000xf32, #tpu.memory_space<hbm>>
    %dma_start3A_26 = arith.constant 0 : i32
    %dma_start3A_27 = tpu.memref_slice %arg2[%add3A_22, %dma_start3A_26] : memref<256x10000xf32, #tpu.memory_space<hbm>> -> memref<1x10000xf32, #tpu.memory_space<hbm>>
    %dma_start3A_28 = tpu.memref_squeeze %dma_start3A_27 : memref<1x10000xf32, #tpu.memory_space<hbm>> -> memref<10000xf32, #tpu.memory_space<hbm>>
    tpu.enqueue_dma source(%dma_start3A_28 : memref<10000xf32, #tpu.memory_space<hbm>>) target(%arg12 : memref<10000xf32, #tpu.memory_space<vmem>>) target_semaphore(%arg20 : memref<!tpu.dma_semaphore, #tpu.memory_space<semaphore_mem>>)
    %add3A_29 = arith.constant 3 : i32
    %add3A_30 = arith.addi %add3A_5, %add3A_29 : i32
    %dma_start3A_31 = arith.constant 0 : i32
    %dma_start3A_32 = tpu.memref_slice %arg2[%add3A_30, %dma_start3A_31] : memref<256x10000xf32, #tpu.memory_space<hbm>> -> memref<1x10000xf32, #tpu.memory_space<hbm>>
    %dma_start3A_33 = tpu.memref_squeeze %dma_start3A_32 : memref<1x10000xf32, #tpu.memory_space<hbm>> -> memref<10000xf32, #tpu.memory_space<hbm>>
    %dma_start3A_34 = arith.constant 0 : i32
    %dma_start3A_35 = tpu.memref_slice %arg2[%add3A_30, %dma_start3A_34] : memref<256x10000xf32, #tpu.memory_space<hbm>> -> memref<1x10000xf32, #tpu.memory_space<hbm>>
    %dma_start3A_36 = tpu.memref_squeeze %dma_start3A_35 : memref<1x10000xf32, #tpu.memory_space<hbm>> -> memref<10000xf32, #tpu.memory_space<hbm>>
    tpu.enqueue_dma source(%dma_start3A_36 : memref<10000xf32, #tpu.memory_space<hbm>>) target(%arg13 : memref<10000xf32, #tpu.memory_space<vmem>>) target_semaphore(%arg20 : memref<!tpu.dma_semaphore, #tpu.memory_space<semaphore_mem>>)
    %dma_start3A_37 = arith.constant 0 : i32
    %dma_start3A_38 = tpu.memref_slice %arg6[%dma_start3A_37] : memref<3232xi32, #tpu.memory_space<vmem>> -> memref<3200xi32, #tpu.memory_space<vmem>>
    %dma_start3A_39 = arith.constant 0 : i32
    %dma_start3A_40 = tpu.memref_slice %arg3[%dma_start3A_39] : memref<160000xi32, #tpu.memory_space<hbm>> -> memref<3200xi32, #tpu.memory_space<hbm>>
    %dma_start3A_41 = arith.constant 0 : i32
    %dma_start3A_42 = tpu.memref_slice %arg6[%dma_start3A_41] : memref<3232xi32, #tpu.memory_space<vmem>> -> memref<3200xi32, #tpu.memory_space<vmem>>
    %dma_start3A_43 = arith.constant 0 : i32
    %dma_start3A_44 = tpu.memref_slice %arg3[%dma_start3A_43] : memref<160000xi32, #tpu.memory_space<hbm>> -> memref<3200xi32, #tpu.memory_space<hbm>>
    tpu.enqueue_dma source(%dma_start3A_44 : memref<3200xi32, #tpu.memory_space<hbm>>) target(%dma_start3A_42 : memref<3200xi32, #tpu.memory_space<vmem>>) target_semaphore(%arg18 : memref<!tpu.dma_semaphore, #tpu.memory_space<semaphore_mem>>)
    %dma_start3A_45 = arith.constant 0 : i32
    %dma_start3A_46 = tpu.memref_slice %arg7[%dma_start3A_45] : memref<3232xi32, #tpu.memory_space<vmem>> -> memref<3200xi32, #tpu.memory_space<vmem>>
    %dma_start3A_47 = arith.constant 0 : i32
    %dma_start3A_48 = tpu.memref_slice %arg4[%dma_start3A_47] : memref<160000xi32, #tpu.memory_space<hbm>> -> memref<3200xi32, #tpu.memory_space<hbm>>
    %dma_start3A_49 = arith.constant 0 : i32
    %dma_start3A_50 = tpu.memref_slice %arg7[%dma_start3A_49] : memref<3232xi32, #tpu.memory_space<vmem>> -> memref<3200xi32, #tpu.memory_space<vmem>>
    %dma_start3A_51 = arith.constant 0 : i32
    %dma_start3A_52 = tpu.memref_slice %arg4[%dma_start3A_51] : memref<160000xi32, #tpu.memory_space<hbm>> -> memref<3200xi32, #tpu.memory_space<hbm>>
    tpu.enqueue_dma source(%dma_start3A_52 : memref<3200xi32, #tpu.memory_space<hbm>>) target(%dma_start3A_50 : memref<3200xi32, #tpu.memory_space<vmem>>) target_semaphore(%arg18 : memref<!tpu.dma_semaphore, #tpu.memory_space<semaphore_mem>>)
    %scan3A = arith.constant 0 : i32
    %scan3A_53 = arith.constant 0 : i32
    %scan3A_54 = arith.constant 625 : i32
    %scan3A_55 = arith.addi %scan3A_53, %scan3A_54 : i32
    %scan3A_56 = arith.constant 1 : i32
    %scan3A_57 = scf.for %scan3A_327 = %scan3A_53 to %scan3A_55 step %scan3A_56 iter_args(%scan3A_328 = %scan3A) -> (i32)  : i32 {
      %mul3A_329 = arith.constant 16 : i32
      %mul3A_330 = arith.muli %scan3A_327, %mul3A_329 : i32
      %swap3A = arith.index_cast %mul3A_330 : i32 to index
      %swap3A_331 = tpu.vector_load %arg14[%swap3A] {strides = array<i32>} : memref<10000xf32, #tpu.memory_space<vmem>>, vector<16xf32>,
      tpu.vector_store %arg14[%swap3A], %broadcast_in_dim3A_1 {strides = array<i32>} : memref<10000xf32, #tpu.memory_space<vmem>>, vector<16xf32>,
      %mul3A_332 = arith.constant 16 : i32
      %mul3A_333 = arith.muli %scan3A_327, %mul3A_332 : i32
      %swap3A_334 = arith.index_cast %mul3A_333 : i32 to index
      %swap3A_335 = tpu.vector_load %arg15[%swap3A_334] {strides = array<i32>} : memref<10000xf32, #tpu.memory_space<vmem>>, vector<16xf32>,
      tpu.vector_store %arg15[%swap3A_334], %broadcast_in_dim3A_1 {strides = array<i32>} : memref<10000xf32, #tpu.memory_space<vmem>>, vector<16xf32>,
      %mul3A_336 = arith.constant 16 : i32
      %mul3A_337 = arith.muli %scan3A_327, %mul3A_336 : i32
      %swap3A_338 = arith.index_cast %mul3A_337 : i32 to index
      %swap3A_339 = tpu.vector_load %arg16[%swap3A_338] {strides = array<i32>} : memref<10000xf32, #tpu.memory_space<vmem>>, vector<16xf32>,
      tpu.vector_store %arg16[%swap3A_338], %broadcast_in_dim3A_1 {strides = array<i32>} : memref<10000xf32, #tpu.memory_space<vmem>>, vector<16xf32>,
      %mul3A_340 = arith.constant 16 : i32
      %mul3A_341 = arith.muli %scan3A_327, %mul3A_340 : i32
      %swap3A_342 = arith.index_cast %mul3A_341 : i32 to index
      %swap3A_343 = tpu.vector_load %arg17[%swap3A_342] {strides = array<i32>} : memref<10000xf32, #tpu.memory_space<vmem>>, vector<16xf32>,
      tpu.vector_store %arg17[%swap3A_342], %broadcast_in_dim3A_1 {strides = array<i32>} : memref<10000xf32, #tpu.memory_space<vmem>>, vector<16xf32>,
      %scan3A_344 = arith.constant 0 : i32
      scf.yield %scan3A_344 : i32
    }
    %scan3A_58 = arith.constant 625 : i32
    %add3A_59 = arith.constant 0 : i32
    %add3A_60 = arith.addi %add3A_5, %add3A_59 : i32
    %dma_wait3A = arith.constant 0 : i32
    %dma_wait3A_61 = tpu.memref_slice %arg2[%add3A_60, %dma_wait3A] : memref<256x10000xf32, #tpu.memory_space<hbm>> -> memref<1x10000xf32, #tpu.memory_space<hbm>>
    %dma_wait3A_62 = tpu.memref_squeeze %dma_wait3A_61 : memref<1x10000xf32, #tpu.memory_space<hbm>> -> memref<10000xf32, #tpu.memory_space<hbm>>
    %dma_wait3A_63 = arith.constant 0 : i32
    %dma_wait3A_64 = tpu.memref_slice %arg2[%add3A_60, %dma_wait3A_63] : memref<256x10000xf32, #tpu.memory_space<hbm>> -> memref<1x10000xf32, #tpu.memory_space<hbm>>
    %dma_wait3A_65 = tpu.memref_squeeze %dma_wait3A_64 : memref<1x10000xf32, #tpu.memory_space<hbm>> -> memref<10000xf32, #tpu.memory_space<hbm>>
    tpu.wait_dma2 semaphore(%arg20 : memref<!tpu.dma_semaphore, #tpu.memory_space<semaphore_mem>>) src(%dma_wait3A_65 : memref<10000xf32, #tpu.memory_space<hbm>>) dst(%arg10 : memref<10000xf32, #tpu.memory_space<vmem>>)
    %add3A_66 = arith.constant 1 : i32
    %add3A_67 = arith.addi %add3A_5, %add3A_66 : i32
    %dma_wait3A_68 = arith.constant 0 : i32
    %dma_wait3A_69 = tpu.memref_slice %arg2[%add3A_67, %dma_wait3A_68] : memref<256x10000xf32, #tpu.memory_space<hbm>> -> memref<1x10000xf32, #tpu.memory_space<hbm>>
    %dma_wait3A_70 = tpu.memref_squeeze %dma_wait3A_69 : memref<1x10000xf32, #tpu.memory_space<hbm>> -> memref<10000xf32, #tpu.memory_space<hbm>>
    %dma_wait3A_71 = arith.constant 0 : i32
    %dma_wait3A_72 = tpu.memref_slice %arg2[%add3A_67, %dma_wait3A_71] : memref<256x10000xf32, #tpu.memory_space<hbm>> -> memref<1x10000xf32, #tpu.memory_space<hbm>>
    %dma_wait3A_73 = tpu.memref_squeeze %dma_wait3A_72 : memref<1x10000xf32, #tpu.memory_space<hbm>> -> memref<10000xf32, #tpu.memory_space<hbm>>
    tpu.wait_dma2 semaphore(%arg20 : memref<!tpu.dma_semaphore, #tpu.memory_space<semaphore_mem>>) src(%dma_wait3A_73 : memref<10000xf32, #tpu.memory_space<hbm>>) dst(%arg11 : memref<10000xf32, #tpu.memory_space<vmem>>)
    %add3A_74 = arith.constant 2 : i32
    %add3A_75 = arith.addi %add3A_5, %add3A_74 : i32
    %dma_wait3A_76 = arith.constant 0 : i32
    %dma_wait3A_77 = tpu.memref_slice %arg2[%add3A_75, %dma_wait3A_76] : memref<256x10000xf32, #tpu.memory_space<hbm>> -> memref<1x10000xf32, #tpu.memory_space<hbm>>
    %dma_wait3A_78 = tpu.memref_squeeze %dma_wait3A_77 : memref<1x10000xf32, #tpu.memory_space<hbm>> -> memref<10000xf32, #tpu.memory_space<hbm>>
    %dma_wait3A_79 = arith.constant 0 : i32
    %dma_wait3A_80 = tpu.memref_slice %arg2[%add3A_75, %dma_wait3A_79] : memref<256x10000xf32, #tpu.memory_space<hbm>> -> memref<1x10000xf32, #tpu.memory_space<hbm>>
    %dma_wait3A_81 = tpu.memref_squeeze %dma_wait3A_80 : memref<1x10000xf32, #tpu.memory_space<hbm>> -> memref<10000xf32, #tpu.memory_space<hbm>>
    tpu.wait_dma2 semaphore(%arg20 : memref<!tpu.dma_semaphore, #tpu.memory_space<semaphore_mem>>) src(%dma_wait3A_81 : memref<10000xf32, #tpu.memory_space<hbm>>) dst(%arg12 : memref<10000xf32, #tpu.memory_space<vmem>>)
    %add3A_82 = arith.constant 3 : i32
    %add3A_83 = arith.addi %add3A_5, %add3A_82 : i32
    %dma_wait3A_84 = arith.constant 0 : i32
    %dma_wait3A_85 = tpu.memref_slice %arg2[%add3A_83, %dma_wait3A_84] : memref<256x10000xf32, #tpu.memory_space<hbm>> -> memref<1x10000xf32, #tpu.memory_space<hbm>>
    %dma_wait3A_86 = tpu.memref_squeeze %dma_wait3A_85 : memref<1x10000xf32, #tpu.memory_space<hbm>> -> memref<10000xf32, #tpu.memory_space<hbm>>
    %dma_wait3A_87 = arith.constant 0 : i32
    %dma_wait3A_88 = tpu.memref_slice %arg2[%add3A_83, %dma_wait3A_87] : memref<256x10000xf32, #tpu.memory_space<hbm>> -> memref<1x10000xf32, #tpu.memory_space<hbm>>
    %dma_wait3A_89 = tpu.memref_squeeze %dma_wait3A_88 : memref<1x10000xf32, #tpu.memory_space<hbm>> -> memref<10000xf32, #tpu.memory_space<hbm>>
    tpu.wait_dma2 semaphore(%arg20 : memref<!tpu.dma_semaphore, #tpu.memory_space<semaphore_mem>>) src(%dma_wait3A_89 : memref<10000xf32, #tpu.memory_space<hbm>>) dst(%arg13 : memref<10000xf32, #tpu.memory_space<vmem>>)
    %scan3A_90 = arith.constant 0 : i32
    %scan3A_91 = arith.constant 0 : i32
    %scan3A_92 = arith.constant 25 : i32
    %scan3A_93 = arith.addi %scan3A_91, %scan3A_92 : i32
    %scan3A_94 = arith.constant 1 : i32
    %scan3A_95 = scf.for %scan3A_327 = %scan3A_91 to %scan3A_93 step %scan3A_94 iter_args(%scan3A_328 = %scan3A_90) -> (i32)  : i32 {
      %mul3A_329 = arith.constant 2 : i32
      %mul3A_330 = arith.muli %mul3A_329, %scan3A_327 : i32
      %add3A_331 = arith.constant 1 : i32
      %add3A_332 = arith.addi %mul3A_330, %add3A_331 : i32
      %dma_wait3A_333 = arith.constant 0 : i32
      %dma_wait3A_334 = tpu.memref_slice %arg6[%dma_wait3A_333] : memref<3232xi32, #tpu.memory_space<vmem>> -> memref<3200xi32, #tpu.memory_space<vmem>>
      %dma_wait3A_335 = arith.constant 0 : i32
      %dma_wait3A_336 = tpu.memref_slice %arg3[%dma_wait3A_335] : memref<160000xi32, #tpu.memory_space<hbm>> -> memref<3200xi32, #tpu.memory_space<hbm>>
      %dma_wait3A_337 = arith.constant 0 : i32
      %dma_wait3A_338 = tpu.memref_slice %arg6[%dma_wait3A_337] : memref<3232xi32, #tpu.memory_space<vmem>> -> memref<3200xi32, #tpu.memory_space<vmem>>
      %dma_wait3A_339 = arith.constant 0 : i32
      %dma_wait3A_340 = tpu.memref_slice %arg3[%dma_wait3A_339] : memref<160000xi32, #tpu.memory_space<hbm>> -> memref<3200xi32, #tpu.memory_space<hbm>>
      tpu.wait_dma2 semaphore(%arg18 : memref<!tpu.dma_semaphore, #tpu.memory_space<semaphore_mem>>) src(%dma_wait3A_340 : memref<3200xi32, #tpu.memory_space<hbm>>) dst(%dma_wait3A_338 : memref<3200xi32, #tpu.memory_space<vmem>>)
      %dma_wait3A_341 = arith.constant 0 : i32
      %dma_wait3A_342 = tpu.memref_slice %arg7[%dma_wait3A_341] : memref<3232xi32, #tpu.memory_space<vmem>> -> memref<3200xi32, #tpu.memory_space<vmem>>
      %dma_wait3A_343 = arith.constant 0 : i32
      %dma_wait3A_344 = tpu.memref_slice %arg4[%dma_wait3A_343] : memref<160000xi32, #tpu.memory_space<hbm>> -> memref<3200xi32, #tpu.memory_space<hbm>>
      %dma_wait3A_345 = arith.constant 0 : i32
      %dma_wait3A_346 = tpu.memref_slice %arg7[%dma_wait3A_345] : memref<3232xi32, #tpu.memory_space<vmem>> -> memref<3200xi32, #tpu.memory_space<vmem>>
      %dma_wait3A_347 = arith.constant 0 : i32
      %dma_wait3A_348 = tpu.memref_slice %arg4[%dma_wait3A_347] : memref<160000xi32, #tpu.memory_space<hbm>> -> memref<3200xi32, #tpu.memory_space<hbm>>
      tpu.wait_dma2 semaphore(%arg18 : memref<!tpu.dma_semaphore, #tpu.memory_space<semaphore_mem>>) src(%dma_wait3A_348 : memref<3200xi32, #tpu.memory_space<hbm>>) dst(%dma_wait3A_346 : memref<3200xi32, #tpu.memory_space<vmem>>)
      %mul3A_349 = arith.constant 3200 : i32
      %mul3A_350 = arith.muli %add3A_332, %mul3A_349 : i32
      %dma_start3A_351 = arith.constant 0 : i32
      %dma_start3A_352 = tpu.memref_slice %arg8[%dma_start3A_351] : memref<3232xi32, #tpu.memory_space<vmem>> -> memref<3200xi32, #tpu.memory_space<vmem>>
      %dma_start3A_353 = tpu.memref_slice %arg3[%mul3A_350] : memref<160000xi32, #tpu.memory_space<hbm>> -> memref<3200xi32, #tpu.memory_space<hbm>>
      %dma_start3A_354 = arith.constant 0 : i32
      %dma_start3A_355 = tpu.memref_slice %arg8[%dma_start3A_354] : memref<3232xi32, #tpu.memory_space<vmem>> -> memref<3200xi32, #tpu.memory_space<vmem>>
      %dma_start3A_356 = tpu.memref_slice %arg3[%mul3A_350] : memref<160000xi32, #tpu.memory_space<hbm>> -> memref<3200xi32, #tpu.memory_space<hbm>>
      tpu.enqueue_dma source(%dma_start3A_356 : memref<3200xi32, #tpu.memory_space<hbm>>) target(%dma_start3A_355 : memref<3200xi32, #tpu.memory_space<vmem>>) target_semaphore(%arg19 : memref<!tpu.dma_semaphore, #tpu.memory_space<semaphore_mem>>)
      %mul3A_357 = arith.constant 3200 : i32
      %mul3A_358 = arith.muli %add3A_332, %mul3A_357 : i32
      %dma_start3A_359 = arith.constant 0 : i32
      %dma_start3A_360 = tpu.memref_slice %arg9[%dma_start3A_359] : memref<3232xi32, #tpu.memory_space<vmem>> -> memref<3200xi32, #tpu.memory_space<vmem>>
      %dma_start3A_361 = tpu.memref_slice %arg4[%mul3A_358] : memref<160000xi32, #tpu.memory_space<hbm>> -> memref<3200xi32, #tpu.memory_space<hbm>>
      %dma_start3A_362 = arith.constant 0 : i32
      %dma_start3A_363 = tpu.memref_slice %arg9[%dma_start3A_362] : memref<3232xi32, #tpu.memory_space<vmem>> -> memref<3200xi32, #tpu.memory_space<vmem>>
      %dma_start3A_364 = tpu.memref_slice %arg4[%mul3A_358] : memref<160000xi32, #tpu.memory_space<hbm>> -> memref<3200xi32, #tpu.memory_space<hbm>>
      tpu.enqueue_dma source(%dma_start3A_364 : memref<3200xi32, #tpu.memory_space<hbm>>) target(%dma_start3A_363 : memref<3200xi32, #tpu.memory_space<vmem>>) target_semaphore(%arg19 : memref<!tpu.dma_semaphore, #tpu.memory_space<semaphore_mem>>)
      %get3A = arith.constant 0 : index
      %get3A_365 = tpu.vector_load %arg6[%get3A] {strides = array<i32>} : memref<3232xi32, #tpu.memory_space<vmem>>, vector<16xi32>,
      %get3A_366 = arith.constant 0 : index
      %get3A_367 = tpu.vector_load %arg7[%get3A_366] {strides = array<i32>} : memref<3232xi32, #tpu.memory_space<vmem>>, vector<16xi32>,
      %get3A_368 = arith.constant 16 : index
      %get3A_369 = tpu.vector_load %arg6[%get3A_368] {strides = array<i32>} : memref<3232xi32, #tpu.memory_space<vmem>>, vector<16xi32>,
      %get3A_370 = arith.constant 16 : index
      %get3A_371 = tpu.vector_load %arg7[%get3A_370] {strides = array<i32>} : memref<3232xi32, #tpu.memory_space<vmem>>, vector<16xi32>,
      %gather3A = tpu.vector_load_idx %arg10[%get3A_365] : memref<10000xf32, #tpu.memory_space<vmem>>[vector<16xi32>], vector<16xf32>,
      %gather3A_372 = tpu.vector_load_idx %arg11[%get3A_365] : memref<10000xf32, #tpu.memory_space<vmem>>[vector<16xi32>], vector<16xf32>,
      %gather3A_373 = tpu.vector_load_idx %arg12[%get3A_365] : memref<10000xf32, #tpu.memory_space<vmem>>[vector<16xi32>], vector<16xf32>,
      %gather3A_374 = tpu.vector_load_idx %arg13[%get3A_365] : memref<10000xf32, #tpu.memory_space<vmem>>[vector<16xi32>], vector<16xf32>,
      %scan3A_375 = arith.constant 1 : i32
      %scan3A_376 = arith.constant 199 : i32
      %scan3A_377 = arith.addi %scan3A_375, %scan3A_376 : i32
      %scan3A_378 = arith.constant 1 : i32
      %scan3A_379:7 = scf.for %scan3A_420 = %scan3A_375 to %scan3A_377 step %scan3A_378 iter_args(%scan3A_421 = %get3A_369, %scan3A_422 = %get3A_371, %scan3A_423 = %get3A_367, %scan3A_424 = %gather3A, %scan3A_425 = %gather3A_372, %scan3A_426 = %gather3A_373, %scan3A_427 = %gather3A_374) -> (vector<16xi32>, vector<16xi32>, vector<16xi32>, vector<16xf32>, vector<16xf32>, vector<16xf32>, vector<16xf32>)  : i32 {
        %add3A_428 = arith.constant 1 : i32
        %add3A_429 = arith.addi %scan3A_420, %add3A_428 : i32
        %mul3A_430 = arith.constant 16 : i32
        %mul3A_431 = arith.muli %add3A_429, %mul3A_430 : i32
        %get3A_432 = arith.index_cast %mul3A_431 : i32 to index
        %get3A_433 = tpu.vector_load %arg6[%get3A_432] {strides = array<i32>} : memref<3232xi32, #tpu.memory_space<vmem>>, vector<16xi32>,
        %add3A_434 = arith.constant 1 : i32
        %add3A_435 = arith.addi %scan3A_420, %add3A_434 : i32
        %mul3A_436 = arith.constant 16 : i32
        %mul3A_437 = arith.muli %add3A_435, %mul3A_436 : i32
        %get3A_438 = arith.index_cast %mul3A_437 : i32 to index
        %get3A_439 = tpu.vector_load %arg7[%get3A_438] {strides = array<i32>} : memref<3232xi32, #tpu.memory_space<vmem>>, vector<16xi32>,
        %gather3A_440 = tpu.vector_load_idx %arg10[%scan3A_421] : memref<10000xf32, #tpu.memory_space<vmem>>[vector<16xi32>], vector<16xf32>,
        %gather3A_441 = tpu.vector_load_idx %arg11[%scan3A_421] : memref<10000xf32, #tpu.memory_space<vmem>>[vector<16xi32>], vector<16xf32>,
        %gather3A_442 = tpu.vector_load_idx %arg12[%scan3A_421] : memref<10000xf32, #tpu.memory_space<vmem>>[vector<16xi32>], vector<16xf32>,
        %gather3A_443 = tpu.vector_load_idx %arg13[%scan3A_421] : memref<10000xf32, #tpu.memory_space<vmem>>[vector<16xi32>], vector<16xf32>,
        tpu.vector_store_idx %arg14[%scan3A_423], %scan3A_424 {add = true} : memref<10000xf32, #tpu.memory_space<vmem>>[vector<16xi32>], vector<16xf32>,
        tpu.vector_store_idx %arg15[%scan3A_423], %scan3A_425 {add = true} : memref<10000xf32, #tpu.memory_space<vmem>>[vector<16xi32>], vector<16xf32>,
        tpu.vector_store_idx %arg16[%scan3A_423], %scan3A_426 {add = true} : memref<10000xf32, #tpu.memory_space<vmem>>[vector<16xi32>], vector<16xf32>,
        tpu.vector_store_idx %arg17[%scan3A_423], %scan3A_427 {add = true} : memref<10000xf32, #tpu.memory_space<vmem>>[vector<16xi32>], vector<16xf32>,
        scf.yield %get3A_433, %get3A_439, %scan3A_422, %gather3A_440, %gather3A_441, %gather3A_442, %gather3A_443 : vector<16xi32>, vector<16xi32>, vector<16xi32>, vector<16xf32>, vector<16xf32>, vector<16xf32>, vector<16xf32>
      }
      %scan3A_380 = arith.constant 199 : i32
      tpu.vector_store_idx %arg14[%scan3A_379#2], %scan3A_379#3 {add = true} : memref<10000xf32, #tpu.memory_space<vmem>>[vector<16xi32>], vector<16xf32>,
      tpu.vector_store_idx %arg15[%scan3A_379#2], %scan3A_379#4 {add = true} : memref<10000xf32, #tpu.memory_space<vmem>>[vector<16xi32>], vector<16xf32>,
      tpu.vector_store_idx %arg16[%scan3A_379#2], %scan3A_379#5 {add = true} : memref<10000xf32, #tpu.memory_space<vmem>>[vector<16xi32>], vector<16xf32>,
      tpu.vector_store_idx %arg17[%scan3A_379#2], %scan3A_379#6 {add = true} : memref<10000xf32, #tpu.memory_space<vmem>>[vector<16xi32>], vector<16xf32>,
      %dma_wait3A_381 = arith.constant 0 : i32
      %dma_wait3A_382 = tpu.memref_slice %arg8[%dma_wait3A_381] : memref<3232xi32, #tpu.memory_space<vmem>> -> memref<3200xi32, #tpu.memory_space<vmem>>
      %dma_wait3A_383 = arith.constant 0 : i32
      %dma_wait3A_384 = tpu.memref_slice %arg3[%dma_wait3A_383] : memref<160000xi32, #tpu.memory_space<hbm>> -> memref<3200xi32, #tpu.memory_space<hbm>>
      %dma_wait3A_385 = arith.constant 0 : i32
      %dma_wait3A_386 = tpu.memref_slice %arg8[%dma_wait3A_385] : memref<3232xi32, #tpu.memory_space<vmem>> -> memref<3200xi32, #tpu.memory_space<vmem>>
      %dma_wait3A_387 = arith.constant 0 : i32
      %dma_wait3A_388 = tpu.memref_slice %arg3[%dma_wait3A_387] : memref<160000xi32, #tpu.memory_space<hbm>> -> memref<3200xi32, #tpu.memory_space<hbm>>
      tpu.wait_dma2 semaphore(%arg19 : memref<!tpu.dma_semaphore, #tpu.memory_space<semaphore_mem>>) src(%dma_wait3A_388 : memref<3200xi32, #tpu.memory_space<hbm>>) dst(%dma_wait3A_386 : memref<3200xi32, #tpu.memory_space<vmem>>)
      %dma_wait3A_389 = arith.constant 0 : i32
      %dma_wait3A_390 = tpu.memref_slice %arg9[%dma_wait3A_389] : memref<3232xi32, #tpu.memory_space<vmem>> -> memref<3200xi32, #tpu.memory_space<vmem>>
      %dma_wait3A_391 = arith.constant 0 : i32
      %dma_wait3A_392 = tpu.memref_slice %arg4[%dma_wait3A_391] : memref<160000xi32, #tpu.memory_space<hbm>> -> memref<3200xi32, #tpu.memory_space<hbm>>
      %dma_wait3A_393 = arith.constant 0 : i32
      %dma_wait3A_394 = tpu.memref_slice %arg9[%dma_wait3A_393] : memref<3232xi32, #tpu.memory_space<vmem>> -> memref<3200xi32, #tpu.memory_space<vmem>>
      %dma_wait3A_395 = arith.constant 0 : i32
      %dma_wait3A_396 = tpu.memref_slice %arg4[%dma_wait3A_395] : memref<160000xi32, #tpu.memory_space<hbm>> -> memref<3200xi32, #tpu.memory_space<hbm>>
      tpu.wait_dma2 semaphore(%arg19 : memref<!tpu.dma_semaphore, #tpu.memory_space<semaphore_mem>>) src(%dma_wait3A_396 : memref<3200xi32, #tpu.memory_space<hbm>>) dst(%dma_wait3A_394 : memref<3200xi32, #tpu.memory_space<vmem>>)
      %add3A_397 = arith.constant 1 : i32
      %add3A_398 = arith.addi %add3A_332, %add3A_397 : i32
      %lt3A = arith.constant 50 : i32
      %lt3A_399 = arith.cmpi slt, %add3A_398, %lt3A : i32
      %convert_element_type3A = arith.extui %lt3A_399 : i1 to i32
      %cond3A = arith.constant 0 : i32
      %cond3A_400 = arith.cmpi ne, %convert_element_type3A, %cond3A : i32
      scf.if %cond3A_400 {
        %add3A_420 = arith.constant 1 : i32
        %add3A_421 = arith.addi %add3A_332, %add3A_420 : i32
        %mul3A_422 = arith.constant 3200 : i32
        %mul3A_423 = arith.muli %add3A_421, %mul3A_422 : i32
        %dma_start3A_424 = arith.constant 0 : i32
        %dma_start3A_425 = tpu.memref_slice %arg6[%dma_start3A_424] : memref<3232xi32, #tpu.memory_space<vmem>> -> memref<3200xi32, #tpu.memory_space<vmem>>
        %dma_start3A_426 = tpu.memref_slice %arg3[%mul3A_423] : memref<160000xi32, #tpu.memory_space<hbm>> -> memref<3200xi32, #tpu.memory_space<hbm>>
        %dma_start3A_427 = arith.constant 0 : i32
        %dma_start3A_428 = tpu.memref_slice %arg6[%dma_start3A_427] : memref<3232xi32, #tpu.memory_space<vmem>> -> memref<3200xi32, #tpu.memory_space<vmem>>
        %dma_start3A_429 = tpu.memref_slice %arg3[%mul3A_423] : memref<160000xi32, #tpu.memory_space<hbm>> -> memref<3200xi32, #tpu.memory_space<hbm>>
        tpu.enqueue_dma source(%dma_start3A_429 : memref<3200xi32, #tpu.memory_space<hbm>>) target(%dma_start3A_428 : memref<3200xi32, #tpu.memory_space<vmem>>) target_semaphore(%arg18 : memref<!tpu.dma_semaphore, #tpu.memory_space<semaphore_mem>>)
        %mul3A_430 = arith.constant 3200 : i32
        %mul3A_431 = arith.muli %add3A_421, %mul3A_430 : i32
        %dma_start3A_432 = arith.constant 0 : i32
        %dma_start3A_433 = tpu.memref_slice %arg7[%dma_start3A_432] : memref<3232xi32, #tpu.memory_space<vmem>> -> memref<3200xi32, #tpu.memory_space<vmem>>
        %dma_start3A_434 = tpu.memref_slice %arg4[%mul3A_431] : memref<160000xi32, #tpu.memory_space<hbm>> -> memref<3200xi32, #tpu.memory_space<hbm>>
        %dma_start3A_435 = arith.constant 0 : i32
        %dma_start3A_436 = tpu.memref_slice %arg7[%dma_start3A_435] : memref<3232xi32, #tpu.memory_space<vmem>> -> memref<3200xi32, #tpu.memory_space<vmem>>
        %dma_start3A_437 = tpu.memref_slice %arg4[%mul3A_431] : memref<160000xi32, #tpu.memory_space<hbm>> -> memref<3200xi32, #tpu.memory_space<hbm>>
        tpu.enqueue_dma source(%dma_start3A_437 : memref<3200xi32, #tpu.memory_space<hbm>>) target(%dma_start3A_436 : memref<3200xi32, #tpu.memory_space<vmem>>) target_semaphore(%arg18 : memref<!tpu.dma_semaphore, #tpu.memory_space<semaphore_mem>>)
      } else {
      }
      %get3A_401 = arith.constant 0 : index
      %get3A_402 = tpu.vector_load %arg8[%get3A_401] {strides = array<i32>} : memref<3232xi32, #tpu.memory_space<vmem>>, vector<16xi32>,
      %get3A_403 = arith.constant 0 : index
      %get3A_404 = tpu.vector_load %arg9[%get3A_403] {strides = array<i32>} : memref<3232xi32, #tpu.memory_space<vmem>>, vector<16xi32>,
      %get3A_405 = arith.constant 16 : index
      %get3A_406 = tpu.vector_load %arg8[%get3A_405] {strides = array<i32>} : memref<3232xi32, #tpu.memory_space<vmem>>, vector<16xi32>,
      %get3A_407 = arith.constant 16 : index
      %get3A_408 = tpu.vector_load %arg9[%get3A_407] {strides = array<i32>} : memref<3232xi32, #tpu.memory_space<vmem>>, vector<16xi32>,
      %gather3A_409 = tpu.vector_load_idx %arg10[%get3A_402] : memref<10000xf32, #tpu.memory_space<vmem>>[vector<16xi32>], vector<16xf32>,
      %gather3A_410 = tpu.vector_load_idx %arg11[%get3A_402] : memref<10000xf32, #tpu.memory_space<vmem>>[vector<16xi32>], vector<16xf32>,
      %gather3A_411 = tpu.vector_load_idx %arg12[%get3A_402] : memref<10000xf32, #tpu.memory_space<vmem>>[vector<16xi32>], vector<16xf32>,
      %gather3A_412 = tpu.vector_load_idx %arg13[%get3A_402] : memref<10000xf32, #tpu.memory_space<vmem>>[vector<16xi32>], vector<16xf32>,
      %scan3A_413 = arith.constant 1 : i32
      %scan3A_414 = arith.constant 199 : i32
      %scan3A_415 = arith.addi %scan3A_413, %scan3A_414 : i32
      %scan3A_416 = arith.constant 1 : i32
      %scan3A_417:7 = scf.for %scan3A_420 = %scan3A_413 to %scan3A_415 step %scan3A_416 iter_args(%scan3A_421 = %get3A_406, %scan3A_422 = %get3A_408, %scan3A_423 = %get3A_404, %scan3A_424 = %gather3A_409, %scan3A_425 = %gather3A_410, %scan3A_426 = %gather3A_411, %scan3A_427 = %gather3A_412) -> (vector<16xi32>, vector<16xi32>, vector<16xi32>, vector<16xf32>, vector<16xf32>, vector<16xf32>, vector<16xf32>)  : i32 {
        %add3A_428 = arith.constant 1 : i32
        %add3A_429 = arith.addi %scan3A_420, %add3A_428 : i32
        %mul3A_430 = arith.constant 16 : i32
        %mul3A_431 = arith.muli %add3A_429, %mul3A_430 : i32
        %get3A_432 = arith.index_cast %mul3A_431 : i32 to index
        %get3A_433 = tpu.vector_load %arg8[%get3A_432] {strides = array<i32>} : memref<3232xi32, #tpu.memory_space<vmem>>, vector<16xi32>,
        %add3A_434 = arith.constant 1 : i32
        %add3A_435 = arith.addi %scan3A_420, %add3A_434 : i32
        %mul3A_436 = arith.constant 16 : i32
        %mul3A_437 = arith.muli %add3A_435, %mul3A_436 : i32
        %get3A_438 = arith.index_cast %mul3A_437 : i32 to index
        %get3A_439 = tpu.vector_load %arg9[%get3A_438] {strides = array<i32>} : memref<3232xi32, #tpu.memory_space<vmem>>, vector<16xi32>,
        %gather3A_440 = tpu.vector_load_idx %arg10[%scan3A_421] : memref<10000xf32, #tpu.memory_space<vmem>>[vector<16xi32>], vector<16xf32>,
        %gather3A_441 = tpu.vector_load_idx %arg11[%scan3A_421] : memref<10000xf32, #tpu.memory_space<vmem>>[vector<16xi32>], vector<16xf32>,
        %gather3A_442 = tpu.vector_load_idx %arg12[%scan3A_421] : memref<10000xf32, #tpu.memory_space<vmem>>[vector<16xi32>], vector<16xf32>,
        %gather3A_443 = tpu.vector_load_idx %arg13[%scan3A_421] : memref<10000xf32, #tpu.memory_space<vmem>>[vector<16xi32>], vector<16xf32>,
        tpu.vector_store_idx %arg14[%scan3A_423], %scan3A_424 {add = true} : memref<10000xf32, #tpu.memory_space<vmem>>[vector<16xi32>], vector<16xf32>,
        tpu.vector_store_idx %arg15[%scan3A_423], %scan3A_425 {add = true} : memref<10000xf32, #tpu.memory_space<vmem>>[vector<16xi32>], vector<16xf32>,
        tpu.vector_store_idx %arg16[%scan3A_423], %scan3A_426 {add = true} : memref<10000xf32, #tpu.memory_space<vmem>>[vector<16xi32>], vector<16xf32>,
        tpu.vector_store_idx %arg17[%scan3A_423], %scan3A_427 {add = true} : memref<10000xf32, #tpu.memory_space<vmem>>[vector<16xi32>], vector<16xf32>,
        scf.yield %get3A_433, %get3A_439, %scan3A_422, %gather3A_440, %gather3A_441, %gather3A_442, %gather3A_443 : vector<16xi32>, vector<16xi32>, vector<16xi32>, vector<16xf32>, vector<16xf32>, vector<16xf32>, vector<16xf32>
      }
      %scan3A_418 = arith.constant 199 : i32
      tpu.vector_store_idx %arg14[%scan3A_417#2], %scan3A_417#3 {add = true} : memref<10000xf32, #tpu.memory_space<vmem>>[vector<16xi32>], vector<16xf32>,
      tpu.vector_store_idx %arg15[%scan3A_417#2], %scan3A_417#4 {add = true} : memref<10000xf32, #tpu.memory_space<vmem>>[vector<16xi32>], vector<16xf32>,
      tpu.vector_store_idx %arg16[%scan3A_417#2], %scan3A_417#5 {add = true} : memref<10000xf32, #tpu.memory_space<vmem>>[vector<16xi32>], vector<16xf32>,
      tpu.vector_store_idx %arg17[%scan3A_417#2], %scan3A_417#6 {add = true} : memref<10000xf32, #tpu.memory_space<vmem>>[vector<16xi32>], vector<16xf32>,
      %scan3A_419 = arith.constant 0 : i32
      scf.yield %scan3A_419 : i32
    }
    %scan3A_96 = arith.constant 25 : i32
    %add3A_97 = arith.constant 0 : i32
    %add3A_98 = arith.addi %add3A_5, %add3A_97 : i32
    %dma_start3A_99 = arith.constant 0 : i32
    %dma_start3A_100 = tpu.memref_slice %arg5[%add3A_98, %dma_start3A_99] : memref<256x10000xf32, #tpu.memory_space<hbm>> -> memref<1x10000xf32, #tpu.memory_space<hbm>>
    %dma_start3A_101 = tpu.memref_squeeze %dma_start3A_100 : memref<1x10000xf32, #tpu.memory_space<hbm>> -> memref<10000xf32, #tpu.memory_space<hbm>>
    %dma_start3A_102 = arith.constant 0 : i32
    %dma_start3A_103 = tpu.memref_slice %arg5[%add3A_98, %dma_start3A_102] : memref<256x10000xf32, #tpu.memory_space<hbm>> -> memref<1x10000xf32, #tpu.memory_space<hbm>>
    %dma_start3A_104 = tpu.memref_squeeze %dma_start3A_103 : memref<1x10000xf32, #tpu.memory_space<hbm>> -> memref<10000xf32, #tpu.memory_space<hbm>>
    tpu.enqueue_dma source(%arg14 : memref<10000xf32, #tpu.memory_space<vmem>>) target(%dma_start3A_104 : memref<10000xf32, #tpu.memory_space<hbm>>) target_semaphore(%arg21 : memref<!tpu.dma_semaphore, #tpu.memory_space<semaphore_mem>>)
    %add3A_105 = arith.constant 1 : i32
    %add3A_106 = arith.addi %add3A_5, %add3A_105 : i32
    %dma_start3A_107 = arith.constant 0 : i32
    %dma_start3A_108 = tpu.memref_slice %arg5[%add3A_106, %dma_start3A_107] : memref<256x10000xf32, #tpu.memory_space<hbm>> -> memref<1x10000xf32, #tpu.memory_space<hbm>>
    %dma_start3A_109 = tpu.memref_squeeze %dma_start3A_108 : memref<1x10000xf32, #tpu.memory_space<hbm>> -> memref<10000xf32, #tpu.memory_space<hbm>>
    %dma_start3A_110 = arith.constant 0 : i32
    %dma_start3A_111 = tpu.memref_slice %arg5[%add3A_106, %dma_start3A_110] : memref<256x10000xf32, #tpu.memory_space<hbm>> -> memref<1x10000xf32, #tpu.memory_space<hbm>>
    %dma_start3A_112 = tpu.memref_squeeze %dma_start3A_111 : memref<1x10000xf32, #tpu.memory_space<hbm>> -> memref<10000xf32, #tpu.memory_space<hbm>>
    tpu.enqueue_dma source(%arg15 : memref<10000xf32, #tpu.memory_space<vmem>>) target(%dma_start3A_112 : memref<10000xf32, #tpu.memory_space<hbm>>) target_semaphore(%arg21 : memref<!tpu.dma_semaphore, #tpu.memory_space<semaphore_mem>>)
    %add3A_113 = arith.constant 2 : i32
    %add3A_114 = arith.addi %add3A_5, %add3A_113 : i32
    %dma_start3A_115 = arith.constant 0 : i32
    %dma_start3A_116 = tpu.memref_slice %arg5[%add3A_114, %dma_start3A_115] : memref<256x10000xf32, #tpu.memory_space<hbm>> -> memref<1x10000xf32, #tpu.memory_space<hbm>>
    %dma_start3A_117 = tpu.memref_squeeze %dma_start3A_116 : memref<1x10000xf32, #tpu.memory_space<hbm>> -> memref<10000xf32, #tpu.memory_space<hbm>>
    %dma_start3A_118 = arith.constant 0 : i32
    %dma_start3A_119 = tpu.memref_slice %arg5[%add3A_114, %dma_start3A_118] : memref<256x10000xf32, #tpu.memory_space<hbm>> -> memref<1x10000xf32, #tpu.memory_space<hbm>>
    %dma_start3A_120 = tpu.memref_squeeze %dma_start3A_119 : memref<1x10000xf32, #tpu.memory_space<hbm>> -> memref<10000xf32, #tpu.memory_space<hbm>>
    tpu.enqueue_dma source(%arg16 : memref<10000xf32, #tpu.memory_space<vmem>>) target(%dma_start3A_120 : memref<10000xf32, #tpu.memory_space<hbm>>) target_semaphore(%arg21 : memref<!tpu.dma_semaphore, #tpu.memory_space<semaphore_mem>>)
    %add3A_121 = arith.constant 3 : i32
    %add3A_122 = arith.addi %add3A_5, %add3A_121 : i32
    %dma_start3A_123 = arith.constant 0 : i32
    %dma_start3A_124 = tpu.memref_slice %arg5[%add3A_122, %dma_start3A_123] : memref<256x10000xf32, #tpu.memory_space<hbm>> -> memref<1x10000xf32, #tpu.memory_space<hbm>>
    %dma_start3A_125 = tpu.memref_squeeze %dma_start3A_124 : memref<1x10000xf32, #tpu.memory_space<hbm>> -> memref<10000xf32, #tpu.memory_space<hbm>>
    %dma_start3A_126 = arith.constant 0 : i32
    %dma_start3A_127 = tpu.memref_slice %arg5[%add3A_122, %dma_start3A_126] : memref<256x10000xf32, #tpu.memory_space<hbm>> -> memref<1x10000xf32, #tpu.memory_space<hbm>>
    %dma_start3A_128 = tpu.memref_squeeze %dma_start3A_127 : memref<1x10000xf32, #tpu.memory_space<hbm>> -> memref<10000xf32, #tpu.memory_space<hbm>>
    tpu.enqueue_dma source(%arg17 : memref<10000xf32, #tpu.memory_space<vmem>>) target(%dma_start3A_128 : memref<10000xf32, #tpu.memory_space<hbm>>) target_semaphore(%arg21 : memref<!tpu.dma_semaphore, #tpu.memory_space<semaphore_mem>>)
    %mul3A_129 = arith.constant 4 : i32
    %mul3A_130 = arith.muli %add3A, %mul3A_129 : i32
    %add3A_131 = arith.constant 128 : i32
    %add3A_132 = arith.addi %add3A_131, %mul3A_130 : i32
    %add3A_133 = arith.constant 0 : i32
    %add3A_134 = arith.addi %add3A_132, %add3A_133 : i32
    %dma_start3A_135 = arith.constant 0 : i32
    %dma_start3A_136 = tpu.memref_slice %arg2[%add3A_134, %dma_start3A_135] : memref<256x10000xf32, #tpu.memory_space<hbm>> -> memref<1x10000xf32, #tpu.memory_space<hbm>>
    %dma_start3A_137 = tpu.memref_squeeze %dma_start3A_136 : memref<1x10000xf32, #tpu.memory_space<hbm>> -> memref<10000xf32, #tpu.memory_space<hbm>>
    %dma_start3A_138 = arith.constant 0 : i32
    %dma_start3A_139 = tpu.memref_slice %arg2[%add3A_134, %dma_start3A_138] : memref<256x10000xf32, #tpu.memory_space<hbm>> -> memref<1x10000xf32, #tpu.memory_space<hbm>>
    %dma_start3A_140 = tpu.memref_squeeze %dma_start3A_139 : memref<1x10000xf32, #tpu.memory_space<hbm>> -> memref<10000xf32, #tpu.memory_space<hbm>>
    tpu.enqueue_dma source(%dma_start3A_140 : memref<10000xf32, #tpu.memory_space<hbm>>) target(%arg10 : memref<10000xf32, #tpu.memory_space<vmem>>) target_semaphore(%arg20 : memref<!tpu.dma_semaphore, #tpu.memory_space<semaphore_mem>>)
    %add3A_141 = arith.constant 1 : i32
    %add3A_142 = arith.addi %add3A_132, %add3A_141 : i32
    %dma_start3A_143 = arith.constant 0 : i32
    %dma_start3A_144 = tpu.memref_slice %arg2[%add3A_142, %dma_start3A_143] : memref<256x10000xf32, #tpu.memory_space<hbm>> -> memref<1x10000xf32, #tpu.memory_space<hbm>>
    %dma_start3A_145 = tpu.memref_squeeze %dma_start3A_144 : memref<1x10000xf32, #tpu.memory_space<hbm>> -> memref<10000xf32, #tpu.memory_space<hbm>>
    %dma_start3A_146 = arith.constant 0 : i32
    %dma_start3A_147 = tpu.memref_slice %arg2[%add3A_142, %dma_start3A_146] : memref<256x10000xf32, #tpu.memory_space<hbm>> -> memref<1x10000xf32, #tpu.memory_space<hbm>>
    %dma_start3A_148 = tpu.memref_squeeze %dma_start3A_147 : memref<1x10000xf32, #tpu.memory_space<hbm>> -> memref<10000xf32, #tpu.memory_space<hbm>>
    tpu.enqueue_dma source(%dma_start3A_148 : memref<10000xf32, #tpu.memory_space<hbm>>) target(%arg11 : memref<10000xf32, #tpu.memory_space<vmem>>) target_semaphore(%arg20 : memref<!tpu.dma_semaphore, #tpu.memory_space<semaphore_mem>>)
    %add3A_149 = arith.constant 2 : i32
    %add3A_150 = arith.addi %add3A_132, %add3A_149 : i32
    %dma_start3A_151 = arith.constant 0 : i32
    %dma_start3A_152 = tpu.memref_slice %arg2[%add3A_150, %dma_start3A_151] : memref<256x10000xf32, #tpu.memory_space<hbm>> -> memref<1x10000xf32, #tpu.memory_space<hbm>>
    %dma_start3A_153 = tpu.memref_squeeze %dma_start3A_152 : memref<1x10000xf32, #tpu.memory_space<hbm>> -> memref<10000xf32, #tpu.memory_space<hbm>>
    %dma_start3A_154 = arith.constant 0 : i32
    %dma_start3A_155 = tpu.memref_slice %arg2[%add3A_150, %dma_start3A_154] : memref<256x10000xf32, #tpu.memory_space<hbm>> -> memref<1x10000xf32, #tpu.memory_space<hbm>>
    %dma_start3A_156 = tpu.memref_squeeze %dma_start3A_155 : memref<1x10000xf32, #tpu.memory_space<hbm>> -> memref<10000xf32, #tpu.memory_space<hbm>>
    tpu.enqueue_dma source(%dma_start3A_156 : memref<10000xf32, #tpu.memory_space<hbm>>) target(%arg12 : memref<10000xf32, #tpu.memory_space<vmem>>) target_semaphore(%arg20 : memref<!tpu.dma_semaphore, #tpu.memory_space<semaphore_mem>>)
    %add3A_157 = arith.constant 3 : i32
    %add3A_158 = arith.addi %add3A_132, %add3A_157 : i32
    %dma_start3A_159 = arith.constant 0 : i32
    %dma_start3A_160 = tpu.memref_slice %arg2[%add3A_158, %dma_start3A_159] : memref<256x10000xf32, #tpu.memory_space<hbm>> -> memref<1x10000xf32, #tpu.memory_space<hbm>>
    %dma_start3A_161 = tpu.memref_squeeze %dma_start3A_160 : memref<1x10000xf32, #tpu.memory_space<hbm>> -> memref<10000xf32, #tpu.memory_space<hbm>>
    %dma_start3A_162 = arith.constant 0 : i32
    %dma_start3A_163 = tpu.memref_slice %arg2[%add3A_158, %dma_start3A_162] : memref<256x10000xf32, #tpu.memory_space<hbm>> -> memref<1x10000xf32, #tpu.memory_space<hbm>>
    %dma_start3A_164 = tpu.memref_squeeze %dma_start3A_163 : memref<1x10000xf32, #tpu.memory_space<hbm>> -> memref<10000xf32, #tpu.memory_space<hbm>>
    tpu.enqueue_dma source(%dma_start3A_164 : memref<10000xf32, #tpu.memory_space<hbm>>) target(%arg13 : memref<10000xf32, #tpu.memory_space<vmem>>) target_semaphore(%arg20 : memref<!tpu.dma_semaphore, #tpu.memory_space<semaphore_mem>>)
    %mul3A_165 = arith.constant 4 : i32
    %mul3A_166 = arith.muli %add3A, %mul3A_165 : i32
    %add3A_167 = arith.constant 0 : i32
    %add3A_168 = arith.addi %add3A_167, %mul3A_166 : i32
    %add3A_169 = arith.constant 0 : i32
    %add3A_170 = arith.addi %add3A_168, %add3A_169 : i32
    %dma_wait3A_171 = arith.constant 0 : i32
    %dma_wait3A_172 = tpu.memref_slice %arg5[%add3A_170, %dma_wait3A_171] : memref<256x10000xf32, #tpu.memory_space<hbm>> -> memref<1x10000xf32, #tpu.memory_space<hbm>>
    %dma_wait3A_173 = tpu.memref_squeeze %dma_wait3A_172 : memref<1x10000xf32, #tpu.memory_space<hbm>> -> memref<10000xf32, #tpu.memory_space<hbm>>
    %dma_wait3A_174 = arith.constant 0 : i32
    %dma_wait3A_175 = tpu.memref_slice %arg5[%add3A_170, %dma_wait3A_174] : memref<256x10000xf32, #tpu.memory_space<hbm>> -> memref<1x10000xf32, #tpu.memory_space<hbm>>
    %dma_wait3A_176 = tpu.memref_squeeze %dma_wait3A_175 : memref<1x10000xf32, #tpu.memory_space<hbm>> -> memref<10000xf32, #tpu.memory_space<hbm>>
    tpu.wait_dma2 semaphore(%arg21 : memref<!tpu.dma_semaphore, #tpu.memory_space<semaphore_mem>>) src(%arg14 : memref<10000xf32, #tpu.memory_space<vmem>>) dst(%dma_wait3A_176 : memref<10000xf32, #tpu.memory_space<hbm>>)
    %add3A_177 = arith.constant 1 : i32
    %add3A_178 = arith.addi %add3A_168, %add3A_177 : i32
    %dma_wait3A_179 = arith.constant 0 : i32
    %dma_wait3A_180 = tpu.memref_slice %arg5[%add3A_178, %dma_wait3A_179] : memref<256x10000xf32, #tpu.memory_space<hbm>> -> memref<1x10000xf32, #tpu.memory_space<hbm>>
    %dma_wait3A_181 = tpu.memref_squeeze %dma_wait3A_180 : memref<1x10000xf32, #tpu.memory_space<hbm>> -> memref<10000xf32, #tpu.memory_space<hbm>>
    %dma_wait3A_182 = arith.constant 0 : i32
    %dma_wait3A_183 = tpu.memref_slice %arg5[%add3A_178, %dma_wait3A_182] : memref<256x10000xf32, #tpu.memory_space<hbm>> -> memref<1x10000xf32, #tpu.memory_space<hbm>>
    %dma_wait3A_184 = tpu.memref_squeeze %dma_wait3A_183 : memref<1x10000xf32, #tpu.memory_space<hbm>> -> memref<10000xf32, #tpu.memory_space<hbm>>
    tpu.wait_dma2 semaphore(%arg21 : memref<!tpu.dma_semaphore, #tpu.memory_space<semaphore_mem>>) src(%arg15 : memref<10000xf32, #tpu.memory_space<vmem>>) dst(%dma_wait3A_184 : memref<10000xf32, #tpu.memory_space<hbm>>)
    %add3A_185 = arith.constant 2 : i32
    %add3A_186 = arith.addi %add3A_168, %add3A_185 : i32
    %dma_wait3A_187 = arith.constant 0 : i32
    %dma_wait3A_188 = tpu.memref_slice %arg5[%add3A_186, %dma_wait3A_187] : memref<256x10000xf32, #tpu.memory_space<hbm>> -> memref<1x10000xf32, #tpu.memory_space<hbm>>
    %dma_wait3A_189 = tpu.memref_squeeze %dma_wait3A_188 : memref<1x10000xf32, #tpu.memory_space<hbm>> -> memref<10000xf32, #tpu.memory_space<hbm>>
    %dma_wait3A_190 = arith.constant 0 : i32
    %dma_wait3A_191 = tpu.memref_slice %arg5[%add3A_186, %dma_wait3A_190] : memref<256x10000xf32, #tpu.memory_space<hbm>> -> memref<1x10000xf32, #tpu.memory_space<hbm>>
    %dma_wait3A_192 = tpu.memref_squeeze %dma_wait3A_191 : memref<1x10000xf32, #tpu.memory_space<hbm>> -> memref<10000xf32, #tpu.memory_space<hbm>>
    tpu.wait_dma2 semaphore(%arg21 : memref<!tpu.dma_semaphore, #tpu.memory_space<semaphore_mem>>) src(%arg16 : memref<10000xf32, #tpu.memory_space<vmem>>) dst(%dma_wait3A_192 : memref<10000xf32, #tpu.memory_space<hbm>>)
    %add3A_193 = arith.constant 3 : i32
    %add3A_194 = arith.addi %add3A_168, %add3A_193 : i32
    %dma_wait3A_195 = arith.constant 0 : i32
    %dma_wait3A_196 = tpu.memref_slice %arg5[%add3A_194, %dma_wait3A_195] : memref<256x10000xf32, #tpu.memory_space<hbm>> -> memref<1x10000xf32, #tpu.memory_space<hbm>>
    %dma_wait3A_197 = tpu.memref_squeeze %dma_wait3A_196 : memref<1x10000xf32, #tpu.memory_space<hbm>> -> memref<10000xf32, #tpu.memory_space<hbm>>
    %dma_wait3A_198 = arith.constant 0 : i32
    %dma_wait3A_199 = tpu.memref_slice %arg5[%add3A_194, %dma_wait3A_198] : memref<256x10000xf32, #tpu.memory_space<hbm>> -> memref<1x10000xf32, #tpu.memory_space<hbm>>
    %dma_wait3A_200 = tpu.memref_squeeze %dma_wait3A_199 : memref<1x10000xf32, #tpu.memory_space<hbm>> -> memref<10000xf32, #tpu.memory_space<hbm>>
    tpu.wait_dma2 semaphore(%arg21 : memref<!tpu.dma_semaphore, #tpu.memory_space<semaphore_mem>>) src(%arg17 : memref<10000xf32, #tpu.memory_space<vmem>>) dst(%dma_wait3A_200 : memref<10000xf32, #tpu.memory_space<hbm>>)
    %dma_start3A_201 = arith.constant 0 : i32
    %dma_start3A_202 = tpu.memref_slice %arg6[%dma_start3A_201] : memref<3232xi32, #tpu.memory_space<vmem>> -> memref<3200xi32, #tpu.memory_space<vmem>>
    %dma_start3A_203 = arith.constant 0 : i32
    %dma_start3A_204 = tpu.memref_slice %arg3[%dma_start3A_203] : memref<160000xi32, #tpu.memory_space<hbm>> -> memref<3200xi32, #tpu.memory_space<hbm>>
    %dma_start3A_205 = arith.constant 0 : i32
    %dma_start3A_206 = tpu.memref_slice %arg6[%dma_start3A_205] : memref<3232xi32, #tpu.memory_space<vmem>> -> memref<3200xi32, #tpu.memory_space<vmem>>
    %dma_start3A_207 = arith.constant 0 : i32
    %dma_start3A_208 = tpu.memref_slice %arg3[%dma_start3A_207] : memref<160000xi32, #tpu.memory_space<hbm>> -> memref<3200xi32, #tpu.memory_space<hbm>>
    tpu.enqueue_dma source(%dma_start3A_208 : memref<3200xi32, #tpu.memory_space<hbm>>) target(%dma_start3A_206 : memref<3200xi32, #tpu.memory_space<vmem>>) target_semaphore(%arg18 : memref<!tpu.dma_semaphore, #tpu.memory_space<semaphore_mem>>)
    %dma_start3A_209 = arith.constant 0 : i32
    %dma_start3A_210 = tpu.memref_slice %arg7[%dma_start3A_209] : memref<3232xi32, #tpu.memory_space<vmem>> -> memref<3200xi32, #tpu.memory_space<vmem>>
    %dma_start3A_211 = arith.constant 0 : i32
    %dma_start3A_212 = tpu.memref_slice %arg4[%dma_start3A_211] : memref<160000xi32, #tpu.memory_space<hbm>> -> memref<3200xi32, #tpu.memory_space<hbm>>
    %dma_start3A_213 = arith.constant 0 : i32
    %dma_start3A_214 = tpu.memref_slice %arg7[%dma_start3A_213] : memref<3232xi32, #tpu.memory_space<vmem>> -> memref<3200xi32, #tpu.memory_space<vmem>>
    %dma_start3A_215 = arith.constant 0 : i32
    %dma_start3A_216 = tpu.memref_slice %arg4[%dma_start3A_215] : memref<160000xi32, #tpu.memory_space<hbm>> -> memref<3200xi32, #tpu.memory_space<hbm>>
    tpu.enqueue_dma source(%dma_start3A_216 : memref<3200xi32, #tpu.memory_space<hbm>>) target(%dma_start3A_214 : memref<3200xi32, #tpu.memory_space<vmem>>) target_semaphore(%arg18 : memref<!tpu.dma_semaphore, #tpu.memory_space<semaphore_mem>>)
    %scan3A_217 = arith.constant 0 : i32
    %scan3A_218 = arith.constant 0 : i32
    %scan3A_219 = arith.constant 625 : i32
    %scan3A_220 = arith.addi %scan3A_218, %scan3A_219 : i32
    %scan3A_221 = arith.constant 1 : i32
    %scan3A_222 = scf.for %scan3A_327 = %scan3A_218 to %scan3A_220 step %scan3A_221 iter_args(%scan3A_328 = %scan3A_217) -> (i32)  : i32 {
      %mul3A_329 = arith.constant 16 : i32
      %mul3A_330 = arith.muli %scan3A_327, %mul3A_329 : i32
      %swap3A = arith.index_cast %mul3A_330 : i32 to index
      %swap3A_331 = tpu.vector_load %arg14[%swap3A] {strides = array<i32>} : memref<10000xf32, #tpu.memory_space<vmem>>, vector<16xf32>,
      tpu.vector_store %arg14[%swap3A], %broadcast_in_dim3A_1 {strides = array<i32>} : memref<10000xf32, #tpu.memory_space<vmem>>, vector<16xf32>,
      %mul3A_332 = arith.constant 16 : i32
      %mul3A_333 = arith.muli %scan3A_327, %mul3A_332 : i32
      %swap3A_334 = arith.index_cast %mul3A_333 : i32 to index
      %swap3A_335 = tpu.vector_load %arg15[%swap3A_334] {strides = array<i32>} : memref<10000xf32, #tpu.memory_space<vmem>>, vector<16xf32>,
      tpu.vector_store %arg15[%swap3A_334], %broadcast_in_dim3A_1 {strides = array<i32>} : memref<10000xf32, #tpu.memory_space<vmem>>, vector<16xf32>,
      %mul3A_336 = arith.constant 16 : i32
      %mul3A_337 = arith.muli %scan3A_327, %mul3A_336 : i32
      %swap3A_338 = arith.index_cast %mul3A_337 : i32 to index
      %swap3A_339 = tpu.vector_load %arg16[%swap3A_338] {strides = array<i32>} : memref<10000xf32, #tpu.memory_space<vmem>>, vector<16xf32>,
      tpu.vector_store %arg16[%swap3A_338], %broadcast_in_dim3A_1 {strides = array<i32>} : memref<10000xf32, #tpu.memory_space<vmem>>, vector<16xf32>,
      %mul3A_340 = arith.constant 16 : i32
      %mul3A_341 = arith.muli %scan3A_327, %mul3A_340 : i32
      %swap3A_342 = arith.index_cast %mul3A_341 : i32 to index
      %swap3A_343 = tpu.vector_load %arg17[%swap3A_342] {strides = array<i32>} : memref<10000xf32, #tpu.memory_space<vmem>>, vector<16xf32>,
      tpu.vector_store %arg17[%swap3A_342], %broadcast_in_dim3A_1 {strides = array<i32>} : memref<10000xf32, #tpu.memory_space<vmem>>, vector<16xf32>,
      %scan3A_344 = arith.constant 0 : i32
      scf.yield %scan3A_344 : i32
    }
    %scan3A_223 = arith.constant 625 : i32
    %add3A_224 = arith.constant 0 : i32
    %add3A_225 = arith.addi %add3A_132, %add3A_224 : i32
    %dma_wait3A_226 = arith.constant 0 : i32
    %dma_wait3A_227 = tpu.memref_slice %arg2[%add3A_225, %dma_wait3A_226] : memref<256x10000xf32, #tpu.memory_space<hbm>> -> memref<1x10000xf32, #tpu.memory_space<hbm>>
    %dma_wait3A_228 = tpu.memref_squeeze %dma_wait3A_227 : memref<1x10000xf32, #tpu.memory_space<hbm>> -> memref<10000xf32, #tpu.memory_space<hbm>>
    %dma_wait3A_229 = arith.constant 0 : i32
    %dma_wait3A_230 = tpu.memref_slice %arg2[%add3A_225, %dma_wait3A_229] : memref<256x10000xf32, #tpu.memory_space<hbm>> -> memref<1x10000xf32, #tpu.memory_space<hbm>>
    %dma_wait3A_231 = tpu.memref_squeeze %dma_wait3A_230 : memref<1x10000xf32, #tpu.memory_space<hbm>> -> memref<10000xf32, #tpu.memory_space<hbm>>
    tpu.wait_dma2 semaphore(%arg20 : memref<!tpu.dma_semaphore, #tpu.memory_space<semaphore_mem>>) src(%dma_wait3A_231 : memref<10000xf32, #tpu.memory_space<hbm>>) dst(%arg10 : memref<10000xf32, #tpu.memory_space<vmem>>)
    %add3A_232 = arith.constant 1 : i32
    %add3A_233 = arith.addi %add3A_132, %add3A_232 : i32
    %dma_wait3A_234 = arith.constant 0 : i32
    %dma_wait3A_235 = tpu.memref_slice %arg2[%add3A_233, %dma_wait3A_234] : memref<256x10000xf32, #tpu.memory_space<hbm>> -> memref<1x10000xf32, #tpu.memory_space<hbm>>
    %dma_wait3A_236 = tpu.memref_squeeze %dma_wait3A_235 : memref<1x10000xf32, #tpu.memory_space<hbm>> -> memref<10000xf32, #tpu.memory_space<hbm>>
    %dma_wait3A_237 = arith.constant 0 : i32
    %dma_wait3A_238 = tpu.memref_slice %arg2[%add3A_233, %dma_wait3A_237] : memref<256x10000xf32, #tpu.memory_space<hbm>> -> memref<1x10000xf32, #tpu.memory_space<hbm>>
    %dma_wait3A_239 = tpu.memref_squeeze %dma_wait3A_238 : memref<1x10000xf32, #tpu.memory_space<hbm>> -> memref<10000xf32, #tpu.memory_space<hbm>>
    tpu.wait_dma2 semaphore(%arg20 : memref<!tpu.dma_semaphore, #tpu.memory_space<semaphore_mem>>) src(%dma_wait3A_239 : memref<10000xf32, #tpu.memory_space<hbm>>) dst(%arg11 : memref<10000xf32, #tpu.memory_space<vmem>>)
    %add3A_240 = arith.constant 2 : i32
    %add3A_241 = arith.addi %add3A_132, %add3A_240 : i32
    %dma_wait3A_242 = arith.constant 0 : i32
    %dma_wait3A_243 = tpu.memref_slice %arg2[%add3A_241, %dma_wait3A_242] : memref<256x10000xf32, #tpu.memory_space<hbm>> -> memref<1x10000xf32, #tpu.memory_space<hbm>>
    %dma_wait3A_244 = tpu.memref_squeeze %dma_wait3A_243 : memref<1x10000xf32, #tpu.memory_space<hbm>> -> memref<10000xf32, #tpu.memory_space<hbm>>
    %dma_wait3A_245 = arith.constant 0 : i32
    %dma_wait3A_246 = tpu.memref_slice %arg2[%add3A_241, %dma_wait3A_245] : memref<256x10000xf32, #tpu.memory_space<hbm>> -> memref<1x10000xf32, #tpu.memory_space<hbm>>
    %dma_wait3A_247 = tpu.memref_squeeze %dma_wait3A_246 : memref<1x10000xf32, #tpu.memory_space<hbm>> -> memref<10000xf32, #tpu.memory_space<hbm>>
    tpu.wait_dma2 semaphore(%arg20 : memref<!tpu.dma_semaphore, #tpu.memory_space<semaphore_mem>>) src(%dma_wait3A_247 : memref<10000xf32, #tpu.memory_space<hbm>>) dst(%arg12 : memref<10000xf32, #tpu.memory_space<vmem>>)
    %add3A_248 = arith.constant 3 : i32
    %add3A_249 = arith.addi %add3A_132, %add3A_248 : i32
    %dma_wait3A_250 = arith.constant 0 : i32
    %dma_wait3A_251 = tpu.memref_slice %arg2[%add3A_249, %dma_wait3A_250] : memref<256x10000xf32, #tpu.memory_space<hbm>> -> memref<1x10000xf32, #tpu.memory_space<hbm>>
    %dma_wait3A_252 = tpu.memref_squeeze %dma_wait3A_251 : memref<1x10000xf32, #tpu.memory_space<hbm>> -> memref<10000xf32, #tpu.memory_space<hbm>>
    %dma_wait3A_253 = arith.constant 0 : i32
    %dma_wait3A_254 = tpu.memref_slice %arg2[%add3A_249, %dma_wait3A_253] : memref<256x10000xf32, #tpu.memory_space<hbm>> -> memref<1x10000xf32, #tpu.memory_space<hbm>>
    %dma_wait3A_255 = tpu.memref_squeeze %dma_wait3A_254 : memref<1x10000xf32, #tpu.memory_space<hbm>> -> memref<10000xf32, #tpu.memory_space<hbm>>
    tpu.wait_dma2 semaphore(%arg20 : memref<!tpu.dma_semaphore, #tpu.memory_space<semaphore_mem>>) src(%dma_wait3A_255 : memref<10000xf32, #tpu.memory_space<hbm>>) dst(%arg13 : memref<10000xf32, #tpu.memory_space<vmem>>)
    %scan3A_256 = arith.constant 0 : i32
    %scan3A_257 = arith.constant 0 : i32
    %scan3A_258 = arith.constant 25 : i32
    %scan3A_259 = arith.addi %scan3A_257, %scan3A_258 : i32
    %scan3A_260 = arith.constant 1 : i32
    %scan3A_261 = scf.for %scan3A_327 = %scan3A_257 to %scan3A_259 step %scan3A_260 iter_args(%scan3A_328 = %scan3A_256) -> (i32)  : i32 {
      %mul3A_329 = arith.constant 2 : i32
      %mul3A_330 = arith.muli %mul3A_329, %scan3A_327 : i32
      %add3A_331 = arith.constant 1 : i32
      %add3A_332 = arith.addi %mul3A_330, %add3A_331 : i32
      %dma_wait3A_333 = arith.constant 0 : i32
      %dma_wait3A_334 = tpu.memref_slice %arg6[%dma_wait3A_333] : memref<3232xi32, #tpu.memory_space<vmem>> -> memref<3200xi32, #tpu.memory_space<vmem>>
      %dma_wait3A_335 = arith.constant 0 : i32
      %dma_wait3A_336 = tpu.memref_slice %arg3[%dma_wait3A_335] : memref<160000xi32, #tpu.memory_space<hbm>> -> memref<3200xi32, #tpu.memory_space<hbm>>
      %dma_wait3A_337 = arith.constant 0 : i32
      %dma_wait3A_338 = tpu.memref_slice %arg6[%dma_wait3A_337] : memref<3232xi32, #tpu.memory_space<vmem>> -> memref<3200xi32, #tpu.memory_space<vmem>>
      %dma_wait3A_339 = arith.constant 0 : i32
      %dma_wait3A_340 = tpu.memref_slice %arg3[%dma_wait3A_339] : memref<160000xi32, #tpu.memory_space<hbm>> -> memref<3200xi32, #tpu.memory_space<hbm>>
      tpu.wait_dma2 semaphore(%arg18 : memref<!tpu.dma_semaphore, #tpu.memory_space<semaphore_mem>>) src(%dma_wait3A_340 : memref<3200xi32, #tpu.memory_space<hbm>>) dst(%dma_wait3A_338 : memref<3200xi32, #tpu.memory_space<vmem>>)
      %dma_wait3A_341 = arith.constant 0 : i32
      %dma_wait3A_342 = tpu.memref_slice %arg7[%dma_wait3A_341] : memref<3232xi32, #tpu.memory_space<vmem>> -> memref<3200xi32, #tpu.memory_space<vmem>>
      %dma_wait3A_343 = arith.constant 0 : i32
      %dma_wait3A_344 = tpu.memref_slice %arg4[%dma_wait3A_343] : memref<160000xi32, #tpu.memory_space<hbm>> -> memref<3200xi32, #tpu.memory_space<hbm>>
      %dma_wait3A_345 = arith.constant 0 : i32
      %dma_wait3A_346 = tpu.memref_slice %arg7[%dma_wait3A_345] : memref<3232xi32, #tpu.memory_space<vmem>> -> memref<3200xi32, #tpu.memory_space<vmem>>
      %dma_wait3A_347 = arith.constant 0 : i32
      %dma_wait3A_348 = tpu.memref_slice %arg4[%dma_wait3A_347] : memref<160000xi32, #tpu.memory_space<hbm>> -> memref<3200xi32, #tpu.memory_space<hbm>>
      tpu.wait_dma2 semaphore(%arg18 : memref<!tpu.dma_semaphore, #tpu.memory_space<semaphore_mem>>) src(%dma_wait3A_348 : memref<3200xi32, #tpu.memory_space<hbm>>) dst(%dma_wait3A_346 : memref<3200xi32, #tpu.memory_space<vmem>>)
      %mul3A_349 = arith.constant 3200 : i32
      %mul3A_350 = arith.muli %add3A_332, %mul3A_349 : i32
      %dma_start3A_351 = arith.constant 0 : i32
      %dma_start3A_352 = tpu.memref_slice %arg8[%dma_start3A_351] : memref<3232xi32, #tpu.memory_space<vmem>> -> memref<3200xi32, #tpu.memory_space<vmem>>
      %dma_start3A_353 = tpu.memref_slice %arg3[%mul3A_350] : memref<160000xi32, #tpu.memory_space<hbm>> -> memref<3200xi32, #tpu.memory_space<hbm>>
      %dma_start3A_354 = arith.constant 0 : i32
      %dma_start3A_355 = tpu.memref_slice %arg8[%dma_start3A_354] : memref<3232xi32, #tpu.memory_space<vmem>> -> memref<3200xi32, #tpu.memory_space<vmem>>
      %dma_start3A_356 = tpu.memref_slice %arg3[%mul3A_350] : memref<160000xi32, #tpu.memory_space<hbm>> -> memref<3200xi32, #tpu.memory_space<hbm>>
      tpu.enqueue_dma source(%dma_start3A_356 : memref<3200xi32, #tpu.memory_space<hbm>>) target(%dma_start3A_355 : memref<3200xi32, #tpu.memory_space<vmem>>) target_semaphore(%arg19 : memref<!tpu.dma_semaphore, #tpu.memory_space<semaphore_mem>>)
      %mul3A_357 = arith.constant 3200 : i32
      %mul3A_358 = arith.muli %add3A_332, %mul3A_357 : i32
      %dma_start3A_359 = arith.constant 0 : i32
      %dma_start3A_360 = tpu.memref_slice %arg9[%dma_start3A_359] : memref<3232xi32, #tpu.memory_space<vmem>> -> memref<3200xi32, #tpu.memory_space<vmem>>
      %dma_start3A_361 = tpu.memref_slice %arg4[%mul3A_358] : memref<160000xi32, #tpu.memory_space<hbm>> -> memref<3200xi32, #tpu.memory_space<hbm>>
      %dma_start3A_362 = arith.constant 0 : i32
      %dma_start3A_363 = tpu.memref_slice %arg9[%dma_start3A_362] : memref<3232xi32, #tpu.memory_space<vmem>> -> memref<3200xi32, #tpu.memory_space<vmem>>
      %dma_start3A_364 = tpu.memref_slice %arg4[%mul3A_358] : memref<160000xi32, #tpu.memory_space<hbm>> -> memref<3200xi32, #tpu.memory_space<hbm>>
      tpu.enqueue_dma source(%dma_start3A_364 : memref<3200xi32, #tpu.memory_space<hbm>>) target(%dma_start3A_363 : memref<3200xi32, #tpu.memory_space<vmem>>) target_semaphore(%arg19 : memref<!tpu.dma_semaphore, #tpu.memory_space<semaphore_mem>>)
      %get3A = arith.constant 0 : index
      %get3A_365 = tpu.vector_load %arg6[%get3A] {strides = array<i32>} : memref<3232xi32, #tpu.memory_space<vmem>>, vector<16xi32>,
      %get3A_366 = arith.constant 0 : index
      %get3A_367 = tpu.vector_load %arg7[%get3A_366] {strides = array<i32>} : memref<3232xi32, #tpu.memory_space<vmem>>, vector<16xi32>,
      %get3A_368 = arith.constant 16 : index
      %get3A_369 = tpu.vector_load %arg6[%get3A_368] {strides = array<i32>} : memref<3232xi32, #tpu.memory_space<vmem>>, vector<16xi32>,
      %get3A_370 = arith.constant 16 : index
      %get3A_371 = tpu.vector_load %arg7[%get3A_370] {strides = array<i32>} : memref<3232xi32, #tpu.memory_space<vmem>>, vector<16xi32>,
      %gather3A = tpu.vector_load_idx %arg10[%get3A_365] : memref<10000xf32, #tpu.memory_space<vmem>>[vector<16xi32>], vector<16xf32>,
      %gather3A_372 = tpu.vector_load_idx %arg11[%get3A_365] : memref<10000xf32, #tpu.memory_space<vmem>>[vector<16xi32>], vector<16xf32>,
      %gather3A_373 = tpu.vector_load_idx %arg12[%get3A_365] : memref<10000xf32, #tpu.memory_space<vmem>>[vector<16xi32>], vector<16xf32>,
      %gather3A_374 = tpu.vector_load_idx %arg13[%get3A_365] : memref<10000xf32, #tpu.memory_space<vmem>>[vector<16xi32>], vector<16xf32>,
      %scan3A_375 = arith.constant 1 : i32
      %scan3A_376 = arith.constant 199 : i32
      %scan3A_377 = arith.addi %scan3A_375, %scan3A_376 : i32
      %scan3A_378 = arith.constant 1 : i32
      %scan3A_379:7 = scf.for %scan3A_420 = %scan3A_375 to %scan3A_377 step %scan3A_378 iter_args(%scan3A_421 = %get3A_369, %scan3A_422 = %get3A_371, %scan3A_423 = %get3A_367, %scan3A_424 = %gather3A, %scan3A_425 = %gather3A_372, %scan3A_426 = %gather3A_373, %scan3A_427 = %gather3A_374) -> (vector<16xi32>, vector<16xi32>, vector<16xi32>, vector<16xf32>, vector<16xf32>, vector<16xf32>, vector<16xf32>)  : i32 {
        %add3A_428 = arith.constant 1 : i32
        %add3A_429 = arith.addi %scan3A_420, %add3A_428 : i32
        %mul3A_430 = arith.constant 16 : i32
        %mul3A_431 = arith.muli %add3A_429, %mul3A_430 : i32
        %get3A_432 = arith.index_cast %mul3A_431 : i32 to index
        %get3A_433 = tpu.vector_load %arg6[%get3A_432] {strides = array<i32>} : memref<3232xi32, #tpu.memory_space<vmem>>, vector<16xi32>,
        %add3A_434 = arith.constant 1 : i32
        %add3A_435 = arith.addi %scan3A_420, %add3A_434 : i32
        %mul3A_436 = arith.constant 16 : i32
        %mul3A_437 = arith.muli %add3A_435, %mul3A_436 : i32
        %get3A_438 = arith.index_cast %mul3A_437 : i32 to index
        %get3A_439 = tpu.vector_load %arg7[%get3A_438] {strides = array<i32>} : memref<3232xi32, #tpu.memory_space<vmem>>, vector<16xi32>,
        %gather3A_440 = tpu.vector_load_idx %arg10[%scan3A_421] : memref<10000xf32, #tpu.memory_space<vmem>>[vector<16xi32>], vector<16xf32>,
        %gather3A_441 = tpu.vector_load_idx %arg11[%scan3A_421] : memref<10000xf32, #tpu.memory_space<vmem>>[vector<16xi32>], vector<16xf32>,
        %gather3A_442 = tpu.vector_load_idx %arg12[%scan3A_421] : memref<10000xf32, #tpu.memory_space<vmem>>[vector<16xi32>], vector<16xf32>,
        %gather3A_443 = tpu.vector_load_idx %arg13[%scan3A_421] : memref<10000xf32, #tpu.memory_space<vmem>>[vector<16xi32>], vector<16xf32>,
        tpu.vector_store_idx %arg14[%scan3A_423], %scan3A_424 {add = true} : memref<10000xf32, #tpu.memory_space<vmem>>[vector<16xi32>], vector<16xf32>,
        tpu.vector_store_idx %arg15[%scan3A_423], %scan3A_425 {add = true} : memref<10000xf32, #tpu.memory_space<vmem>>[vector<16xi32>], vector<16xf32>,
        tpu.vector_store_idx %arg16[%scan3A_423], %scan3A_426 {add = true} : memref<10000xf32, #tpu.memory_space<vmem>>[vector<16xi32>], vector<16xf32>,
        tpu.vector_store_idx %arg17[%scan3A_423], %scan3A_427 {add = true} : memref<10000xf32, #tpu.memory_space<vmem>>[vector<16xi32>], vector<16xf32>,
        scf.yield %get3A_433, %get3A_439, %scan3A_422, %gather3A_440, %gather3A_441, %gather3A_442, %gather3A_443 : vector<16xi32>, vector<16xi32>, vector<16xi32>, vector<16xf32>, vector<16xf32>, vector<16xf32>, vector<16xf32>
      }
      %scan3A_380 = arith.constant 199 : i32
      tpu.vector_store_idx %arg14[%scan3A_379#2], %scan3A_379#3 {add = true} : memref<10000xf32, #tpu.memory_space<vmem>>[vector<16xi32>], vector<16xf32>,
      tpu.vector_store_idx %arg15[%scan3A_379#2], %scan3A_379#4 {add = true} : memref<10000xf32, #tpu.memory_space<vmem>>[vector<16xi32>], vector<16xf32>,
      tpu.vector_store_idx %arg16[%scan3A_379#2], %scan3A_379#5 {add = true} : memref<10000xf32, #tpu.memory_space<vmem>>[vector<16xi32>], vector<16xf32>,
      tpu.vector_store_idx %arg17[%scan3A_379#2], %scan3A_379#6 {add = true} : memref<10000xf32, #tpu.memory_space<vmem>>[vector<16xi32>], vector<16xf32>,
      %dma_wait3A_381 = arith.constant 0 : i32
      %dma_wait3A_382 = tpu.memref_slice %arg8[%dma_wait3A_381] : memref<3232xi32, #tpu.memory_space<vmem>> -> memref<3200xi32, #tpu.memory_space<vmem>>
      %dma_wait3A_383 = arith.constant 0 : i32
      %dma_wait3A_384 = tpu.memref_slice %arg3[%dma_wait3A_383] : memref<160000xi32, #tpu.memory_space<hbm>> -> memref<3200xi32, #tpu.memory_space<hbm>>
      %dma_wait3A_385 = arith.constant 0 : i32
      %dma_wait3A_386 = tpu.memref_slice %arg8[%dma_wait3A_385] : memref<3232xi32, #tpu.memory_space<vmem>> -> memref<3200xi32, #tpu.memory_space<vmem>>
      %dma_wait3A_387 = arith.constant 0 : i32
      %dma_wait3A_388 = tpu.memref_slice %arg3[%dma_wait3A_387] : memref<160000xi32, #tpu.memory_space<hbm>> -> memref<3200xi32, #tpu.memory_space<hbm>>
      tpu.wait_dma2 semaphore(%arg19 : memref<!tpu.dma_semaphore, #tpu.memory_space<semaphore_mem>>) src(%dma_wait3A_388 : memref<3200xi32, #tpu.memory_space<hbm>>) dst(%dma_wait3A_386 : memref<3200xi32, #tpu.memory_space<vmem>>)
      %dma_wait3A_389 = arith.constant 0 : i32
      %dma_wait3A_390 = tpu.memref_slice %arg9[%dma_wait3A_389] : memref<3232xi32, #tpu.memory_space<vmem>> -> memref<3200xi32, #tpu.memory_space<vmem>>
      %dma_wait3A_391 = arith.constant 0 : i32
      %dma_wait3A_392 = tpu.memref_slice %arg4[%dma_wait3A_391] : memref<160000xi32, #tpu.memory_space<hbm>> -> memref<3200xi32, #tpu.memory_space<hbm>>
      %dma_wait3A_393 = arith.constant 0 : i32
      %dma_wait3A_394 = tpu.memref_slice %arg9[%dma_wait3A_393] : memref<3232xi32, #tpu.memory_space<vmem>> -> memref<3200xi32, #tpu.memory_space<vmem>>
      %dma_wait3A_395 = arith.constant 0 : i32
      %dma_wait3A_396 = tpu.memref_slice %arg4[%dma_wait3A_395] : memref<160000xi32, #tpu.memory_space<hbm>> -> memref<3200xi32, #tpu.memory_space<hbm>>
      tpu.wait_dma2 semaphore(%arg19 : memref<!tpu.dma_semaphore, #tpu.memory_space<semaphore_mem>>) src(%dma_wait3A_396 : memref<3200xi32, #tpu.memory_space<hbm>>) dst(%dma_wait3A_394 : memref<3200xi32, #tpu.memory_space<vmem>>)
      %add3A_397 = arith.constant 1 : i32
      %add3A_398 = arith.addi %add3A_332, %add3A_397 : i32
      %lt3A = arith.constant 50 : i32
      %lt3A_399 = arith.cmpi slt, %add3A_398, %lt3A : i32
      %convert_element_type3A = arith.extui %lt3A_399 : i1 to i32
      %cond3A = arith.constant 0 : i32
      %cond3A_400 = arith.cmpi ne, %convert_element_type3A, %cond3A : i32
      scf.if %cond3A_400 {
        %add3A_420 = arith.constant 1 : i32
        %add3A_421 = arith.addi %add3A_332, %add3A_420 : i32
        %mul3A_422 = arith.constant 3200 : i32
        %mul3A_423 = arith.muli %add3A_421, %mul3A_422 : i32
        %dma_start3A_424 = arith.constant 0 : i32
        %dma_start3A_425 = tpu.memref_slice %arg6[%dma_start3A_424] : memref<3232xi32, #tpu.memory_space<vmem>> -> memref<3200xi32, #tpu.memory_space<vmem>>
        %dma_start3A_426 = tpu.memref_slice %arg3[%mul3A_423] : memref<160000xi32, #tpu.memory_space<hbm>> -> memref<3200xi32, #tpu.memory_space<hbm>>
        %dma_start3A_427 = arith.constant 0 : i32
        %dma_start3A_428 = tpu.memref_slice %arg6[%dma_start3A_427] : memref<3232xi32, #tpu.memory_space<vmem>> -> memref<3200xi32, #tpu.memory_space<vmem>>
        %dma_start3A_429 = tpu.memref_slice %arg3[%mul3A_423] : memref<160000xi32, #tpu.memory_space<hbm>> -> memref<3200xi32, #tpu.memory_space<hbm>>
        tpu.enqueue_dma source(%dma_start3A_429 : memref<3200xi32, #tpu.memory_space<hbm>>) target(%dma_start3A_428 : memref<3200xi32, #tpu.memory_space<vmem>>) target_semaphore(%arg18 : memref<!tpu.dma_semaphore, #tpu.memory_space<semaphore_mem>>)
        %mul3A_430 = arith.constant 3200 : i32
        %mul3A_431 = arith.muli %add3A_421, %mul3A_430 : i32
        %dma_start3A_432 = arith.constant 0 : i32
        %dma_start3A_433 = tpu.memref_slice %arg7[%dma_start3A_432] : memref<3232xi32, #tpu.memory_space<vmem>> -> memref<3200xi32, #tpu.memory_space<vmem>>
        %dma_start3A_434 = tpu.memref_slice %arg4[%mul3A_431] : memref<160000xi32, #tpu.memory_space<hbm>> -> memref<3200xi32, #tpu.memory_space<hbm>>
        %dma_start3A_435 = arith.constant 0 : i32
        %dma_start3A_436 = tpu.memref_slice %arg7[%dma_start3A_435] : memref<3232xi32, #tpu.memory_space<vmem>> -> memref<3200xi32, #tpu.memory_space<vmem>>
        %dma_start3A_437 = tpu.memref_slice %arg4[%mul3A_431] : memref<160000xi32, #tpu.memory_space<hbm>> -> memref<3200xi32, #tpu.memory_space<hbm>>
        tpu.enqueue_dma source(%dma_start3A_437 : memref<3200xi32, #tpu.memory_space<hbm>>) target(%dma_start3A_436 : memref<3200xi32, #tpu.memory_space<vmem>>) target_semaphore(%arg18 : memref<!tpu.dma_semaphore, #tpu.memory_space<semaphore_mem>>)
      } else {
      }
      %get3A_401 = arith.constant 0 : index
      %get3A_402 = tpu.vector_load %arg8[%get3A_401] {strides = array<i32>} : memref<3232xi32, #tpu.memory_space<vmem>>, vector<16xi32>,
      %get3A_403 = arith.constant 0 : index
      %get3A_404 = tpu.vector_load %arg9[%get3A_403] {strides = array<i32>} : memref<3232xi32, #tpu.memory_space<vmem>>, vector<16xi32>,
      %get3A_405 = arith.constant 16 : index
      %get3A_406 = tpu.vector_load %arg8[%get3A_405] {strides = array<i32>} : memref<3232xi32, #tpu.memory_space<vmem>>, vector<16xi32>,
      %get3A_407 = arith.constant 16 : index
      %get3A_408 = tpu.vector_load %arg9[%get3A_407] {strides = array<i32>} : memref<3232xi32, #tpu.memory_space<vmem>>, vector<16xi32>,
      %gather3A_409 = tpu.vector_load_idx %arg10[%get3A_402] : memref<10000xf32, #tpu.memory_space<vmem>>[vector<16xi32>], vector<16xf32>,
      %gather3A_410 = tpu.vector_load_idx %arg11[%get3A_402] : memref<10000xf32, #tpu.memory_space<vmem>>[vector<16xi32>], vector<16xf32>,
      %gather3A_411 = tpu.vector_load_idx %arg12[%get3A_402] : memref<10000xf32, #tpu.memory_space<vmem>>[vector<16xi32>], vector<16xf32>,
      %gather3A_412 = tpu.vector_load_idx %arg13[%get3A_402] : memref<10000xf32, #tpu.memory_space<vmem>>[vector<16xi32>], vector<16xf32>,
      %scan3A_413 = arith.constant 1 : i32
      %scan3A_414 = arith.constant 199 : i32
      %scan3A_415 = arith.addi %scan3A_413, %scan3A_414 : i32
      %scan3A_416 = arith.constant 1 : i32
      %scan3A_417:7 = scf.for %scan3A_420 = %scan3A_413 to %scan3A_415 step %scan3A_416 iter_args(%scan3A_421 = %get3A_406, %scan3A_422 = %get3A_408, %scan3A_423 = %get3A_404, %scan3A_424 = %gather3A_409, %scan3A_425 = %gather3A_410, %scan3A_426 = %gather3A_411, %scan3A_427 = %gather3A_412) -> (vector<16xi32>, vector<16xi32>, vector<16xi32>, vector<16xf32>, vector<16xf32>, vector<16xf32>, vector<16xf32>)  : i32 {
        %add3A_428 = arith.constant 1 : i32
        %add3A_429 = arith.addi %scan3A_420, %add3A_428 : i32
        %mul3A_430 = arith.constant 16 : i32
        %mul3A_431 = arith.muli %add3A_429, %mul3A_430 : i32
        %get3A_432 = arith.index_cast %mul3A_431 : i32 to index
        %get3A_433 = tpu.vector_load %arg8[%get3A_432] {strides = array<i32>} : memref<3232xi32, #tpu.memory_space<vmem>>, vector<16xi32>,
        %add3A_434 = arith.constant 1 : i32
        %add3A_435 = arith.addi %scan3A_420, %add3A_434 : i32
        %mul3A_436 = arith.constant 16 : i32
        %mul3A_437 = arith.muli %add3A_435, %mul3A_436 : i32
        %get3A_438 = arith.index_cast %mul3A_437 : i32 to index
        %get3A_439 = tpu.vector_load %arg9[%get3A_438] {strides = array<i32>} : memref<3232xi32, #tpu.memory_space<vmem>>, vector<16xi32>,
        %gather3A_440 = tpu.vector_load_idx %arg10[%scan3A_421] : memref<10000xf32, #tpu.memory_space<vmem>>[vector<16xi32>], vector<16xf32>,
        %gather3A_441 = tpu.vector_load_idx %arg11[%scan3A_421] : memref<10000xf32, #tpu.memory_space<vmem>>[vector<16xi32>], vector<16xf32>,
        %gather3A_442 = tpu.vector_load_idx %arg12[%scan3A_421] : memref<10000xf32, #tpu.memory_space<vmem>>[vector<16xi32>], vector<16xf32>,
        %gather3A_443 = tpu.vector_load_idx %arg13[%scan3A_421] : memref<10000xf32, #tpu.memory_space<vmem>>[vector<16xi32>], vector<16xf32>,
        tpu.vector_store_idx %arg14[%scan3A_423], %scan3A_424 {add = true} : memref<10000xf32, #tpu.memory_space<vmem>>[vector<16xi32>], vector<16xf32>,
        tpu.vector_store_idx %arg15[%scan3A_423], %scan3A_425 {add = true} : memref<10000xf32, #tpu.memory_space<vmem>>[vector<16xi32>], vector<16xf32>,
        tpu.vector_store_idx %arg16[%scan3A_423], %scan3A_426 {add = true} : memref<10000xf32, #tpu.memory_space<vmem>>[vector<16xi32>], vector<16xf32>,
        tpu.vector_store_idx %arg17[%scan3A_423], %scan3A_427 {add = true} : memref<10000xf32, #tpu.memory_space<vmem>>[vector<16xi32>], vector<16xf32>,
        scf.yield %get3A_433, %get3A_439, %scan3A_422, %gather3A_440, %gather3A_441, %gather3A_442, %gather3A_443 : vector<16xi32>, vector<16xi32>, vector<16xi32>, vector<16xf32>, vector<16xf32>, vector<16xf32>, vector<16xf32>
      }
      %scan3A_418 = arith.constant 199 : i32
      tpu.vector_store_idx %arg14[%scan3A_417#2], %scan3A_417#3 {add = true} : memref<10000xf32, #tpu.memory_space<vmem>>[vector<16xi32>], vector<16xf32>,
      tpu.vector_store_idx %arg15[%scan3A_417#2], %scan3A_417#4 {add = true} : memref<10000xf32, #tpu.memory_space<vmem>>[vector<16xi32>], vector<16xf32>,
      tpu.vector_store_idx %arg16[%scan3A_417#2], %scan3A_417#5 {add = true} : memref<10000xf32, #tpu.memory_space<vmem>>[vector<16xi32>], vector<16xf32>,
      tpu.vector_store_idx %arg17[%scan3A_417#2], %scan3A_417#6 {add = true} : memref<10000xf32, #tpu.memory_space<vmem>>[vector<16xi32>], vector<16xf32>,
      %scan3A_419 = arith.constant 0 : i32
      scf.yield %scan3A_419 : i32
    }
    %scan3A_262 = arith.constant 25 : i32
    %add3A_263 = arith.constant 0 : i32
    %add3A_264 = arith.addi %add3A_132, %add3A_263 : i32
    %dma_start3A_265 = arith.constant 0 : i32
    %dma_start3A_266 = tpu.memref_slice %arg5[%add3A_264, %dma_start3A_265] : memref<256x10000xf32, #tpu.memory_space<hbm>> -> memref<1x10000xf32, #tpu.memory_space<hbm>>
    %dma_start3A_267 = tpu.memref_squeeze %dma_start3A_266 : memref<1x10000xf32, #tpu.memory_space<hbm>> -> memref<10000xf32, #tpu.memory_space<hbm>>
    %dma_start3A_268 = arith.constant 0 : i32
    %dma_start3A_269 = tpu.memref_slice %arg5[%add3A_264, %dma_start3A_268] : memref<256x10000xf32, #tpu.memory_space<hbm>> -> memref<1x10000xf32, #tpu.memory_space<hbm>>
    %dma_start3A_270 = tpu.memref_squeeze %dma_start3A_269 : memref<1x10000xf32, #tpu.memory_space<hbm>> -> memref<10000xf32, #tpu.memory_space<hbm>>
    tpu.enqueue_dma source(%arg14 : memref<10000xf32, #tpu.memory_space<vmem>>) target(%dma_start3A_270 : memref<10000xf32, #tpu.memory_space<hbm>>) target_semaphore(%arg21 : memref<!tpu.dma_semaphore, #tpu.memory_space<semaphore_mem>>)
    %add3A_271 = arith.constant 1 : i32
    %add3A_272 = arith.addi %add3A_132, %add3A_271 : i32
    %dma_start3A_273 = arith.constant 0 : i32
    %dma_start3A_274 = tpu.memref_slice %arg5[%add3A_272, %dma_start3A_273] : memref<256x10000xf32, #tpu.memory_space<hbm>> -> memref<1x10000xf32, #tpu.memory_space<hbm>>
    %dma_start3A_275 = tpu.memref_squeeze %dma_start3A_274 : memref<1x10000xf32, #tpu.memory_space<hbm>> -> memref<10000xf32, #tpu.memory_space<hbm>>
    %dma_start3A_276 = arith.constant 0 : i32
    %dma_start3A_277 = tpu.memref_slice %arg5[%add3A_272, %dma_start3A_276] : memref<256x10000xf32, #tpu.memory_space<hbm>> -> memref<1x10000xf32, #tpu.memory_space<hbm>>
    %dma_start3A_278 = tpu.memref_squeeze %dma_start3A_277 : memref<1x10000xf32, #tpu.memory_space<hbm>> -> memref<10000xf32, #tpu.memory_space<hbm>>
    tpu.enqueue_dma source(%arg15 : memref<10000xf32, #tpu.memory_space<vmem>>) target(%dma_start3A_278 : memref<10000xf32, #tpu.memory_space<hbm>>) target_semaphore(%arg21 : memref<!tpu.dma_semaphore, #tpu.memory_space<semaphore_mem>>)
    %add3A_279 = arith.constant 2 : i32
    %add3A_280 = arith.addi %add3A_132, %add3A_279 : i32
    %dma_start3A_281 = arith.constant 0 : i32
    %dma_start3A_282 = tpu.memref_slice %arg5[%add3A_280, %dma_start3A_281] : memref<256x10000xf32, #tpu.memory_space<hbm>> -> memref<1x10000xf32, #tpu.memory_space<hbm>>
    %dma_start3A_283 = tpu.memref_squeeze %dma_start3A_282 : memref<1x10000xf32, #tpu.memory_space<hbm>> -> memref<10000xf32, #tpu.memory_space<hbm>>
    %dma_start3A_284 = arith.constant 0 : i32
    %dma_start3A_285 = tpu.memref_slice %arg5[%add3A_280, %dma_start3A_284] : memref<256x10000xf32, #tpu.memory_space<hbm>> -> memref<1x10000xf32, #tpu.memory_space<hbm>>
    %dma_start3A_286 = tpu.memref_squeeze %dma_start3A_285 : memref<1x10000xf32, #tpu.memory_space<hbm>> -> memref<10000xf32, #tpu.memory_space<hbm>>
    tpu.enqueue_dma source(%arg16 : memref<10000xf32, #tpu.memory_space<vmem>>) target(%dma_start3A_286 : memref<10000xf32, #tpu.memory_space<hbm>>) target_semaphore(%arg21 : memref<!tpu.dma_semaphore, #tpu.memory_space<semaphore_mem>>)
    %add3A_287 = arith.constant 3 : i32
    %add3A_288 = arith.addi %add3A_132, %add3A_287 : i32
    %dma_start3A_289 = arith.constant 0 : i32
    %dma_start3A_290 = tpu.memref_slice %arg5[%add3A_288, %dma_start3A_289] : memref<256x10000xf32, #tpu.memory_space<hbm>> -> memref<1x10000xf32, #tpu.memory_space<hbm>>
    %dma_start3A_291 = tpu.memref_squeeze %dma_start3A_290 : memref<1x10000xf32, #tpu.memory_space<hbm>> -> memref<10000xf32, #tpu.memory_space<hbm>>
    %dma_start3A_292 = arith.constant 0 : i32
    %dma_start3A_293 = tpu.memref_slice %arg5[%add3A_288, %dma_start3A_292] : memref<256x10000xf32, #tpu.memory_space<hbm>> -> memref<1x10000xf32, #tpu.memory_space<hbm>>
    %dma_start3A_294 = tpu.memref_squeeze %dma_start3A_293 : memref<1x10000xf32, #tpu.memory_space<hbm>> -> memref<10000xf32, #tpu.memory_space<hbm>>
    tpu.enqueue_dma source(%arg17 : memref<10000xf32, #tpu.memory_space<vmem>>) target(%dma_start3A_294 : memref<10000xf32, #tpu.memory_space<hbm>>) target_semaphore(%arg21 : memref<!tpu.dma_semaphore, #tpu.memory_space<semaphore_mem>>)
    %add3A_295 = arith.constant 0 : i32
    %add3A_296 = arith.addi %add3A_132, %add3A_295 : i32
    %dma_wait3A_297 = arith.constant 0 : i32
    %dma_wait3A_298 = tpu.memref_slice %arg5[%add3A_296, %dma_wait3A_297] : memref<256x10000xf32, #tpu.memory_space<hbm>> -> memref<1x10000xf32, #tpu.memory_space<hbm>>
    %dma_wait3A_299 = tpu.memref_squeeze %dma_wait3A_298 : memref<1x10000xf32, #tpu.memory_space<hbm>> -> memref<10000xf32, #tpu.memory_space<hbm>>
    %dma_wait3A_300 = arith.constant 0 : i32
    %dma_wait3A_301 = tpu.memref_slice %arg5[%add3A_296, %dma_wait3A_300] : memref<256x10000xf32, #tpu.memory_space<hbm>> -> memref<1x10000xf32, #tpu.memory_space<hbm>>
    %dma_wait3A_302 = tpu.memref_squeeze %dma_wait3A_301 : memref<1x10000xf32, #tpu.memory_space<hbm>> -> memref<10000xf32, #tpu.memory_space<hbm>>
    tpu.wait_dma2 semaphore(%arg21 : memref<!tpu.dma_semaphore, #tpu.memory_space<semaphore_mem>>) src(%arg14 : memref<10000xf32, #tpu.memory_space<vmem>>) dst(%dma_wait3A_302 : memref<10000xf32, #tpu.memory_space<hbm>>)
    %add3A_303 = arith.constant 1 : i32
    %add3A_304 = arith.addi %add3A_132, %add3A_303 : i32
    %dma_wait3A_305 = arith.constant 0 : i32
    %dma_wait3A_306 = tpu.memref_slice %arg5[%add3A_304, %dma_wait3A_305] : memref<256x10000xf32, #tpu.memory_space<hbm>> -> memref<1x10000xf32, #tpu.memory_space<hbm>>
    %dma_wait3A_307 = tpu.memref_squeeze %dma_wait3A_306 : memref<1x10000xf32, #tpu.memory_space<hbm>> -> memref<10000xf32, #tpu.memory_space<hbm>>
    %dma_wait3A_308 = arith.constant 0 : i32
    %dma_wait3A_309 = tpu.memref_slice %arg5[%add3A_304, %dma_wait3A_308] : memref<256x10000xf32, #tpu.memory_space<hbm>> -> memref<1x10000xf32, #tpu.memory_space<hbm>>
    %dma_wait3A_310 = tpu.memref_squeeze %dma_wait3A_309 : memref<1x10000xf32, #tpu.memory_space<hbm>> -> memref<10000xf32, #tpu.memory_space<hbm>>
    tpu.wait_dma2 semaphore(%arg21 : memref<!tpu.dma_semaphore, #tpu.memory_space<semaphore_mem>>) src(%arg15 : memref<10000xf32, #tpu.memory_space<vmem>>) dst(%dma_wait3A_310 : memref<10000xf32, #tpu.memory_space<hbm>>)
    %add3A_311 = arith.constant 2 : i32
    %add3A_312 = arith.addi %add3A_132, %add3A_311 : i32
    %dma_wait3A_313 = arith.constant 0 : i32
    %dma_wait3A_314 = tpu.memref_slice %arg5[%add3A_312, %dma_wait3A_313] : memref<256x10000xf32, #tpu.memory_space<hbm>> -> memref<1x10000xf32, #tpu.memory_space<hbm>>
    %dma_wait3A_315 = tpu.memref_squeeze %dma_wait3A_314 : memref<1x10000xf32, #tpu.memory_space<hbm>> -> memref<10000xf32, #tpu.memory_space<hbm>>
    %dma_wait3A_316 = arith.constant 0 : i32
    %dma_wait3A_317 = tpu.memref_slice %arg5[%add3A_312, %dma_wait3A_316] : memref<256x10000xf32, #tpu.memory_space<hbm>> -> memref<1x10000xf32, #tpu.memory_space<hbm>>
    %dma_wait3A_318 = tpu.memref_squeeze %dma_wait3A_317 : memref<1x10000xf32, #tpu.memory_space<hbm>> -> memref<10000xf32, #tpu.memory_space<hbm>>
    tpu.wait_dma2 semaphore(%arg21 : memref<!tpu.dma_semaphore, #tpu.memory_space<semaphore_mem>>) src(%arg16 : memref<10000xf32, #tpu.memory_space<vmem>>) dst(%dma_wait3A_318 : memref<10000xf32, #tpu.memory_space<hbm>>)
    %add3A_319 = arith.constant 3 : i32
    %add3A_320 = arith.addi %add3A_132, %add3A_319 : i32
    %dma_wait3A_321 = arith.constant 0 : i32
    %dma_wait3A_322 = tpu.memref_slice %arg5[%add3A_320, %dma_wait3A_321] : memref<256x10000xf32, #tpu.memory_space<hbm>> -> memref<1x10000xf32, #tpu.memory_space<hbm>>
    %dma_wait3A_323 = tpu.memref_squeeze %dma_wait3A_322 : memref<1x10000xf32, #tpu.memory_space<hbm>> -> memref<10000xf32, #tpu.memory_space<hbm>>
    %dma_wait3A_324 = arith.constant 0 : i32
    %dma_wait3A_325 = tpu.memref_slice %arg5[%add3A_320, %dma_wait3A_324] : memref<256x10000xf32, #tpu.memory_space<hbm>> -> memref<1x10000xf32, #tpu.memory_space<hbm>>
    %dma_wait3A_326 = tpu.memref_squeeze %dma_wait3A_325 : memref<1x10000xf32, #tpu.memory_space<hbm>> -> memref<10000xf32, #tpu.memory_space<hbm>>
    tpu.wait_dma2 semaphore(%arg21 : memref<!tpu.dma_semaphore, #tpu.memory_space<semaphore_mem>>) src(%arg17 : memref<10000xf32, #tpu.memory_space<vmem>>) dst(%dma_wait3A_326 : memref<10000xf32, #tpu.memory_space<hbm>>)
    return
  }
}

#map = affine_map<(d0, d1) -> (0)>
module attributes {stable_mosaic.version = 14 : i64} {
  func.func @_deg_body(%arg0: i32, %arg1: i32, %arg2: memref<160000xi32, #tpu.memory_space<hbm>>, %arg3: memref<10000xf32, #tpu.memory_space<hbm>>, %arg4: memref<10000xi32, #tpu.memory_space<vmem>>, %arg5: memref<10240xf32, #tpu.memory_space<vmem>>, %arg6: memref<16x640xf32, #tpu.memory_space<vmem>>, %arg7: memref<640xf32, #tpu.memory_space<vmem>>, %arg8: memref<16x10240xf32, #tpu.memory_space<vmem_shared>>, %arg9: memref<!tpu.dma_semaphore, #tpu.memory_space<semaphore_mem>>) attributes {dimension_semantics = [#tpu.dimension_semantics<core_parallel>, #tpu.dimension_semantics<subcore_parallel>], iteration_bounds = array<i64: 2, 16>, scalar_prefetch = 0 : i64, scratch_operands = 6 : i64, tpu.core_type = #tpu.core_type<sc_vector_subcore>, window_params = [{transform_indices = #map}, {transform_indices = #map}]} {
    %broadcast_in_dim3A = arith.constant 0.000000e+00 : f32
    %broadcast_in_dim3A_0 = vector.broadcast %broadcast_in_dim3A : f32 to vector<16xf32>
    %broadcast_in_dim3A_1 = arith.constant 1.000000e+00 : f32
    %broadcast_in_dim3A_2 = vector.broadcast %broadcast_in_dim3A_1 : f32 to vector<16xf32>
    %scan3A = arith.constant 0 : i32
    %scan3A_3 = arith.constant 0 : i32
    %scan3A_4 = arith.constant 640 : i32
    %scan3A_5 = arith.addi %scan3A_3, %scan3A_4 : i32
    %scan3A_6 = arith.constant 1 : i32
    %scan3A_7 = scf.for %scan3A_481 = %scan3A_3 to %scan3A_5 step %scan3A_6 iter_args(%scan3A_482 = %scan3A) -> (i32)  : i32 {
      %mul3A_483 = arith.constant 16 : i32
      %mul3A_484 = arith.muli %scan3A_481, %mul3A_483 : i32
      %swap3A = arith.index_cast %mul3A_484 : i32 to index
      %swap3A_485 = tpu.vector_load %arg5[%swap3A] {strides = array<i32>} : memref<10240xf32, #tpu.memory_space<vmem>>, vector<16xf32>,
      tpu.vector_store %arg5[%swap3A], %broadcast_in_dim3A_0 {strides = array<i32>} : memref<10240xf32, #tpu.memory_space<vmem>>, vector<16xf32>,
      %scan3A_486 = arith.constant 0 : i32
      scf.yield %scan3A_486 : i32
    }
    %scan3A_8 = arith.constant 640 : i32
    %mul3A = arith.constant 10000 : i32
    %mul3A_9 = arith.muli %arg1, %mul3A : i32
    "tpu.region"() ({
      %run_scoped3A = tpu.sem_alloc : memref<!tpu.dma_semaphore, #tpu.memory_space<semaphore_mem>>
      %dma_start3A_481 = tpu.memref_slice %arg2[%mul3A_9] : memref<160000xi32, #tpu.memory_space<hbm>> -> memref<10000xi32, #tpu.memory_space<hbm>>
      %dma_start3A_482 = tpu.memref_slice %arg2[%mul3A_9] : memref<160000xi32, #tpu.memory_space<hbm>> -> memref<10000xi32, #tpu.memory_space<hbm>>
      tpu.enqueue_dma source(%dma_start3A_482 : memref<10000xi32, #tpu.memory_space<hbm>>) target(%arg4 : memref<10000xi32, #tpu.memory_space<vmem>>) target_semaphore(%run_scoped3A : memref<!tpu.dma_semaphore, #tpu.memory_space<semaphore_mem>>)
      %dma_wait3A_483 = tpu.memref_slice %arg2[%mul3A_9] : memref<160000xi32, #tpu.memory_space<hbm>> -> memref<10000xi32, #tpu.memory_space<hbm>>
      %dma_wait3A_484 = tpu.memref_slice %arg2[%mul3A_9] : memref<160000xi32, #tpu.memory_space<hbm>> -> memref<10000xi32, #tpu.memory_space<hbm>>
      tpu.wait_dma2 semaphore(%run_scoped3A : memref<!tpu.dma_semaphore, #tpu.memory_space<semaphore_mem>>) src(%dma_wait3A_484 : memref<10000xi32, #tpu.memory_space<hbm>>) dst(%arg4 : memref<10000xi32, #tpu.memory_space<vmem>>)
      tpu.yield
    }) : () -> ()
    %scan3A_10 = arith.constant 0 : i32
    %scan3A_11 = arith.constant 0 : i32
    %scan3A_12 = arith.constant 625 : i32
    %scan3A_13 = arith.addi %scan3A_11, %scan3A_12 : i32
    %scan3A_14 = arith.constant 1 : i32
    %scan3A_15 = scf.for %scan3A_481 = %scan3A_11 to %scan3A_13 step %scan3A_14 iter_args(%scan3A_482 = %scan3A_10) -> (i32)  : i32 {
      %mul3A_483 = arith.constant 16 : i32
      %mul3A_484 = arith.muli %scan3A_481, %mul3A_483 : i32
      %get3A = arith.index_cast %mul3A_484 : i32 to index
      %get3A_485 = tpu.vector_load %arg4[%get3A] {strides = array<i32>} : memref<10000xi32, #tpu.memory_space<vmem>>, vector<16xi32>,
      tpu.vector_store_idx %arg5[%get3A_485], %broadcast_in_dim3A_2 {add = true} : memref<10240xf32, #tpu.memory_space<vmem>>[vector<16xi32>], vector<16xf32>,
      %scan3A_486 = arith.constant 0 : i32
      scf.yield %scan3A_486 : i32
    }
    %scan3A_16 = arith.constant 625 : i32
    "tpu.region"() ({
      %run_scoped3A = tpu.sem_alloc : memref<!tpu.dma_semaphore, #tpu.memory_space<semaphore_mem>>
      %dma_start3A_481 = arith.constant 0 : i32
      %dma_start3A_482 = tpu.memref_slice %arg8[%arg1, %dma_start3A_481] : memref<16x10240xf32, #tpu.memory_space<vmem_shared>> -> memref<1x10240xf32, #tpu.memory_space<vmem_shared>>
      %dma_start3A_483 = tpu.memref_squeeze %dma_start3A_482 : memref<1x10240xf32, #tpu.memory_space<vmem_shared>> -> memref<10240xf32, #tpu.memory_space<vmem_shared>>
      %dma_start3A_484 = arith.constant 0 : i32
      %dma_start3A_485 = tpu.memref_slice %arg8[%arg1, %dma_start3A_484] : memref<16x10240xf32, #tpu.memory_space<vmem_shared>> -> memref<1x10240xf32, #tpu.memory_space<vmem_shared>>
      %dma_start3A_486 = tpu.memref_squeeze %dma_start3A_485 : memref<1x10240xf32, #tpu.memory_space<vmem_shared>> -> memref<10240xf32, #tpu.memory_space<vmem_shared>>
      tpu.enqueue_dma source(%arg5 : memref<10240xf32, #tpu.memory_space<vmem>>) target(%dma_start3A_486 : memref<10240xf32, #tpu.memory_space<vmem_shared>>) target_semaphore(%run_scoped3A : memref<!tpu.dma_semaphore, #tpu.memory_space<semaphore_mem>>)
      %dma_wait3A_487 = arith.constant 0 : i32
      %dma_wait3A_488 = tpu.memref_slice %arg8[%arg1, %dma_wait3A_487] : memref<16x10240xf32, #tpu.memory_space<vmem_shared>> -> memref<1x10240xf32, #tpu.memory_space<vmem_shared>>
      %dma_wait3A_489 = tpu.memref_squeeze %dma_wait3A_488 : memref<1x10240xf32, #tpu.memory_space<vmem_shared>> -> memref<10240xf32, #tpu.memory_space<vmem_shared>>
      %dma_wait3A_490 = arith.constant 0 : i32
      %dma_wait3A_491 = tpu.memref_slice %arg8[%arg1, %dma_wait3A_490] : memref<16x10240xf32, #tpu.memory_space<vmem_shared>> -> memref<1x10240xf32, #tpu.memory_space<vmem_shared>>
      %dma_wait3A_492 = tpu.memref_squeeze %dma_wait3A_491 : memref<1x10240xf32, #tpu.memory_space<vmem_shared>> -> memref<10240xf32, #tpu.memory_space<vmem_shared>>
      tpu.wait_dma2 semaphore(%run_scoped3A : memref<!tpu.dma_semaphore, #tpu.memory_space<semaphore_mem>>) src(%arg5 : memref<10240xf32, #tpu.memory_space<vmem>>) dst(%dma_wait3A_492 : memref<10240xf32, #tpu.memory_space<vmem_shared>>)
      tpu.yield
    }) : () -> ()
    %barrier3A = arith.constant 0 : index
    tpu.barrier barrier_id(%barrier3A)
    %mul3A_17 = arith.constant 640 : i32
    %mul3A_18 = arith.muli %arg1, %mul3A_17 : i32
    %dma_start3A = arith.constant 0 : i32
    %dma_start3A_19 = arith.constant 0 : i32
    %dma_start3A_20 = arith.constant 0 : i32
    %dma_start3A_21 = tpu.memref_slice %arg6[%dma_start3A_19, %dma_start3A_20] : memref<16x640xf32, #tpu.memory_space<vmem>> -> memref<1x640xf32, #tpu.memory_space<vmem>>
    %dma_start3A_22 = tpu.memref_squeeze %dma_start3A_21 : memref<1x640xf32, #tpu.memory_space<vmem>> -> memref<640xf32, #tpu.memory_space<vmem>>
    %dma_start3A_23 = tpu.memref_slice %arg8[%dma_start3A, %mul3A_18] : memref<16x10240xf32, #tpu.memory_space<vmem_shared>> -> memref<1x640xf32, #tpu.memory_space<vmem_shared>>
    %dma_start3A_24 = tpu.memref_squeeze %dma_start3A_23 : memref<1x640xf32, #tpu.memory_space<vmem_shared>> -> memref<640xf32, #tpu.memory_space<vmem_shared>>
    %dma_start3A_25 = arith.constant 0 : i32
    %dma_start3A_26 = tpu.memref_slice %arg6[%dma_start3A_19, %dma_start3A_25] : memref<16x640xf32, #tpu.memory_space<vmem>> -> memref<1x640xf32, #tpu.memory_space<vmem>>
    %dma_start3A_27 = tpu.memref_squeeze %dma_start3A_26 : memref<1x640xf32, #tpu.memory_space<vmem>> -> memref<640xf32, #tpu.memory_space<vmem>>
    %dma_start3A_28 = tpu.memref_slice %arg8[%dma_start3A, %mul3A_18] : memref<16x10240xf32, #tpu.memory_space<vmem_shared>> -> memref<1x640xf32, #tpu.memory_space<vmem_shared>>
    %dma_start3A_29 = tpu.memref_squeeze %dma_start3A_28 : memref<1x640xf32, #tpu.memory_space<vmem_shared>> -> memref<640xf32, #tpu.memory_space<vmem_shared>>
    tpu.enqueue_dma source(%dma_start3A_29 : memref<640xf32, #tpu.memory_space<vmem_shared>>) target(%dma_start3A_27 : memref<640xf32, #tpu.memory_space<vmem>>) target_semaphore(%arg9 : memref<!tpu.dma_semaphore, #tpu.memory_space<semaphore_mem>>)
    %mul3A_30 = arith.constant 640 : i32
    %mul3A_31 = arith.muli %arg1, %mul3A_30 : i32
    %dma_start3A_32 = arith.constant 1 : i32
    %dma_start3A_33 = arith.constant 1 : i32
    %dma_start3A_34 = arith.constant 0 : i32
    %dma_start3A_35 = tpu.memref_slice %arg6[%dma_start3A_33, %dma_start3A_34] : memref<16x640xf32, #tpu.memory_space<vmem>> -> memref<1x640xf32, #tpu.memory_space<vmem>>
    %dma_start3A_36 = tpu.memref_squeeze %dma_start3A_35 : memref<1x640xf32, #tpu.memory_space<vmem>> -> memref<640xf32, #tpu.memory_space<vmem>>
    %dma_start3A_37 = tpu.memref_slice %arg8[%dma_start3A_32, %mul3A_31] : memref<16x10240xf32, #tpu.memory_space<vmem_shared>> -> memref<1x640xf32, #tpu.memory_space<vmem_shared>>
    %dma_start3A_38 = tpu.memref_squeeze %dma_start3A_37 : memref<1x640xf32, #tpu.memory_space<vmem_shared>> -> memref<640xf32, #tpu.memory_space<vmem_shared>>
    %dma_start3A_39 = arith.constant 0 : i32
    %dma_start3A_40 = tpu.memref_slice %arg6[%dma_start3A_33, %dma_start3A_39] : memref<16x640xf32, #tpu.memory_space<vmem>> -> memref<1x640xf32, #tpu.memory_space<vmem>>
    %dma_start3A_41 = tpu.memref_squeeze %dma_start3A_40 : memref<1x640xf32, #tpu.memory_space<vmem>> -> memref<640xf32, #tpu.memory_space<vmem>>
    %dma_start3A_42 = tpu.memref_slice %arg8[%dma_start3A_32, %mul3A_31] : memref<16x10240xf32, #tpu.memory_space<vmem_shared>> -> memref<1x640xf32, #tpu.memory_space<vmem_shared>>
    %dma_start3A_43 = tpu.memref_squeeze %dma_start3A_42 : memref<1x640xf32, #tpu.memory_space<vmem_shared>> -> memref<640xf32, #tpu.memory_space<vmem_shared>>
    tpu.enqueue_dma source(%dma_start3A_43 : memref<640xf32, #tpu.memory_space<vmem_shared>>) target(%dma_start3A_41 : memref<640xf32, #tpu.memory_space<vmem>>) target_semaphore(%arg9 : memref<!tpu.dma_semaphore, #tpu.memory_space<semaphore_mem>>)
    %mul3A_44 = arith.constant 640 : i32
    %mul3A_45 = arith.muli %arg1, %mul3A_44 : i32
    %dma_start3A_46 = arith.constant 2 : i32
    %dma_start3A_47 = arith.constant 2 : i32
    %dma_start3A_48 = arith.constant 0 : i32
    %dma_start3A_49 = tpu.memref_slice %arg6[%dma_start3A_47, %dma_start3A_48] : memref<16x640xf32, #tpu.memory_space<vmem>> -> memref<1x640xf32, #tpu.memory_space<vmem>>
    %dma_start3A_50 = tpu.memref_squeeze %dma_start3A_49 : memref<1x640xf32, #tpu.memory_space<vmem>> -> memref<640xf32, #tpu.memory_space<vmem>>
    %dma_start3A_51 = tpu.memref_slice %arg8[%dma_start3A_46, %mul3A_45] : memref<16x10240xf32, #tpu.memory_space<vmem_shared>> -> memref<1x640xf32, #tpu.memory_space<vmem_shared>>
    %dma_start3A_52 = tpu.memref_squeeze %dma_start3A_51 : memref<1x640xf32, #tpu.memory_space<vmem_shared>> -> memref<640xf32, #tpu.memory_space<vmem_shared>>
    %dma_start3A_53 = arith.constant 0 : i32
    %dma_start3A_54 = tpu.memref_slice %arg6[%dma_start3A_47, %dma_start3A_53] : memref<16x640xf32, #tpu.memory_space<vmem>> -> memref<1x640xf32, #tpu.memory_space<vmem>>
    %dma_start3A_55 = tpu.memref_squeeze %dma_start3A_54 : memref<1x640xf32, #tpu.memory_space<vmem>> -> memref<640xf32, #tpu.memory_space<vmem>>
    %dma_start3A_56 = tpu.memref_slice %arg8[%dma_start3A_46, %mul3A_45] : memref<16x10240xf32, #tpu.memory_space<vmem_shared>> -> memref<1x640xf32, #tpu.memory_space<vmem_shared>>
    %dma_start3A_57 = tpu.memref_squeeze %dma_start3A_56 : memref<1x640xf32, #tpu.memory_space<vmem_shared>> -> memref<640xf32, #tpu.memory_space<vmem_shared>>
    tpu.enqueue_dma source(%dma_start3A_57 : memref<640xf32, #tpu.memory_space<vmem_shared>>) target(%dma_start3A_55 : memref<640xf32, #tpu.memory_space<vmem>>) target_semaphore(%arg9 : memref<!tpu.dma_semaphore, #tpu.memory_space<semaphore_mem>>)
    %mul3A_58 = arith.constant 640 : i32
    %mul3A_59 = arith.muli %arg1, %mul3A_58 : i32
    %dma_start3A_60 = arith.constant 3 : i32
    %dma_start3A_61 = arith.constant 3 : i32
    %dma_start3A_62 = arith.constant 0 : i32
    %dma_start3A_63 = tpu.memref_slice %arg6[%dma_start3A_61, %dma_start3A_62] : memref<16x640xf32, #tpu.memory_space<vmem>> -> memref<1x640xf32, #tpu.memory_space<vmem>>
    %dma_start3A_64 = tpu.memref_squeeze %dma_start3A_63 : memref<1x640xf32, #tpu.memory_space<vmem>> -> memref<640xf32, #tpu.memory_space<vmem>>
    %dma_start3A_65 = tpu.memref_slice %arg8[%dma_start3A_60, %mul3A_59] : memref<16x10240xf32, #tpu.memory_space<vmem_shared>> -> memref<1x640xf32, #tpu.memory_space<vmem_shared>>
    %dma_start3A_66 = tpu.memref_squeeze %dma_start3A_65 : memref<1x640xf32, #tpu.memory_space<vmem_shared>> -> memref<640xf32, #tpu.memory_space<vmem_shared>>
    %dma_start3A_67 = arith.constant 0 : i32
    %dma_start3A_68 = tpu.memref_slice %arg6[%dma_start3A_61, %dma_start3A_67] : memref<16x640xf32, #tpu.memory_space<vmem>> -> memref<1x640xf32, #tpu.memory_space<vmem>>
    %dma_start3A_69 = tpu.memref_squeeze %dma_start3A_68 : memref<1x640xf32, #tpu.memory_space<vmem>> -> memref<640xf32, #tpu.memory_space<vmem>>
    %dma_start3A_70 = tpu.memref_slice %arg8[%dma_start3A_60, %mul3A_59] : memref<16x10240xf32, #tpu.memory_space<vmem_shared>> -> memref<1x640xf32, #tpu.memory_space<vmem_shared>>
    %dma_start3A_71 = tpu.memref_squeeze %dma_start3A_70 : memref<1x640xf32, #tpu.memory_space<vmem_shared>> -> memref<640xf32, #tpu.memory_space<vmem_shared>>
    tpu.enqueue_dma source(%dma_start3A_71 : memref<640xf32, #tpu.memory_space<vmem_shared>>) target(%dma_start3A_69 : memref<640xf32, #tpu.memory_space<vmem>>) target_semaphore(%arg9 : memref<!tpu.dma_semaphore, #tpu.memory_space<semaphore_mem>>)
    %mul3A_72 = arith.constant 640 : i32
    %mul3A_73 = arith.muli %arg1, %mul3A_72 : i32
    %dma_start3A_74 = arith.constant 4 : i32
    %dma_start3A_75 = arith.constant 4 : i32
    %dma_start3A_76 = arith.constant 0 : i32
    %dma_start3A_77 = tpu.memref_slice %arg6[%dma_start3A_75, %dma_start3A_76] : memref<16x640xf32, #tpu.memory_space<vmem>> -> memref<1x640xf32, #tpu.memory_space<vmem>>
    %dma_start3A_78 = tpu.memref_squeeze %dma_start3A_77 : memref<1x640xf32, #tpu.memory_space<vmem>> -> memref<640xf32, #tpu.memory_space<vmem>>
    %dma_start3A_79 = tpu.memref_slice %arg8[%dma_start3A_74, %mul3A_73] : memref<16x10240xf32, #tpu.memory_space<vmem_shared>> -> memref<1x640xf32, #tpu.memory_space<vmem_shared>>
    %dma_start3A_80 = tpu.memref_squeeze %dma_start3A_79 : memref<1x640xf32, #tpu.memory_space<vmem_shared>> -> memref<640xf32, #tpu.memory_space<vmem_shared>>
    %dma_start3A_81 = arith.constant 0 : i32
    %dma_start3A_82 = tpu.memref_slice %arg6[%dma_start3A_75, %dma_start3A_81] : memref<16x640xf32, #tpu.memory_space<vmem>> -> memref<1x640xf32, #tpu.memory_space<vmem>>
    %dma_start3A_83 = tpu.memref_squeeze %dma_start3A_82 : memref<1x640xf32, #tpu.memory_space<vmem>> -> memref<640xf32, #tpu.memory_space<vmem>>
    %dma_start3A_84 = tpu.memref_slice %arg8[%dma_start3A_74, %mul3A_73] : memref<16x10240xf32, #tpu.memory_space<vmem_shared>> -> memref<1x640xf32, #tpu.memory_space<vmem_shared>>
    %dma_start3A_85 = tpu.memref_squeeze %dma_start3A_84 : memref<1x640xf32, #tpu.memory_space<vmem_shared>> -> memref<640xf32, #tpu.memory_space<vmem_shared>>
    tpu.enqueue_dma source(%dma_start3A_85 : memref<640xf32, #tpu.memory_space<vmem_shared>>) target(%dma_start3A_83 : memref<640xf32, #tpu.memory_space<vmem>>) target_semaphore(%arg9 : memref<!tpu.dma_semaphore, #tpu.memory_space<semaphore_mem>>)
    %mul3A_86 = arith.constant 640 : i32
    %mul3A_87 = arith.muli %arg1, %mul3A_86 : i32
    %dma_start3A_88 = arith.constant 5 : i32
    %dma_start3A_89 = arith.constant 5 : i32
    %dma_start3A_90 = arith.constant 0 : i32
    %dma_start3A_91 = tpu.memref_slice %arg6[%dma_start3A_89, %dma_start3A_90] : memref<16x640xf32, #tpu.memory_space<vmem>> -> memref<1x640xf32, #tpu.memory_space<vmem>>
    %dma_start3A_92 = tpu.memref_squeeze %dma_start3A_91 : memref<1x640xf32, #tpu.memory_space<vmem>> -> memref<640xf32, #tpu.memory_space<vmem>>
    %dma_start3A_93 = tpu.memref_slice %arg8[%dma_start3A_88, %mul3A_87] : memref<16x10240xf32, #tpu.memory_space<vmem_shared>> -> memref<1x640xf32, #tpu.memory_space<vmem_shared>>
    %dma_start3A_94 = tpu.memref_squeeze %dma_start3A_93 : memref<1x640xf32, #tpu.memory_space<vmem_shared>> -> memref<640xf32, #tpu.memory_space<vmem_shared>>
    %dma_start3A_95 = arith.constant 0 : i32
    %dma_start3A_96 = tpu.memref_slice %arg6[%dma_start3A_89, %dma_start3A_95] : memref<16x640xf32, #tpu.memory_space<vmem>> -> memref<1x640xf32, #tpu.memory_space<vmem>>
    %dma_start3A_97 = tpu.memref_squeeze %dma_start3A_96 : memref<1x640xf32, #tpu.memory_space<vmem>> -> memref<640xf32, #tpu.memory_space<vmem>>
    %dma_start3A_98 = tpu.memref_slice %arg8[%dma_start3A_88, %mul3A_87] : memref<16x10240xf32, #tpu.memory_space<vmem_shared>> -> memref<1x640xf32, #tpu.memory_space<vmem_shared>>
    %dma_start3A_99 = tpu.memref_squeeze %dma_start3A_98 : memref<1x640xf32, #tpu.memory_space<vmem_shared>> -> memref<640xf32, #tpu.memory_space<vmem_shared>>
    tpu.enqueue_dma source(%dma_start3A_99 : memref<640xf32, #tpu.memory_space<vmem_shared>>) target(%dma_start3A_97 : memref<640xf32, #tpu.memory_space<vmem>>) target_semaphore(%arg9 : memref<!tpu.dma_semaphore, #tpu.memory_space<semaphore_mem>>)
    %mul3A_100 = arith.constant 640 : i32
    %mul3A_101 = arith.muli %arg1, %mul3A_100 : i32
    %dma_start3A_102 = arith.constant 6 : i32
    %dma_start3A_103 = arith.constant 6 : i32
    %dma_start3A_104 = arith.constant 0 : i32
    %dma_start3A_105 = tpu.memref_slice %arg6[%dma_start3A_103, %dma_start3A_104] : memref<16x640xf32, #tpu.memory_space<vmem>> -> memref<1x640xf32, #tpu.memory_space<vmem>>
    %dma_start3A_106 = tpu.memref_squeeze %dma_start3A_105 : memref<1x640xf32, #tpu.memory_space<vmem>> -> memref<640xf32, #tpu.memory_space<vmem>>
    %dma_start3A_107 = tpu.memref_slice %arg8[%dma_start3A_102, %mul3A_101] : memref<16x10240xf32, #tpu.memory_space<vmem_shared>> -> memref<1x640xf32, #tpu.memory_space<vmem_shared>>
    %dma_start3A_108 = tpu.memref_squeeze %dma_start3A_107 : memref<1x640xf32, #tpu.memory_space<vmem_shared>> -> memref<640xf32, #tpu.memory_space<vmem_shared>>
    %dma_start3A_109 = arith.constant 0 : i32
    %dma_start3A_110 = tpu.memref_slice %arg6[%dma_start3A_103, %dma_start3A_109] : memref<16x640xf32, #tpu.memory_space<vmem>> -> memref<1x640xf32, #tpu.memory_space<vmem>>
    %dma_start3A_111 = tpu.memref_squeeze %dma_start3A_110 : memref<1x640xf32, #tpu.memory_space<vmem>> -> memref<640xf32, #tpu.memory_space<vmem>>
    %dma_start3A_112 = tpu.memref_slice %arg8[%dma_start3A_102, %mul3A_101] : memref<16x10240xf32, #tpu.memory_space<vmem_shared>> -> memref<1x640xf32, #tpu.memory_space<vmem_shared>>
    %dma_start3A_113 = tpu.memref_squeeze %dma_start3A_112 : memref<1x640xf32, #tpu.memory_space<vmem_shared>> -> memref<640xf32, #tpu.memory_space<vmem_shared>>
    tpu.enqueue_dma source(%dma_start3A_113 : memref<640xf32, #tpu.memory_space<vmem_shared>>) target(%dma_start3A_111 : memref<640xf32, #tpu.memory_space<vmem>>) target_semaphore(%arg9 : memref<!tpu.dma_semaphore, #tpu.memory_space<semaphore_mem>>)
    %mul3A_114 = arith.constant 640 : i32
    %mul3A_115 = arith.muli %arg1, %mul3A_114 : i32
    %dma_start3A_116 = arith.constant 7 : i32
    %dma_start3A_117 = arith.constant 7 : i32
    %dma_start3A_118 = arith.constant 0 : i32
    %dma_start3A_119 = tpu.memref_slice %arg6[%dma_start3A_117, %dma_start3A_118] : memref<16x640xf32, #tpu.memory_space<vmem>> -> memref<1x640xf32, #tpu.memory_space<vmem>>
    %dma_start3A_120 = tpu.memref_squeeze %dma_start3A_119 : memref<1x640xf32, #tpu.memory_space<vmem>> -> memref<640xf32, #tpu.memory_space<vmem>>
    %dma_start3A_121 = tpu.memref_slice %arg8[%dma_start3A_116, %mul3A_115] : memref<16x10240xf32, #tpu.memory_space<vmem_shared>> -> memref<1x640xf32, #tpu.memory_space<vmem_shared>>
    %dma_start3A_122 = tpu.memref_squeeze %dma_start3A_121 : memref<1x640xf32, #tpu.memory_space<vmem_shared>> -> memref<640xf32, #tpu.memory_space<vmem_shared>>
    %dma_start3A_123 = arith.constant 0 : i32
    %dma_start3A_124 = tpu.memref_slice %arg6[%dma_start3A_117, %dma_start3A_123] : memref<16x640xf32, #tpu.memory_space<vmem>> -> memref<1x640xf32, #tpu.memory_space<vmem>>
    %dma_start3A_125 = tpu.memref_squeeze %dma_start3A_124 : memref<1x640xf32, #tpu.memory_space<vmem>> -> memref<640xf32, #tpu.memory_space<vmem>>
    %dma_start3A_126 = tpu.memref_slice %arg8[%dma_start3A_116, %mul3A_115] : memref<16x10240xf32, #tpu.memory_space<vmem_shared>> -> memref<1x640xf32, #tpu.memory_space<vmem_shared>>
    %dma_start3A_127 = tpu.memref_squeeze %dma_start3A_126 : memref<1x640xf32, #tpu.memory_space<vmem_shared>> -> memref<640xf32, #tpu.memory_space<vmem_shared>>
    tpu.enqueue_dma source(%dma_start3A_127 : memref<640xf32, #tpu.memory_space<vmem_shared>>) target(%dma_start3A_125 : memref<640xf32, #tpu.memory_space<vmem>>) target_semaphore(%arg9 : memref<!tpu.dma_semaphore, #tpu.memory_space<semaphore_mem>>)
    %mul3A_128 = arith.constant 640 : i32
    %mul3A_129 = arith.muli %arg1, %mul3A_128 : i32
    %dma_start3A_130 = arith.constant 8 : i32
    %dma_start3A_131 = arith.constant 8 : i32
    %dma_start3A_132 = arith.constant 0 : i32
    %dma_start3A_133 = tpu.memref_slice %arg6[%dma_start3A_131, %dma_start3A_132] : memref<16x640xf32, #tpu.memory_space<vmem>> -> memref<1x640xf32, #tpu.memory_space<vmem>>
    %dma_start3A_134 = tpu.memref_squeeze %dma_start3A_133 : memref<1x640xf32, #tpu.memory_space<vmem>> -> memref<640xf32, #tpu.memory_space<vmem>>
    %dma_start3A_135 = tpu.memref_slice %arg8[%dma_start3A_130, %mul3A_129] : memref<16x10240xf32, #tpu.memory_space<vmem_shared>> -> memref<1x640xf32, #tpu.memory_space<vmem_shared>>
    %dma_start3A_136 = tpu.memref_squeeze %dma_start3A_135 : memref<1x640xf32, #tpu.memory_space<vmem_shared>> -> memref<640xf32, #tpu.memory_space<vmem_shared>>
    %dma_start3A_137 = arith.constant 0 : i32
    %dma_start3A_138 = tpu.memref_slice %arg6[%dma_start3A_131, %dma_start3A_137] : memref<16x640xf32, #tpu.memory_space<vmem>> -> memref<1x640xf32, #tpu.memory_space<vmem>>
    %dma_start3A_139 = tpu.memref_squeeze %dma_start3A_138 : memref<1x640xf32, #tpu.memory_space<vmem>> -> memref<640xf32, #tpu.memory_space<vmem>>
    %dma_start3A_140 = tpu.memref_slice %arg8[%dma_start3A_130, %mul3A_129] : memref<16x10240xf32, #tpu.memory_space<vmem_shared>> -> memref<1x640xf32, #tpu.memory_space<vmem_shared>>
    %dma_start3A_141 = tpu.memref_squeeze %dma_start3A_140 : memref<1x640xf32, #tpu.memory_space<vmem_shared>> -> memref<640xf32, #tpu.memory_space<vmem_shared>>
    tpu.enqueue_dma source(%dma_start3A_141 : memref<640xf32, #tpu.memory_space<vmem_shared>>) target(%dma_start3A_139 : memref<640xf32, #tpu.memory_space<vmem>>) target_semaphore(%arg9 : memref<!tpu.dma_semaphore, #tpu.memory_space<semaphore_mem>>)
    %mul3A_142 = arith.constant 640 : i32
    %mul3A_143 = arith.muli %arg1, %mul3A_142 : i32
    %dma_start3A_144 = arith.constant 9 : i32
    %dma_start3A_145 = arith.constant 9 : i32
    %dma_start3A_146 = arith.constant 0 : i32
    %dma_start3A_147 = tpu.memref_slice %arg6[%dma_start3A_145, %dma_start3A_146] : memref<16x640xf32, #tpu.memory_space<vmem>> -> memref<1x640xf32, #tpu.memory_space<vmem>>
    %dma_start3A_148 = tpu.memref_squeeze %dma_start3A_147 : memref<1x640xf32, #tpu.memory_space<vmem>> -> memref<640xf32, #tpu.memory_space<vmem>>
    %dma_start3A_149 = tpu.memref_slice %arg8[%dma_start3A_144, %mul3A_143] : memref<16x10240xf32, #tpu.memory_space<vmem_shared>> -> memref<1x640xf32, #tpu.memory_space<vmem_shared>>
    %dma_start3A_150 = tpu.memref_squeeze %dma_start3A_149 : memref<1x640xf32, #tpu.memory_space<vmem_shared>> -> memref<640xf32, #tpu.memory_space<vmem_shared>>
    %dma_start3A_151 = arith.constant 0 : i32
    %dma_start3A_152 = tpu.memref_slice %arg6[%dma_start3A_145, %dma_start3A_151] : memref<16x640xf32, #tpu.memory_space<vmem>> -> memref<1x640xf32, #tpu.memory_space<vmem>>
    %dma_start3A_153 = tpu.memref_squeeze %dma_start3A_152 : memref<1x640xf32, #tpu.memory_space<vmem>> -> memref<640xf32, #tpu.memory_space<vmem>>
    %dma_start3A_154 = tpu.memref_slice %arg8[%dma_start3A_144, %mul3A_143] : memref<16x10240xf32, #tpu.memory_space<vmem_shared>> -> memref<1x640xf32, #tpu.memory_space<vmem_shared>>
    %dma_start3A_155 = tpu.memref_squeeze %dma_start3A_154 : memref<1x640xf32, #tpu.memory_space<vmem_shared>> -> memref<640xf32, #tpu.memory_space<vmem_shared>>
    tpu.enqueue_dma source(%dma_start3A_155 : memref<640xf32, #tpu.memory_space<vmem_shared>>) target(%dma_start3A_153 : memref<640xf32, #tpu.memory_space<vmem>>) target_semaphore(%arg9 : memref<!tpu.dma_semaphore, #tpu.memory_space<semaphore_mem>>)
    %mul3A_156 = arith.constant 640 : i32
    %mul3A_157 = arith.muli %arg1, %mul3A_156 : i32
    %dma_start3A_158 = arith.constant 10 : i32
    %dma_start3A_159 = arith.constant 10 : i32
    %dma_start3A_160 = arith.constant 0 : i32
    %dma_start3A_161 = tpu.memref_slice %arg6[%dma_start3A_159, %dma_start3A_160] : memref<16x640xf32, #tpu.memory_space<vmem>> -> memref<1x640xf32, #tpu.memory_space<vmem>>
    %dma_start3A_162 = tpu.memref_squeeze %dma_start3A_161 : memref<1x640xf32, #tpu.memory_space<vmem>> -> memref<640xf32, #tpu.memory_space<vmem>>
    %dma_start3A_163 = tpu.memref_slice %arg8[%dma_start3A_158, %mul3A_157] : memref<16x10240xf32, #tpu.memory_space<vmem_shared>> -> memref<1x640xf32, #tpu.memory_space<vmem_shared>>
    %dma_start3A_164 = tpu.memref_squeeze %dma_start3A_163 : memref<1x640xf32, #tpu.memory_space<vmem_shared>> -> memref<640xf32, #tpu.memory_space<vmem_shared>>
    %dma_start3A_165 = arith.constant 0 : i32
    %dma_start3A_166 = tpu.memref_slice %arg6[%dma_start3A_159, %dma_start3A_165] : memref<16x640xf32, #tpu.memory_space<vmem>> -> memref<1x640xf32, #tpu.memory_space<vmem>>
    %dma_start3A_167 = tpu.memref_squeeze %dma_start3A_166 : memref<1x640xf32, #tpu.memory_space<vmem>> -> memref<640xf32, #tpu.memory_space<vmem>>
    %dma_start3A_168 = tpu.memref_slice %arg8[%dma_start3A_158, %mul3A_157] : memref<16x10240xf32, #tpu.memory_space<vmem_shared>> -> memref<1x640xf32, #tpu.memory_space<vmem_shared>>
    %dma_start3A_169 = tpu.memref_squeeze %dma_start3A_168 : memref<1x640xf32, #tpu.memory_space<vmem_shared>> -> memref<640xf32, #tpu.memory_space<vmem_shared>>
    tpu.enqueue_dma source(%dma_start3A_169 : memref<640xf32, #tpu.memory_space<vmem_shared>>) target(%dma_start3A_167 : memref<640xf32, #tpu.memory_space<vmem>>) target_semaphore(%arg9 : memref<!tpu.dma_semaphore, #tpu.memory_space<semaphore_mem>>)
    %mul3A_170 = arith.constant 640 : i32
    %mul3A_171 = arith.muli %arg1, %mul3A_170 : i32
    %dma_start3A_172 = arith.constant 11 : i32
    %dma_start3A_173 = arith.constant 11 : i32
    %dma_start3A_174 = arith.constant 0 : i32
    %dma_start3A_175 = tpu.memref_slice %arg6[%dma_start3A_173, %dma_start3A_174] : memref<16x640xf32, #tpu.memory_space<vmem>> -> memref<1x640xf32, #tpu.memory_space<vmem>>
    %dma_start3A_176 = tpu.memref_squeeze %dma_start3A_175 : memref<1x640xf32, #tpu.memory_space<vmem>> -> memref<640xf32, #tpu.memory_space<vmem>>
    %dma_start3A_177 = tpu.memref_slice %arg8[%dma_start3A_172, %mul3A_171] : memref<16x10240xf32, #tpu.memory_space<vmem_shared>> -> memref<1x640xf32, #tpu.memory_space<vmem_shared>>
    %dma_start3A_178 = tpu.memref_squeeze %dma_start3A_177 : memref<1x640xf32, #tpu.memory_space<vmem_shared>> -> memref<640xf32, #tpu.memory_space<vmem_shared>>
    %dma_start3A_179 = arith.constant 0 : i32
    %dma_start3A_180 = tpu.memref_slice %arg6[%dma_start3A_173, %dma_start3A_179] : memref<16x640xf32, #tpu.memory_space<vmem>> -> memref<1x640xf32, #tpu.memory_space<vmem>>
    %dma_start3A_181 = tpu.memref_squeeze %dma_start3A_180 : memref<1x640xf32, #tpu.memory_space<vmem>> -> memref<640xf32, #tpu.memory_space<vmem>>
    %dma_start3A_182 = tpu.memref_slice %arg8[%dma_start3A_172, %mul3A_171] : memref<16x10240xf32, #tpu.memory_space<vmem_shared>> -> memref<1x640xf32, #tpu.memory_space<vmem_shared>>
    %dma_start3A_183 = tpu.memref_squeeze %dma_start3A_182 : memref<1x640xf32, #tpu.memory_space<vmem_shared>> -> memref<640xf32, #tpu.memory_space<vmem_shared>>
    tpu.enqueue_dma source(%dma_start3A_183 : memref<640xf32, #tpu.memory_space<vmem_shared>>) target(%dma_start3A_181 : memref<640xf32, #tpu.memory_space<vmem>>) target_semaphore(%arg9 : memref<!tpu.dma_semaphore, #tpu.memory_space<semaphore_mem>>)
    %mul3A_184 = arith.constant 640 : i32
    %mul3A_185 = arith.muli %arg1, %mul3A_184 : i32
    %dma_start3A_186 = arith.constant 12 : i32
    %dma_start3A_187 = arith.constant 12 : i32
    %dma_start3A_188 = arith.constant 0 : i32
    %dma_start3A_189 = tpu.memref_slice %arg6[%dma_start3A_187, %dma_start3A_188] : memref<16x640xf32, #tpu.memory_space<vmem>> -> memref<1x640xf32, #tpu.memory_space<vmem>>
    %dma_start3A_190 = tpu.memref_squeeze %dma_start3A_189 : memref<1x640xf32, #tpu.memory_space<vmem>> -> memref<640xf32, #tpu.memory_space<vmem>>
    %dma_start3A_191 = tpu.memref_slice %arg8[%dma_start3A_186, %mul3A_185] : memref<16x10240xf32, #tpu.memory_space<vmem_shared>> -> memref<1x640xf32, #tpu.memory_space<vmem_shared>>
    %dma_start3A_192 = tpu.memref_squeeze %dma_start3A_191 : memref<1x640xf32, #tpu.memory_space<vmem_shared>> -> memref<640xf32, #tpu.memory_space<vmem_shared>>
    %dma_start3A_193 = arith.constant 0 : i32
    %dma_start3A_194 = tpu.memref_slice %arg6[%dma_start3A_187, %dma_start3A_193] : memref<16x640xf32, #tpu.memory_space<vmem>> -> memref<1x640xf32, #tpu.memory_space<vmem>>
    %dma_start3A_195 = tpu.memref_squeeze %dma_start3A_194 : memref<1x640xf32, #tpu.memory_space<vmem>> -> memref<640xf32, #tpu.memory_space<vmem>>
    %dma_start3A_196 = tpu.memref_slice %arg8[%dma_start3A_186, %mul3A_185] : memref<16x10240xf32, #tpu.memory_space<vmem_shared>> -> memref<1x640xf32, #tpu.memory_space<vmem_shared>>
    %dma_start3A_197 = tpu.memref_squeeze %dma_start3A_196 : memref<1x640xf32, #tpu.memory_space<vmem_shared>> -> memref<640xf32, #tpu.memory_space<vmem_shared>>
    tpu.enqueue_dma source(%dma_start3A_197 : memref<640xf32, #tpu.memory_space<vmem_shared>>) target(%dma_start3A_195 : memref<640xf32, #tpu.memory_space<vmem>>) target_semaphore(%arg9 : memref<!tpu.dma_semaphore, #tpu.memory_space<semaphore_mem>>)
    %mul3A_198 = arith.constant 640 : i32
    %mul3A_199 = arith.muli %arg1, %mul3A_198 : i32
    %dma_start3A_200 = arith.constant 13 : i32
    %dma_start3A_201 = arith.constant 13 : i32
    %dma_start3A_202 = arith.constant 0 : i32
    %dma_start3A_203 = tpu.memref_slice %arg6[%dma_start3A_201, %dma_start3A_202] : memref<16x640xf32, #tpu.memory_space<vmem>> -> memref<1x640xf32, #tpu.memory_space<vmem>>
    %dma_start3A_204 = tpu.memref_squeeze %dma_start3A_203 : memref<1x640xf32, #tpu.memory_space<vmem>> -> memref<640xf32, #tpu.memory_space<vmem>>
    %dma_start3A_205 = tpu.memref_slice %arg8[%dma_start3A_200, %mul3A_199] : memref<16x10240xf32, #tpu.memory_space<vmem_shared>> -> memref<1x640xf32, #tpu.memory_space<vmem_shared>>
    %dma_start3A_206 = tpu.memref_squeeze %dma_start3A_205 : memref<1x640xf32, #tpu.memory_space<vmem_shared>> -> memref<640xf32, #tpu.memory_space<vmem_shared>>
    %dma_start3A_207 = arith.constant 0 : i32
    %dma_start3A_208 = tpu.memref_slice %arg6[%dma_start3A_201, %dma_start3A_207] : memref<16x640xf32, #tpu.memory_space<vmem>> -> memref<1x640xf32, #tpu.memory_space<vmem>>
    %dma_start3A_209 = tpu.memref_squeeze %dma_start3A_208 : memref<1x640xf32, #tpu.memory_space<vmem>> -> memref<640xf32, #tpu.memory_space<vmem>>
    %dma_start3A_210 = tpu.memref_slice %arg8[%dma_start3A_200, %mul3A_199] : memref<16x10240xf32, #tpu.memory_space<vmem_shared>> -> memref<1x640xf32, #tpu.memory_space<vmem_shared>>
    %dma_start3A_211 = tpu.memref_squeeze %dma_start3A_210 : memref<1x640xf32, #tpu.memory_space<vmem_shared>> -> memref<640xf32, #tpu.memory_space<vmem_shared>>
    tpu.enqueue_dma source(%dma_start3A_211 : memref<640xf32, #tpu.memory_space<vmem_shared>>) target(%dma_start3A_209 : memref<640xf32, #tpu.memory_space<vmem>>) target_semaphore(%arg9 : memref<!tpu.dma_semaphore, #tpu.memory_space<semaphore_mem>>)
    %mul3A_212 = arith.constant 640 : i32
    %mul3A_213 = arith.muli %arg1, %mul3A_212 : i32
    %dma_start3A_214 = arith.constant 14 : i32
    %dma_start3A_215 = arith.constant 14 : i32
    %dma_start3A_216 = arith.constant 0 : i32
    %dma_start3A_217 = tpu.memref_slice %arg6[%dma_start3A_215, %dma_start3A_216] : memref<16x640xf32, #tpu.memory_space<vmem>> -> memref<1x640xf32, #tpu.memory_space<vmem>>
    %dma_start3A_218 = tpu.memref_squeeze %dma_start3A_217 : memref<1x640xf32, #tpu.memory_space<vmem>> -> memref<640xf32, #tpu.memory_space<vmem>>
    %dma_start3A_219 = tpu.memref_slice %arg8[%dma_start3A_214, %mul3A_213] : memref<16x10240xf32, #tpu.memory_space<vmem_shared>> -> memref<1x640xf32, #tpu.memory_space<vmem_shared>>
    %dma_start3A_220 = tpu.memref_squeeze %dma_start3A_219 : memref<1x640xf32, #tpu.memory_space<vmem_shared>> -> memref<640xf32, #tpu.memory_space<vmem_shared>>
    %dma_start3A_221 = arith.constant 0 : i32
    %dma_start3A_222 = tpu.memref_slice %arg6[%dma_start3A_215, %dma_start3A_221] : memref<16x640xf32, #tpu.memory_space<vmem>> -> memref<1x640xf32, #tpu.memory_space<vmem>>
    %dma_start3A_223 = tpu.memref_squeeze %dma_start3A_222 : memref<1x640xf32, #tpu.memory_space<vmem>> -> memref<640xf32, #tpu.memory_space<vmem>>
    %dma_start3A_224 = tpu.memref_slice %arg8[%dma_start3A_214, %mul3A_213] : memref<16x10240xf32, #tpu.memory_space<vmem_shared>> -> memref<1x640xf32, #tpu.memory_space<vmem_shared>>
    %dma_start3A_225 = tpu.memref_squeeze %dma_start3A_224 : memref<1x640xf32, #tpu.memory_space<vmem_shared>> -> memref<640xf32, #tpu.memory_space<vmem_shared>>
    tpu.enqueue_dma source(%dma_start3A_225 : memref<640xf32, #tpu.memory_space<vmem_shared>>) target(%dma_start3A_223 : memref<640xf32, #tpu.memory_space<vmem>>) target_semaphore(%arg9 : memref<!tpu.dma_semaphore, #tpu.memory_space<semaphore_mem>>)
    %mul3A_226 = arith.constant 640 : i32
    %mul3A_227 = arith.muli %arg1, %mul3A_226 : i32
    %dma_start3A_228 = arith.constant 15 : i32
    %dma_start3A_229 = arith.constant 15 : i32
    %dma_start3A_230 = arith.constant 0 : i32
    %dma_start3A_231 = tpu.memref_slice %arg6[%dma_start3A_229, %dma_start3A_230] : memref<16x640xf32, #tpu.memory_space<vmem>> -> memref<1x640xf32, #tpu.memory_space<vmem>>
    %dma_start3A_232 = tpu.memref_squeeze %dma_start3A_231 : memref<1x640xf32, #tpu.memory_space<vmem>> -> memref<640xf32, #tpu.memory_space<vmem>>
    %dma_start3A_233 = tpu.memref_slice %arg8[%dma_start3A_228, %mul3A_227] : memref<16x10240xf32, #tpu.memory_space<vmem_shared>> -> memref<1x640xf32, #tpu.memory_space<vmem_shared>>
    %dma_start3A_234 = tpu.memref_squeeze %dma_start3A_233 : memref<1x640xf32, #tpu.memory_space<vmem_shared>> -> memref<640xf32, #tpu.memory_space<vmem_shared>>
    %dma_start3A_235 = arith.constant 0 : i32
    %dma_start3A_236 = tpu.memref_slice %arg6[%dma_start3A_229, %dma_start3A_235] : memref<16x640xf32, #tpu.memory_space<vmem>> -> memref<1x640xf32, #tpu.memory_space<vmem>>
    %dma_start3A_237 = tpu.memref_squeeze %dma_start3A_236 : memref<1x640xf32, #tpu.memory_space<vmem>> -> memref<640xf32, #tpu.memory_space<vmem>>
    %dma_start3A_238 = tpu.memref_slice %arg8[%dma_start3A_228, %mul3A_227] : memref<16x10240xf32, #tpu.memory_space<vmem_shared>> -> memref<1x640xf32, #tpu.memory_space<vmem_shared>>
    %dma_start3A_239 = tpu.memref_squeeze %dma_start3A_238 : memref<1x640xf32, #tpu.memory_space<vmem_shared>> -> memref<640xf32, #tpu.memory_space<vmem_shared>>
    tpu.enqueue_dma source(%dma_start3A_239 : memref<640xf32, #tpu.memory_space<vmem_shared>>) target(%dma_start3A_237 : memref<640xf32, #tpu.memory_space<vmem>>) target_semaphore(%arg9 : memref<!tpu.dma_semaphore, #tpu.memory_space<semaphore_mem>>)
    %mul3A_240 = arith.constant 640 : i32
    %mul3A_241 = arith.muli %arg1, %mul3A_240 : i32
    %dma_wait3A = arith.constant 0 : i32
    %dma_wait3A_242 = arith.constant 0 : i32
    %dma_wait3A_243 = arith.constant 0 : i32
    %dma_wait3A_244 = tpu.memref_slice %arg6[%dma_wait3A_242, %dma_wait3A_243] : memref<16x640xf32, #tpu.memory_space<vmem>> -> memref<1x640xf32, #tpu.memory_space<vmem>>
    %dma_wait3A_245 = tpu.memref_squeeze %dma_wait3A_244 : memref<1x640xf32, #tpu.memory_space<vmem>> -> memref<640xf32, #tpu.memory_space<vmem>>
    %dma_wait3A_246 = tpu.memref_slice %arg8[%dma_wait3A, %mul3A_241] : memref<16x10240xf32, #tpu.memory_space<vmem_shared>> -> memref<1x640xf32, #tpu.memory_space<vmem_shared>>
    %dma_wait3A_247 = tpu.memref_squeeze %dma_wait3A_246 : memref<1x640xf32, #tpu.memory_space<vmem_shared>> -> memref<640xf32, #tpu.memory_space<vmem_shared>>
    %dma_wait3A_248 = arith.constant 0 : i32
    %dma_wait3A_249 = tpu.memref_slice %arg6[%dma_wait3A_242, %dma_wait3A_248] : memref<16x640xf32, #tpu.memory_space<vmem>> -> memref<1x640xf32, #tpu.memory_space<vmem>>
    %dma_wait3A_250 = tpu.memref_squeeze %dma_wait3A_249 : memref<1x640xf32, #tpu.memory_space<vmem>> -> memref<640xf32, #tpu.memory_space<vmem>>
    %dma_wait3A_251 = tpu.memref_slice %arg8[%dma_wait3A, %mul3A_241] : memref<16x10240xf32, #tpu.memory_space<vmem_shared>> -> memref<1x640xf32, #tpu.memory_space<vmem_shared>>
    %dma_wait3A_252 = tpu.memref_squeeze %dma_wait3A_251 : memref<1x640xf32, #tpu.memory_space<vmem_shared>> -> memref<640xf32, #tpu.memory_space<vmem_shared>>
    tpu.wait_dma2 semaphore(%arg9 : memref<!tpu.dma_semaphore, #tpu.memory_space<semaphore_mem>>) src(%dma_wait3A_252 : memref<640xf32, #tpu.memory_space<vmem_shared>>) dst(%dma_wait3A_250 : memref<640xf32, #tpu.memory_space<vmem>>)
    %mul3A_253 = arith.constant 640 : i32
    %mul3A_254 = arith.muli %arg1, %mul3A_253 : i32
    %dma_wait3A_255 = arith.constant 1 : i32
    %dma_wait3A_256 = arith.constant 1 : i32
    %dma_wait3A_257 = arith.constant 0 : i32
    %dma_wait3A_258 = tpu.memref_slice %arg6[%dma_wait3A_256, %dma_wait3A_257] : memref<16x640xf32, #tpu.memory_space<vmem>> -> memref<1x640xf32, #tpu.memory_space<vmem>>
    %dma_wait3A_259 = tpu.memref_squeeze %dma_wait3A_258 : memref<1x640xf32, #tpu.memory_space<vmem>> -> memref<640xf32, #tpu.memory_space<vmem>>
    %dma_wait3A_260 = tpu.memref_slice %arg8[%dma_wait3A_255, %mul3A_254] : memref<16x10240xf32, #tpu.memory_space<vmem_shared>> -> memref<1x640xf32, #tpu.memory_space<vmem_shared>>
    %dma_wait3A_261 = tpu.memref_squeeze %dma_wait3A_260 : memref<1x640xf32, #tpu.memory_space<vmem_shared>> -> memref<640xf32, #tpu.memory_space<vmem_shared>>
    %dma_wait3A_262 = arith.constant 0 : i32
    %dma_wait3A_263 = tpu.memref_slice %arg6[%dma_wait3A_256, %dma_wait3A_262] : memref<16x640xf32, #tpu.memory_space<vmem>> -> memref<1x640xf32, #tpu.memory_space<vmem>>
    %dma_wait3A_264 = tpu.memref_squeeze %dma_wait3A_263 : memref<1x640xf32, #tpu.memory_space<vmem>> -> memref<640xf32, #tpu.memory_space<vmem>>
    %dma_wait3A_265 = tpu.memref_slice %arg8[%dma_wait3A_255, %mul3A_254] : memref<16x10240xf32, #tpu.memory_space<vmem_shared>> -> memref<1x640xf32, #tpu.memory_space<vmem_shared>>
    %dma_wait3A_266 = tpu.memref_squeeze %dma_wait3A_265 : memref<1x640xf32, #tpu.memory_space<vmem_shared>> -> memref<640xf32, #tpu.memory_space<vmem_shared>>
    tpu.wait_dma2 semaphore(%arg9 : memref<!tpu.dma_semaphore, #tpu.memory_space<semaphore_mem>>) src(%dma_wait3A_266 : memref<640xf32, #tpu.memory_space<vmem_shared>>) dst(%dma_wait3A_264 : memref<640xf32, #tpu.memory_space<vmem>>)
    %mul3A_267 = arith.constant 640 : i32
    %mul3A_268 = arith.muli %arg1, %mul3A_267 : i32
    %dma_wait3A_269 = arith.constant 2 : i32
    %dma_wait3A_270 = arith.constant 2 : i32
    %dma_wait3A_271 = arith.constant 0 : i32
    %dma_wait3A_272 = tpu.memref_slice %arg6[%dma_wait3A_270, %dma_wait3A_271] : memref<16x640xf32, #tpu.memory_space<vmem>> -> memref<1x640xf32, #tpu.memory_space<vmem>>
    %dma_wait3A_273 = tpu.memref_squeeze %dma_wait3A_272 : memref<1x640xf32, #tpu.memory_space<vmem>> -> memref<640xf32, #tpu.memory_space<vmem>>
    %dma_wait3A_274 = tpu.memref_slice %arg8[%dma_wait3A_269, %mul3A_268] : memref<16x10240xf32, #tpu.memory_space<vmem_shared>> -> memref<1x640xf32, #tpu.memory_space<vmem_shared>>
    %dma_wait3A_275 = tpu.memref_squeeze %dma_wait3A_274 : memref<1x640xf32, #tpu.memory_space<vmem_shared>> -> memref<640xf32, #tpu.memory_space<vmem_shared>>
    %dma_wait3A_276 = arith.constant 0 : i32
    %dma_wait3A_277 = tpu.memref_slice %arg6[%dma_wait3A_270, %dma_wait3A_276] : memref<16x640xf32, #tpu.memory_space<vmem>> -> memref<1x640xf32, #tpu.memory_space<vmem>>
    %dma_wait3A_278 = tpu.memref_squeeze %dma_wait3A_277 : memref<1x640xf32, #tpu.memory_space<vmem>> -> memref<640xf32, #tpu.memory_space<vmem>>
    %dma_wait3A_279 = tpu.memref_slice %arg8[%dma_wait3A_269, %mul3A_268] : memref<16x10240xf32, #tpu.memory_space<vmem_shared>> -> memref<1x640xf32, #tpu.memory_space<vmem_shared>>
    %dma_wait3A_280 = tpu.memref_squeeze %dma_wait3A_279 : memref<1x640xf32, #tpu.memory_space<vmem_shared>> -> memref<640xf32, #tpu.memory_space<vmem_shared>>
    tpu.wait_dma2 semaphore(%arg9 : memref<!tpu.dma_semaphore, #tpu.memory_space<semaphore_mem>>) src(%dma_wait3A_280 : memref<640xf32, #tpu.memory_space<vmem_shared>>) dst(%dma_wait3A_278 : memref<640xf32, #tpu.memory_space<vmem>>)
    %mul3A_281 = arith.constant 640 : i32
    %mul3A_282 = arith.muli %arg1, %mul3A_281 : i32
    %dma_wait3A_283 = arith.constant 3 : i32
    %dma_wait3A_284 = arith.constant 3 : i32
    %dma_wait3A_285 = arith.constant 0 : i32
    %dma_wait3A_286 = tpu.memref_slice %arg6[%dma_wait3A_284, %dma_wait3A_285] : memref<16x640xf32, #tpu.memory_space<vmem>> -> memref<1x640xf32, #tpu.memory_space<vmem>>
    %dma_wait3A_287 = tpu.memref_squeeze %dma_wait3A_286 : memref<1x640xf32, #tpu.memory_space<vmem>> -> memref<640xf32, #tpu.memory_space<vmem>>
    %dma_wait3A_288 = tpu.memref_slice %arg8[%dma_wait3A_283, %mul3A_282] : memref<16x10240xf32, #tpu.memory_space<vmem_shared>> -> memref<1x640xf32, #tpu.memory_space<vmem_shared>>
    %dma_wait3A_289 = tpu.memref_squeeze %dma_wait3A_288 : memref<1x640xf32, #tpu.memory_space<vmem_shared>> -> memref<640xf32, #tpu.memory_space<vmem_shared>>
    %dma_wait3A_290 = arith.constant 0 : i32
    %dma_wait3A_291 = tpu.memref_slice %arg6[%dma_wait3A_284, %dma_wait3A_290] : memref<16x640xf32, #tpu.memory_space<vmem>> -> memref<1x640xf32, #tpu.memory_space<vmem>>
    %dma_wait3A_292 = tpu.memref_squeeze %dma_wait3A_291 : memref<1x640xf32, #tpu.memory_space<vmem>> -> memref<640xf32, #tpu.memory_space<vmem>>
    %dma_wait3A_293 = tpu.memref_slice %arg8[%dma_wait3A_283, %mul3A_282] : memref<16x10240xf32, #tpu.memory_space<vmem_shared>> -> memref<1x640xf32, #tpu.memory_space<vmem_shared>>
    %dma_wait3A_294 = tpu.memref_squeeze %dma_wait3A_293 : memref<1x640xf32, #tpu.memory_space<vmem_shared>> -> memref<640xf32, #tpu.memory_space<vmem_shared>>
    tpu.wait_dma2 semaphore(%arg9 : memref<!tpu.dma_semaphore, #tpu.memory_space<semaphore_mem>>) src(%dma_wait3A_294 : memref<640xf32, #tpu.memory_space<vmem_shared>>) dst(%dma_wait3A_292 : memref<640xf32, #tpu.memory_space<vmem>>)
    %mul3A_295 = arith.constant 640 : i32
    %mul3A_296 = arith.muli %arg1, %mul3A_295 : i32
    %dma_wait3A_297 = arith.constant 4 : i32
    %dma_wait3A_298 = arith.constant 4 : i32
    %dma_wait3A_299 = arith.constant 0 : i32
    %dma_wait3A_300 = tpu.memref_slice %arg6[%dma_wait3A_298, %dma_wait3A_299] : memref<16x640xf32, #tpu.memory_space<vmem>> -> memref<1x640xf32, #tpu.memory_space<vmem>>
    %dma_wait3A_301 = tpu.memref_squeeze %dma_wait3A_300 : memref<1x640xf32, #tpu.memory_space<vmem>> -> memref<640xf32, #tpu.memory_space<vmem>>
    %dma_wait3A_302 = tpu.memref_slice %arg8[%dma_wait3A_297, %mul3A_296] : memref<16x10240xf32, #tpu.memory_space<vmem_shared>> -> memref<1x640xf32, #tpu.memory_space<vmem_shared>>
    %dma_wait3A_303 = tpu.memref_squeeze %dma_wait3A_302 : memref<1x640xf32, #tpu.memory_space<vmem_shared>> -> memref<640xf32, #tpu.memory_space<vmem_shared>>
    %dma_wait3A_304 = arith.constant 0 : i32
    %dma_wait3A_305 = tpu.memref_slice %arg6[%dma_wait3A_298, %dma_wait3A_304] : memref<16x640xf32, #tpu.memory_space<vmem>> -> memref<1x640xf32, #tpu.memory_space<vmem>>
    %dma_wait3A_306 = tpu.memref_squeeze %dma_wait3A_305 : memref<1x640xf32, #tpu.memory_space<vmem>> -> memref<640xf32, #tpu.memory_space<vmem>>
    %dma_wait3A_307 = tpu.memref_slice %arg8[%dma_wait3A_297, %mul3A_296] : memref<16x10240xf32, #tpu.memory_space<vmem_shared>> -> memref<1x640xf32, #tpu.memory_space<vmem_shared>>
    %dma_wait3A_308 = tpu.memref_squeeze %dma_wait3A_307 : memref<1x640xf32, #tpu.memory_space<vmem_shared>> -> memref<640xf32, #tpu.memory_space<vmem_shared>>
    tpu.wait_dma2 semaphore(%arg9 : memref<!tpu.dma_semaphore, #tpu.memory_space<semaphore_mem>>) src(%dma_wait3A_308 : memref<640xf32, #tpu.memory_space<vmem_shared>>) dst(%dma_wait3A_306 : memref<640xf32, #tpu.memory_space<vmem>>)
    %mul3A_309 = arith.constant 640 : i32
    %mul3A_310 = arith.muli %arg1, %mul3A_309 : i32
    %dma_wait3A_311 = arith.constant 5 : i32
    %dma_wait3A_312 = arith.constant 5 : i32
    %dma_wait3A_313 = arith.constant 0 : i32
    %dma_wait3A_314 = tpu.memref_slice %arg6[%dma_wait3A_312, %dma_wait3A_313] : memref<16x640xf32, #tpu.memory_space<vmem>> -> memref<1x640xf32, #tpu.memory_space<vmem>>
    %dma_wait3A_315 = tpu.memref_squeeze %dma_wait3A_314 : memref<1x640xf32, #tpu.memory_space<vmem>> -> memref<640xf32, #tpu.memory_space<vmem>>
    %dma_wait3A_316 = tpu.memref_slice %arg8[%dma_wait3A_311, %mul3A_310] : memref<16x10240xf32, #tpu.memory_space<vmem_shared>> -> memref<1x640xf32, #tpu.memory_space<vmem_shared>>
    %dma_wait3A_317 = tpu.memref_squeeze %dma_wait3A_316 : memref<1x640xf32, #tpu.memory_space<vmem_shared>> -> memref<640xf32, #tpu.memory_space<vmem_shared>>
    %dma_wait3A_318 = arith.constant 0 : i32
    %dma_wait3A_319 = tpu.memref_slice %arg6[%dma_wait3A_312, %dma_wait3A_318] : memref<16x640xf32, #tpu.memory_space<vmem>> -> memref<1x640xf32, #tpu.memory_space<vmem>>
    %dma_wait3A_320 = tpu.memref_squeeze %dma_wait3A_319 : memref<1x640xf32, #tpu.memory_space<vmem>> -> memref<640xf32, #tpu.memory_space<vmem>>
    %dma_wait3A_321 = tpu.memref_slice %arg8[%dma_wait3A_311, %mul3A_310] : memref<16x10240xf32, #tpu.memory_space<vmem_shared>> -> memref<1x640xf32, #tpu.memory_space<vmem_shared>>
    %dma_wait3A_322 = tpu.memref_squeeze %dma_wait3A_321 : memref<1x640xf32, #tpu.memory_space<vmem_shared>> -> memref<640xf32, #tpu.memory_space<vmem_shared>>
    tpu.wait_dma2 semaphore(%arg9 : memref<!tpu.dma_semaphore, #tpu.memory_space<semaphore_mem>>) src(%dma_wait3A_322 : memref<640xf32, #tpu.memory_space<vmem_shared>>) dst(%dma_wait3A_320 : memref<640xf32, #tpu.memory_space<vmem>>)
    %mul3A_323 = arith.constant 640 : i32
    %mul3A_324 = arith.muli %arg1, %mul3A_323 : i32
    %dma_wait3A_325 = arith.constant 6 : i32
    %dma_wait3A_326 = arith.constant 6 : i32
    %dma_wait3A_327 = arith.constant 0 : i32
    %dma_wait3A_328 = tpu.memref_slice %arg6[%dma_wait3A_326, %dma_wait3A_327] : memref<16x640xf32, #tpu.memory_space<vmem>> -> memref<1x640xf32, #tpu.memory_space<vmem>>
    %dma_wait3A_329 = tpu.memref_squeeze %dma_wait3A_328 : memref<1x640xf32, #tpu.memory_space<vmem>> -> memref<640xf32, #tpu.memory_space<vmem>>
    %dma_wait3A_330 = tpu.memref_slice %arg8[%dma_wait3A_325, %mul3A_324] : memref<16x10240xf32, #tpu.memory_space<vmem_shared>> -> memref<1x640xf32, #tpu.memory_space<vmem_shared>>
    %dma_wait3A_331 = tpu.memref_squeeze %dma_wait3A_330 : memref<1x640xf32, #tpu.memory_space<vmem_shared>> -> memref<640xf32, #tpu.memory_space<vmem_shared>>
    %dma_wait3A_332 = arith.constant 0 : i32
    %dma_wait3A_333 = tpu.memref_slice %arg6[%dma_wait3A_326, %dma_wait3A_332] : memref<16x640xf32, #tpu.memory_space<vmem>> -> memref<1x640xf32, #tpu.memory_space<vmem>>
    %dma_wait3A_334 = tpu.memref_squeeze %dma_wait3A_333 : memref<1x640xf32, #tpu.memory_space<vmem>> -> memref<640xf32, #tpu.memory_space<vmem>>
    %dma_wait3A_335 = tpu.memref_slice %arg8[%dma_wait3A_325, %mul3A_324] : memref<16x10240xf32, #tpu.memory_space<vmem_shared>> -> memref<1x640xf32, #tpu.memory_space<vmem_shared>>
    %dma_wait3A_336 = tpu.memref_squeeze %dma_wait3A_335 : memref<1x640xf32, #tpu.memory_space<vmem_shared>> -> memref<640xf32, #tpu.memory_space<vmem_shared>>
    tpu.wait_dma2 semaphore(%arg9 : memref<!tpu.dma_semaphore, #tpu.memory_space<semaphore_mem>>) src(%dma_wait3A_336 : memref<640xf32, #tpu.memory_space<vmem_shared>>) dst(%dma_wait3A_334 : memref<640xf32, #tpu.memory_space<vmem>>)
    %mul3A_337 = arith.constant 640 : i32
    %mul3A_338 = arith.muli %arg1, %mul3A_337 : i32
    %dma_wait3A_339 = arith.constant 7 : i32
    %dma_wait3A_340 = arith.constant 7 : i32
    %dma_wait3A_341 = arith.constant 0 : i32
    %dma_wait3A_342 = tpu.memref_slice %arg6[%dma_wait3A_340, %dma_wait3A_341] : memref<16x640xf32, #tpu.memory_space<vmem>> -> memref<1x640xf32, #tpu.memory_space<vmem>>
    %dma_wait3A_343 = tpu.memref_squeeze %dma_wait3A_342 : memref<1x640xf32, #tpu.memory_space<vmem>> -> memref<640xf32, #tpu.memory_space<vmem>>
    %dma_wait3A_344 = tpu.memref_slice %arg8[%dma_wait3A_339, %mul3A_338] : memref<16x10240xf32, #tpu.memory_space<vmem_shared>> -> memref<1x640xf32, #tpu.memory_space<vmem_shared>>
    %dma_wait3A_345 = tpu.memref_squeeze %dma_wait3A_344 : memref<1x640xf32, #tpu.memory_space<vmem_shared>> -> memref<640xf32, #tpu.memory_space<vmem_shared>>
    %dma_wait3A_346 = arith.constant 0 : i32
    %dma_wait3A_347 = tpu.memref_slice %arg6[%dma_wait3A_340, %dma_wait3A_346] : memref<16x640xf32, #tpu.memory_space<vmem>> -> memref<1x640xf32, #tpu.memory_space<vmem>>
    %dma_wait3A_348 = tpu.memref_squeeze %dma_wait3A_347 : memref<1x640xf32, #tpu.memory_space<vmem>> -> memref<640xf32, #tpu.memory_space<vmem>>
    %dma_wait3A_349 = tpu.memref_slice %arg8[%dma_wait3A_339, %mul3A_338] : memref<16x10240xf32, #tpu.memory_space<vmem_shared>> -> memref<1x640xf32, #tpu.memory_space<vmem_shared>>
    %dma_wait3A_350 = tpu.memref_squeeze %dma_wait3A_349 : memref<1x640xf32, #tpu.memory_space<vmem_shared>> -> memref<640xf32, #tpu.memory_space<vmem_shared>>
    tpu.wait_dma2 semaphore(%arg9 : memref<!tpu.dma_semaphore, #tpu.memory_space<semaphore_mem>>) src(%dma_wait3A_350 : memref<640xf32, #tpu.memory_space<vmem_shared>>) dst(%dma_wait3A_348 : memref<640xf32, #tpu.memory_space<vmem>>)
    %mul3A_351 = arith.constant 640 : i32
    %mul3A_352 = arith.muli %arg1, %mul3A_351 : i32
    %dma_wait3A_353 = arith.constant 8 : i32
    %dma_wait3A_354 = arith.constant 8 : i32
    %dma_wait3A_355 = arith.constant 0 : i32
    %dma_wait3A_356 = tpu.memref_slice %arg6[%dma_wait3A_354, %dma_wait3A_355] : memref<16x640xf32, #tpu.memory_space<vmem>> -> memref<1x640xf32, #tpu.memory_space<vmem>>
    %dma_wait3A_357 = tpu.memref_squeeze %dma_wait3A_356 : memref<1x640xf32, #tpu.memory_space<vmem>> -> memref<640xf32, #tpu.memory_space<vmem>>
    %dma_wait3A_358 = tpu.memref_slice %arg8[%dma_wait3A_353, %mul3A_352] : memref<16x10240xf32, #tpu.memory_space<vmem_shared>> -> memref<1x640xf32, #tpu.memory_space<vmem_shared>>
    %dma_wait3A_359 = tpu.memref_squeeze %dma_wait3A_358 : memref<1x640xf32, #tpu.memory_space<vmem_shared>> -> memref<640xf32, #tpu.memory_space<vmem_shared>>
    %dma_wait3A_360 = arith.constant 0 : i32
    %dma_wait3A_361 = tpu.memref_slice %arg6[%dma_wait3A_354, %dma_wait3A_360] : memref<16x640xf32, #tpu.memory_space<vmem>> -> memref<1x640xf32, #tpu.memory_space<vmem>>
    %dma_wait3A_362 = tpu.memref_squeeze %dma_wait3A_361 : memref<1x640xf32, #tpu.memory_space<vmem>> -> memref<640xf32, #tpu.memory_space<vmem>>
    %dma_wait3A_363 = tpu.memref_slice %arg8[%dma_wait3A_353, %mul3A_352] : memref<16x10240xf32, #tpu.memory_space<vmem_shared>> -> memref<1x640xf32, #tpu.memory_space<vmem_shared>>
    %dma_wait3A_364 = tpu.memref_squeeze %dma_wait3A_363 : memref<1x640xf32, #tpu.memory_space<vmem_shared>> -> memref<640xf32, #tpu.memory_space<vmem_shared>>
    tpu.wait_dma2 semaphore(%arg9 : memref<!tpu.dma_semaphore, #tpu.memory_space<semaphore_mem>>) src(%dma_wait3A_364 : memref<640xf32, #tpu.memory_space<vmem_shared>>) dst(%dma_wait3A_362 : memref<640xf32, #tpu.memory_space<vmem>>)
    %mul3A_365 = arith.constant 640 : i32
    %mul3A_366 = arith.muli %arg1, %mul3A_365 : i32
    %dma_wait3A_367 = arith.constant 9 : i32
    %dma_wait3A_368 = arith.constant 9 : i32
    %dma_wait3A_369 = arith.constant 0 : i32
    %dma_wait3A_370 = tpu.memref_slice %arg6[%dma_wait3A_368, %dma_wait3A_369] : memref<16x640xf32, #tpu.memory_space<vmem>> -> memref<1x640xf32, #tpu.memory_space<vmem>>
    %dma_wait3A_371 = tpu.memref_squeeze %dma_wait3A_370 : memref<1x640xf32, #tpu.memory_space<vmem>> -> memref<640xf32, #tpu.memory_space<vmem>>
    %dma_wait3A_372 = tpu.memref_slice %arg8[%dma_wait3A_367, %mul3A_366] : memref<16x10240xf32, #tpu.memory_space<vmem_shared>> -> memref<1x640xf32, #tpu.memory_space<vmem_shared>>
    %dma_wait3A_373 = tpu.memref_squeeze %dma_wait3A_372 : memref<1x640xf32, #tpu.memory_space<vmem_shared>> -> memref<640xf32, #tpu.memory_space<vmem_shared>>
    %dma_wait3A_374 = arith.constant 0 : i32
    %dma_wait3A_375 = tpu.memref_slice %arg6[%dma_wait3A_368, %dma_wait3A_374] : memref<16x640xf32, #tpu.memory_space<vmem>> -> memref<1x640xf32, #tpu.memory_space<vmem>>
    %dma_wait3A_376 = tpu.memref_squeeze %dma_wait3A_375 : memref<1x640xf32, #tpu.memory_space<vmem>> -> memref<640xf32, #tpu.memory_space<vmem>>
    %dma_wait3A_377 = tpu.memref_slice %arg8[%dma_wait3A_367, %mul3A_366] : memref<16x10240xf32, #tpu.memory_space<vmem_shared>> -> memref<1x640xf32, #tpu.memory_space<vmem_shared>>
    %dma_wait3A_378 = tpu.memref_squeeze %dma_wait3A_377 : memref<1x640xf32, #tpu.memory_space<vmem_shared>> -> memref<640xf32, #tpu.memory_space<vmem_shared>>
    tpu.wait_dma2 semaphore(%arg9 : memref<!tpu.dma_semaphore, #tpu.memory_space<semaphore_mem>>) src(%dma_wait3A_378 : memref<640xf32, #tpu.memory_space<vmem_shared>>) dst(%dma_wait3A_376 : memref<640xf32, #tpu.memory_space<vmem>>)
    %mul3A_379 = arith.constant 640 : i32
    %mul3A_380 = arith.muli %arg1, %mul3A_379 : i32
    %dma_wait3A_381 = arith.constant 10 : i32
    %dma_wait3A_382 = arith.constant 10 : i32
    %dma_wait3A_383 = arith.constant 0 : i32
    %dma_wait3A_384 = tpu.memref_slice %arg6[%dma_wait3A_382, %dma_wait3A_383] : memref<16x640xf32, #tpu.memory_space<vmem>> -> memref<1x640xf32, #tpu.memory_space<vmem>>
    %dma_wait3A_385 = tpu.memref_squeeze %dma_wait3A_384 : memref<1x640xf32, #tpu.memory_space<vmem>> -> memref<640xf32, #tpu.memory_space<vmem>>
    %dma_wait3A_386 = tpu.memref_slice %arg8[%dma_wait3A_381, %mul3A_380] : memref<16x10240xf32, #tpu.memory_space<vmem_shared>> -> memref<1x640xf32, #tpu.memory_space<vmem_shared>>
    %dma_wait3A_387 = tpu.memref_squeeze %dma_wait3A_386 : memref<1x640xf32, #tpu.memory_space<vmem_shared>> -> memref<640xf32, #tpu.memory_space<vmem_shared>>
    %dma_wait3A_388 = arith.constant 0 : i32
    %dma_wait3A_389 = tpu.memref_slice %arg6[%dma_wait3A_382, %dma_wait3A_388] : memref<16x640xf32, #tpu.memory_space<vmem>> -> memref<1x640xf32, #tpu.memory_space<vmem>>
    %dma_wait3A_390 = tpu.memref_squeeze %dma_wait3A_389 : memref<1x640xf32, #tpu.memory_space<vmem>> -> memref<640xf32, #tpu.memory_space<vmem>>
    %dma_wait3A_391 = tpu.memref_slice %arg8[%dma_wait3A_381, %mul3A_380] : memref<16x10240xf32, #tpu.memory_space<vmem_shared>> -> memref<1x640xf32, #tpu.memory_space<vmem_shared>>
    %dma_wait3A_392 = tpu.memref_squeeze %dma_wait3A_391 : memref<1x640xf32, #tpu.memory_space<vmem_shared>> -> memref<640xf32, #tpu.memory_space<vmem_shared>>
    tpu.wait_dma2 semaphore(%arg9 : memref<!tpu.dma_semaphore, #tpu.memory_space<semaphore_mem>>) src(%dma_wait3A_392 : memref<640xf32, #tpu.memory_space<vmem_shared>>) dst(%dma_wait3A_390 : memref<640xf32, #tpu.memory_space<vmem>>)
    %mul3A_393 = arith.constant 640 : i32
    %mul3A_394 = arith.muli %arg1, %mul3A_393 : i32
    %dma_wait3A_395 = arith.constant 11 : i32
    %dma_wait3A_396 = arith.constant 11 : i32
    %dma_wait3A_397 = arith.constant 0 : i32
    %dma_wait3A_398 = tpu.memref_slice %arg6[%dma_wait3A_396, %dma_wait3A_397] : memref<16x640xf32, #tpu.memory_space<vmem>> -> memref<1x640xf32, #tpu.memory_space<vmem>>
    %dma_wait3A_399 = tpu.memref_squeeze %dma_wait3A_398 : memref<1x640xf32, #tpu.memory_space<vmem>> -> memref<640xf32, #tpu.memory_space<vmem>>
    %dma_wait3A_400 = tpu.memref_slice %arg8[%dma_wait3A_395, %mul3A_394] : memref<16x10240xf32, #tpu.memory_space<vmem_shared>> -> memref<1x640xf32, #tpu.memory_space<vmem_shared>>
    %dma_wait3A_401 = tpu.memref_squeeze %dma_wait3A_400 : memref<1x640xf32, #tpu.memory_space<vmem_shared>> -> memref<640xf32, #tpu.memory_space<vmem_shared>>
    %dma_wait3A_402 = arith.constant 0 : i32
    %dma_wait3A_403 = tpu.memref_slice %arg6[%dma_wait3A_396, %dma_wait3A_402] : memref<16x640xf32, #tpu.memory_space<vmem>> -> memref<1x640xf32, #tpu.memory_space<vmem>>
    %dma_wait3A_404 = tpu.memref_squeeze %dma_wait3A_403 : memref<1x640xf32, #tpu.memory_space<vmem>> -> memref<640xf32, #tpu.memory_space<vmem>>
    %dma_wait3A_405 = tpu.memref_slice %arg8[%dma_wait3A_395, %mul3A_394] : memref<16x10240xf32, #tpu.memory_space<vmem_shared>> -> memref<1x640xf32, #tpu.memory_space<vmem_shared>>
    %dma_wait3A_406 = tpu.memref_squeeze %dma_wait3A_405 : memref<1x640xf32, #tpu.memory_space<vmem_shared>> -> memref<640xf32, #tpu.memory_space<vmem_shared>>
    tpu.wait_dma2 semaphore(%arg9 : memref<!tpu.dma_semaphore, #tpu.memory_space<semaphore_mem>>) src(%dma_wait3A_406 : memref<640xf32, #tpu.memory_space<vmem_shared>>) dst(%dma_wait3A_404 : memref<640xf32, #tpu.memory_space<vmem>>)
    %mul3A_407 = arith.constant 640 : i32
    %mul3A_408 = arith.muli %arg1, %mul3A_407 : i32
    %dma_wait3A_409 = arith.constant 12 : i32
    %dma_wait3A_410 = arith.constant 12 : i32
    %dma_wait3A_411 = arith.constant 0 : i32
    %dma_wait3A_412 = tpu.memref_slice %arg6[%dma_wait3A_410, %dma_wait3A_411] : memref<16x640xf32, #tpu.memory_space<vmem>> -> memref<1x640xf32, #tpu.memory_space<vmem>>
    %dma_wait3A_413 = tpu.memref_squeeze %dma_wait3A_412 : memref<1x640xf32, #tpu.memory_space<vmem>> -> memref<640xf32, #tpu.memory_space<vmem>>
    %dma_wait3A_414 = tpu.memref_slice %arg8[%dma_wait3A_409, %mul3A_408] : memref<16x10240xf32, #tpu.memory_space<vmem_shared>> -> memref<1x640xf32, #tpu.memory_space<vmem_shared>>
    %dma_wait3A_415 = tpu.memref_squeeze %dma_wait3A_414 : memref<1x640xf32, #tpu.memory_space<vmem_shared>> -> memref<640xf32, #tpu.memory_space<vmem_shared>>
    %dma_wait3A_416 = arith.constant 0 : i32
    %dma_wait3A_417 = tpu.memref_slice %arg6[%dma_wait3A_410, %dma_wait3A_416] : memref<16x640xf32, #tpu.memory_space<vmem>> -> memref<1x640xf32, #tpu.memory_space<vmem>>
    %dma_wait3A_418 = tpu.memref_squeeze %dma_wait3A_417 : memref<1x640xf32, #tpu.memory_space<vmem>> -> memref<640xf32, #tpu.memory_space<vmem>>
    %dma_wait3A_419 = tpu.memref_slice %arg8[%dma_wait3A_409, %mul3A_408] : memref<16x10240xf32, #tpu.memory_space<vmem_shared>> -> memref<1x640xf32, #tpu.memory_space<vmem_shared>>
    %dma_wait3A_420 = tpu.memref_squeeze %dma_wait3A_419 : memref<1x640xf32, #tpu.memory_space<vmem_shared>> -> memref<640xf32, #tpu.memory_space<vmem_shared>>
    tpu.wait_dma2 semaphore(%arg9 : memref<!tpu.dma_semaphore, #tpu.memory_space<semaphore_mem>>) src(%dma_wait3A_420 : memref<640xf32, #tpu.memory_space<vmem_shared>>) dst(%dma_wait3A_418 : memref<640xf32, #tpu.memory_space<vmem>>)
    %mul3A_421 = arith.constant 640 : i32
    %mul3A_422 = arith.muli %arg1, %mul3A_421 : i32
    %dma_wait3A_423 = arith.constant 13 : i32
    %dma_wait3A_424 = arith.constant 13 : i32
    %dma_wait3A_425 = arith.constant 0 : i32
    %dma_wait3A_426 = tpu.memref_slice %arg6[%dma_wait3A_424, %dma_wait3A_425] : memref<16x640xf32, #tpu.memory_space<vmem>> -> memref<1x640xf32, #tpu.memory_space<vmem>>
    %dma_wait3A_427 = tpu.memref_squeeze %dma_wait3A_426 : memref<1x640xf32, #tpu.memory_space<vmem>> -> memref<640xf32, #tpu.memory_space<vmem>>
    %dma_wait3A_428 = tpu.memref_slice %arg8[%dma_wait3A_423, %mul3A_422] : memref<16x10240xf32, #tpu.memory_space<vmem_shared>> -> memref<1x640xf32, #tpu.memory_space<vmem_shared>>
    %dma_wait3A_429 = tpu.memref_squeeze %dma_wait3A_428 : memref<1x640xf32, #tpu.memory_space<vmem_shared>> -> memref<640xf32, #tpu.memory_space<vmem_shared>>
    %dma_wait3A_430 = arith.constant 0 : i32
    %dma_wait3A_431 = tpu.memref_slice %arg6[%dma_wait3A_424, %dma_wait3A_430] : memref<16x640xf32, #tpu.memory_space<vmem>> -> memref<1x640xf32, #tpu.memory_space<vmem>>
    %dma_wait3A_432 = tpu.memref_squeeze %dma_wait3A_431 : memref<1x640xf32, #tpu.memory_space<vmem>> -> memref<640xf32, #tpu.memory_space<vmem>>
    %dma_wait3A_433 = tpu.memref_slice %arg8[%dma_wait3A_423, %mul3A_422] : memref<16x10240xf32, #tpu.memory_space<vmem_shared>> -> memref<1x640xf32, #tpu.memory_space<vmem_shared>>
    %dma_wait3A_434 = tpu.memref_squeeze %dma_wait3A_433 : memref<1x640xf32, #tpu.memory_space<vmem_shared>> -> memref<640xf32, #tpu.memory_space<vmem_shared>>
    tpu.wait_dma2 semaphore(%arg9 : memref<!tpu.dma_semaphore, #tpu.memory_space<semaphore_mem>>) src(%dma_wait3A_434 : memref<640xf32, #tpu.memory_space<vmem_shared>>) dst(%dma_wait3A_432 : memref<640xf32, #tpu.memory_space<vmem>>)
    %mul3A_435 = arith.constant 640 : i32
    %mul3A_436 = arith.muli %arg1, %mul3A_435 : i32
    %dma_wait3A_437 = arith.constant 14 : i32
    %dma_wait3A_438 = arith.constant 14 : i32
    %dma_wait3A_439 = arith.constant 0 : i32
    %dma_wait3A_440 = tpu.memref_slice %arg6[%dma_wait3A_438, %dma_wait3A_439] : memref<16x640xf32, #tpu.memory_space<vmem>> -> memref<1x640xf32, #tpu.memory_space<vmem>>
    %dma_wait3A_441 = tpu.memref_squeeze %dma_wait3A_440 : memref<1x640xf32, #tpu.memory_space<vmem>> -> memref<640xf32, #tpu.memory_space<vmem>>
    %dma_wait3A_442 = tpu.memref_slice %arg8[%dma_wait3A_437, %mul3A_436] : memref<16x10240xf32, #tpu.memory_space<vmem_shared>> -> memref<1x640xf32, #tpu.memory_space<vmem_shared>>
    %dma_wait3A_443 = tpu.memref_squeeze %dma_wait3A_442 : memref<1x640xf32, #tpu.memory_space<vmem_shared>> -> memref<640xf32, #tpu.memory_space<vmem_shared>>
    %dma_wait3A_444 = arith.constant 0 : i32
    %dma_wait3A_445 = tpu.memref_slice %arg6[%dma_wait3A_438, %dma_wait3A_444] : memref<16x640xf32, #tpu.memory_space<vmem>> -> memref<1x640xf32, #tpu.memory_space<vmem>>
    %dma_wait3A_446 = tpu.memref_squeeze %dma_wait3A_445 : memref<1x640xf32, #tpu.memory_space<vmem>> -> memref<640xf32, #tpu.memory_space<vmem>>
    %dma_wait3A_447 = tpu.memref_slice %arg8[%dma_wait3A_437, %mul3A_436] : memref<16x10240xf32, #tpu.memory_space<vmem_shared>> -> memref<1x640xf32, #tpu.memory_space<vmem_shared>>
    %dma_wait3A_448 = tpu.memref_squeeze %dma_wait3A_447 : memref<1x640xf32, #tpu.memory_space<vmem_shared>> -> memref<640xf32, #tpu.memory_space<vmem_shared>>
    tpu.wait_dma2 semaphore(%arg9 : memref<!tpu.dma_semaphore, #tpu.memory_space<semaphore_mem>>) src(%dma_wait3A_448 : memref<640xf32, #tpu.memory_space<vmem_shared>>) dst(%dma_wait3A_446 : memref<640xf32, #tpu.memory_space<vmem>>)
    %mul3A_449 = arith.constant 640 : i32
    %mul3A_450 = arith.muli %arg1, %mul3A_449 : i32
    %dma_wait3A_451 = arith.constant 15 : i32
    %dma_wait3A_452 = arith.constant 15 : i32
    %dma_wait3A_453 = arith.constant 0 : i32
    %dma_wait3A_454 = tpu.memref_slice %arg6[%dma_wait3A_452, %dma_wait3A_453] : memref<16x640xf32, #tpu.memory_space<vmem>> -> memref<1x640xf32, #tpu.memory_space<vmem>>
    %dma_wait3A_455 = tpu.memref_squeeze %dma_wait3A_454 : memref<1x640xf32, #tpu.memory_space<vmem>> -> memref<640xf32, #tpu.memory_space<vmem>>
    %dma_wait3A_456 = tpu.memref_slice %arg8[%dma_wait3A_451, %mul3A_450] : memref<16x10240xf32, #tpu.memory_space<vmem_shared>> -> memref<1x640xf32, #tpu.memory_space<vmem_shared>>
    %dma_wait3A_457 = tpu.memref_squeeze %dma_wait3A_456 : memref<1x640xf32, #tpu.memory_space<vmem_shared>> -> memref<640xf32, #tpu.memory_space<vmem_shared>>
    %dma_wait3A_458 = arith.constant 0 : i32
    %dma_wait3A_459 = tpu.memref_slice %arg6[%dma_wait3A_452, %dma_wait3A_458] : memref<16x640xf32, #tpu.memory_space<vmem>> -> memref<1x640xf32, #tpu.memory_space<vmem>>
    %dma_wait3A_460 = tpu.memref_squeeze %dma_wait3A_459 : memref<1x640xf32, #tpu.memory_space<vmem>> -> memref<640xf32, #tpu.memory_space<vmem>>
    %dma_wait3A_461 = tpu.memref_slice %arg8[%dma_wait3A_451, %mul3A_450] : memref<16x10240xf32, #tpu.memory_space<vmem_shared>> -> memref<1x640xf32, #tpu.memory_space<vmem_shared>>
    %dma_wait3A_462 = tpu.memref_squeeze %dma_wait3A_461 : memref<1x640xf32, #tpu.memory_space<vmem_shared>> -> memref<640xf32, #tpu.memory_space<vmem_shared>>
    tpu.wait_dma2 semaphore(%arg9 : memref<!tpu.dma_semaphore, #tpu.memory_space<semaphore_mem>>) src(%dma_wait3A_462 : memref<640xf32, #tpu.memory_space<vmem_shared>>) dst(%dma_wait3A_460 : memref<640xf32, #tpu.memory_space<vmem>>)
    %scan3A_463 = arith.constant 0 : i32
    %scan3A_464 = arith.constant 0 : i32
    %scan3A_465 = arith.constant 40 : i32
    %scan3A_466 = arith.addi %scan3A_464, %scan3A_465 : i32
    %scan3A_467 = arith.constant 1 : i32
    %scan3A_468 = scf.for %scan3A_481 = %scan3A_464 to %scan3A_466 step %scan3A_467 iter_args(%scan3A_482 = %scan3A_463) -> (i32)  : i32 {
      %mul3A_483 = arith.constant 16 : i32
      %mul3A_484 = arith.muli %scan3A_481, %mul3A_483 : i32
      %get3A = arith.constant 0 : i32
      %get3A_485 = arith.index_cast %get3A : i32 to index
      %get3A_486 = arith.index_cast %mul3A_484 : i32 to index
      %get3A_487 = tpu.vector_load %arg6[%get3A_485, %get3A_486] {strides = array<i32>} : memref<16x640xf32, #tpu.memory_space<vmem>>, vector<16xf32>,
      %mul3A_488 = arith.constant 16 : i32
      %mul3A_489 = arith.muli %scan3A_481, %mul3A_488 : i32
      %get3A_490 = arith.constant 1 : i32
      %get3A_491 = arith.index_cast %get3A_490 : i32 to index
      %get3A_492 = arith.index_cast %mul3A_489 : i32 to index
      %get3A_493 = tpu.vector_load %arg6[%get3A_491, %get3A_492] {strides = array<i32>} : memref<16x640xf32, #tpu.memory_space<vmem>>, vector<16xf32>,
      %add3A = arith.addf %get3A_487, %get3A_493 : vector<16xf32>
      %mul3A_494 = arith.constant 16 : i32
      %mul3A_495 = arith.muli %scan3A_481, %mul3A_494 : i32
      %get3A_496 = arith.constant 2 : i32
      %get3A_497 = arith.index_cast %get3A_496 : i32 to index
      %get3A_498 = arith.index_cast %mul3A_495 : i32 to index
      %get3A_499 = tpu.vector_load %arg6[%get3A_497, %get3A_498] {strides = array<i32>} : memref<16x640xf32, #tpu.memory_space<vmem>>, vector<16xf32>,
      %add3A_500 = arith.addf %add3A, %get3A_499 : vector<16xf32>
      %mul3A_501 = arith.constant 16 : i32
      %mul3A_502 = arith.muli %scan3A_481, %mul3A_501 : i32
      %get3A_503 = arith.constant 3 : i32
      %get3A_504 = arith.index_cast %get3A_503 : i32 to index
      %get3A_505 = arith.index_cast %mul3A_502 : i32 to index
      %get3A_506 = tpu.vector_load %arg6[%get3A_504, %get3A_505] {strides = array<i32>} : memref<16x640xf32, #tpu.memory_space<vmem>>, vector<16xf32>,
      %add3A_507 = arith.addf %add3A_500, %get3A_506 : vector<16xf32>
      %mul3A_508 = arith.constant 16 : i32
      %mul3A_509 = arith.muli %scan3A_481, %mul3A_508 : i32
      %get3A_510 = arith.constant 4 : i32
      %get3A_511 = arith.index_cast %get3A_510 : i32 to index
      %get3A_512 = arith.index_cast %mul3A_509 : i32 to index
      %get3A_513 = tpu.vector_load %arg6[%get3A_511, %get3A_512] {strides = array<i32>} : memref<16x640xf32, #tpu.memory_space<vmem>>, vector<16xf32>,
      %add3A_514 = arith.addf %add3A_507, %get3A_513 : vector<16xf32>
      %mul3A_515 = arith.constant 16 : i32
      %mul3A_516 = arith.muli %scan3A_481, %mul3A_515 : i32
      %get3A_517 = arith.constant 5 : i32
      %get3A_518 = arith.index_cast %get3A_517 : i32 to index
      %get3A_519 = arith.index_cast %mul3A_516 : i32 to index
      %get3A_520 = tpu.vector_load %arg6[%get3A_518, %get3A_519] {strides = array<i32>} : memref<16x640xf32, #tpu.memory_space<vmem>>, vector<16xf32>,
      %add3A_521 = arith.addf %add3A_514, %get3A_520 : vector<16xf32>
      %mul3A_522 = arith.constant 16 : i32
      %mul3A_523 = arith.muli %scan3A_481, %mul3A_522 : i32
      %get3A_524 = arith.constant 6 : i32
      %get3A_525 = arith.index_cast %get3A_524 : i32 to index
      %get3A_526 = arith.index_cast %mul3A_523 : i32 to index
      %get3A_527 = tpu.vector_load %arg6[%get3A_525, %get3A_526] {strides = array<i32>} : memref<16x640xf32, #tpu.memory_space<vmem>>, vector<16xf32>,
      %add3A_528 = arith.addf %add3A_521, %get3A_527 : vector<16xf32>
      %mul3A_529 = arith.constant 16 : i32
      %mul3A_530 = arith.muli %scan3A_481, %mul3A_529 : i32
      %get3A_531 = arith.constant 7 : i32
      %get3A_532 = arith.index_cast %get3A_531 : i32 to index
      %get3A_533 = arith.index_cast %mul3A_530 : i32 to index
      %get3A_534 = tpu.vector_load %arg6[%get3A_532, %get3A_533] {strides = array<i32>} : memref<16x640xf32, #tpu.memory_space<vmem>>, vector<16xf32>,
      %add3A_535 = arith.addf %add3A_528, %get3A_534 : vector<16xf32>
      %mul3A_536 = arith.constant 16 : i32
      %mul3A_537 = arith.muli %scan3A_481, %mul3A_536 : i32
      %get3A_538 = arith.constant 8 : i32
      %get3A_539 = arith.index_cast %get3A_538 : i32 to index
      %get3A_540 = arith.index_cast %mul3A_537 : i32 to index
      %get3A_541 = tpu.vector_load %arg6[%get3A_539, %get3A_540] {strides = array<i32>} : memref<16x640xf32, #tpu.memory_space<vmem>>, vector<16xf32>,
      %add3A_542 = arith.addf %add3A_535, %get3A_541 : vector<16xf32>
      %mul3A_543 = arith.constant 16 : i32
      %mul3A_544 = arith.muli %scan3A_481, %mul3A_543 : i32
      %get3A_545 = arith.constant 9 : i32
      %get3A_546 = arith.index_cast %get3A_545 : i32 to index
      %get3A_547 = arith.index_cast %mul3A_544 : i32 to index
      %get3A_548 = tpu.vector_load %arg6[%get3A_546, %get3A_547] {strides = array<i32>} : memref<16x640xf32, #tpu.memory_space<vmem>>, vector<16xf32>,
      %add3A_549 = arith.addf %add3A_542, %get3A_548 : vector<16xf32>
      %mul3A_550 = arith.constant 16 : i32
      %mul3A_551 = arith.muli %scan3A_481, %mul3A_550 : i32
      %get3A_552 = arith.constant 10 : i32
      %get3A_553 = arith.index_cast %get3A_552 : i32 to index
      %get3A_554 = arith.index_cast %mul3A_551 : i32 to index
      %get3A_555 = tpu.vector_load %arg6[%get3A_553, %get3A_554] {strides = array<i32>} : memref<16x640xf32, #tpu.memory_space<vmem>>, vector<16xf32>,
      %add3A_556 = arith.addf %add3A_549, %get3A_555 : vector<16xf32>
      %mul3A_557 = arith.constant 16 : i32
      %mul3A_558 = arith.muli %scan3A_481, %mul3A_557 : i32
      %get3A_559 = arith.constant 11 : i32
      %get3A_560 = arith.index_cast %get3A_559 : i32 to index
      %get3A_561 = arith.index_cast %mul3A_558 : i32 to index
      %get3A_562 = tpu.vector_load %arg6[%get3A_560, %get3A_561] {strides = array<i32>} : memref<16x640xf32, #tpu.memory_space<vmem>>, vector<16xf32>,
      %add3A_563 = arith.addf %add3A_556, %get3A_562 : vector<16xf32>
      %mul3A_564 = arith.constant 16 : i32
      %mul3A_565 = arith.muli %scan3A_481, %mul3A_564 : i32
      %get3A_566 = arith.constant 12 : i32
      %get3A_567 = arith.index_cast %get3A_566 : i32 to index
      %get3A_568 = arith.index_cast %mul3A_565 : i32 to index
      %get3A_569 = tpu.vector_load %arg6[%get3A_567, %get3A_568] {strides = array<i32>} : memref<16x640xf32, #tpu.memory_space<vmem>>, vector<16xf32>,
      %add3A_570 = arith.addf %add3A_563, %get3A_569 : vector<16xf32>
      %mul3A_571 = arith.constant 16 : i32
      %mul3A_572 = arith.muli %scan3A_481, %mul3A_571 : i32
      %get3A_573 = arith.constant 13 : i32
      %get3A_574 = arith.index_cast %get3A_573 : i32 to index
      %get3A_575 = arith.index_cast %mul3A_572 : i32 to index
      %get3A_576 = tpu.vector_load %arg6[%get3A_574, %get3A_575] {strides = array<i32>} : memref<16x640xf32, #tpu.memory_space<vmem>>, vector<16xf32>,
      %add3A_577 = arith.addf %add3A_570, %get3A_576 : vector<16xf32>
      %mul3A_578 = arith.constant 16 : i32
      %mul3A_579 = arith.muli %scan3A_481, %mul3A_578 : i32
      %get3A_580 = arith.constant 14 : i32
      %get3A_581 = arith.index_cast %get3A_580 : i32 to index
      %get3A_582 = arith.index_cast %mul3A_579 : i32 to index
      %get3A_583 = tpu.vector_load %arg6[%get3A_581, %get3A_582] {strides = array<i32>} : memref<16x640xf32, #tpu.memory_space<vmem>>, vector<16xf32>,
      %add3A_584 = arith.addf %add3A_577, %get3A_583 : vector<16xf32>
      %mul3A_585 = arith.constant 16 : i32
      %mul3A_586 = arith.muli %scan3A_481, %mul3A_585 : i32
      %get3A_587 = arith.constant 15 : i32
      %get3A_588 = arith.index_cast %get3A_587 : i32 to index
      %get3A_589 = arith.index_cast %mul3A_586 : i32 to index
      %get3A_590 = tpu.vector_load %arg6[%get3A_588, %get3A_589] {strides = array<i32>} : memref<16x640xf32, #tpu.memory_space<vmem>>, vector<16xf32>,
      %add3A_591 = arith.addf %add3A_584, %get3A_590 : vector<16xf32>
      %add3A_592 = arith.constant 1.000000e+00 : f32
      %add3A_593 = vector.broadcast %add3A_592 : f32 to vector<16xf32>
      %add3A_594 = arith.addf %add3A_591, %add3A_593 : vector<16xf32>
      %bitcast3A = vector.bitcast %add3A_594 : vector<16xf32> to vector<16xi32>
      %shift_right_arithmetic3A = arith.constant 1 : i32
      %shift_right_arithmetic3A_595 = vector.broadcast %shift_right_arithmetic3A : i32 to vector<16xi32>
      %shift_right_arithmetic3A_596 = arith.shrsi %bitcast3A, %shift_right_arithmetic3A_595 : vector<16xi32>
      %sub3A = arith.constant 1597463007 : i32
      %sub3A_597 = vector.broadcast %sub3A : i32 to vector<16xi32>
      %sub3A_598 = arith.subi %sub3A_597, %shift_right_arithmetic3A_596 : vector<16xi32>
      %bitcast3A_599 = vector.bitcast %sub3A_598 : vector<16xi32> to vector<16xf32>
      %mul3A_600 = arith.constant 5.000000e-01 : f32
      %mul3A_601 = vector.broadcast %mul3A_600 : f32 to vector<16xf32>
      %mul3A_602 = arith.mulf %mul3A_601, %add3A_594 : vector<16xf32>
      %mul3A_603 = arith.mulf %mul3A_602, %bitcast3A_599 : vector<16xf32>
      %mul3A_604 = arith.mulf %mul3A_603, %bitcast3A_599 : vector<16xf32>
      %sub3A_605 = arith.constant 1.500000e+00 : f32
      %sub3A_606 = vector.broadcast %sub3A_605 : f32 to vector<16xf32>
      %sub3A_607 = arith.subf %sub3A_606, %mul3A_604 : vector<16xf32>
      %mul3A_608 = arith.mulf %bitcast3A_599, %sub3A_607 : vector<16xf32>
      %mul3A_609 = arith.constant 5.000000e-01 : f32
      %mul3A_610 = vector.broadcast %mul3A_609 : f32 to vector<16xf32>
      %mul3A_611 = arith.mulf %mul3A_610, %add3A_594 : vector<16xf32>
      %mul3A_612 = arith.mulf %mul3A_611, %mul3A_608 : vector<16xf32>
      %mul3A_613 = arith.mulf %mul3A_612, %mul3A_608 : vector<16xf32>
      %sub3A_614 = arith.constant 1.500000e+00 : f32
      %sub3A_615 = vector.broadcast %sub3A_614 : f32 to vector<16xf32>
      %sub3A_616 = arith.subf %sub3A_615, %mul3A_613 : vector<16xf32>
      %mul3A_617 = arith.mulf %mul3A_608, %sub3A_616 : vector<16xf32>
      %mul3A_618 = arith.constant 5.000000e-01 : f32
      %mul3A_619 = vector.broadcast %mul3A_618 : f32 to vector<16xf32>
      %mul3A_620 = arith.mulf %mul3A_619, %add3A_594 : vector<16xf32>
      %mul3A_621 = arith.mulf %mul3A_620, %mul3A_617 : vector<16xf32>
      %mul3A_622 = arith.mulf %mul3A_621, %mul3A_617 : vector<16xf32>
      %sub3A_623 = arith.constant 1.500000e+00 : f32
      %sub3A_624 = vector.broadcast %sub3A_623 : f32 to vector<16xf32>
      %sub3A_625 = arith.subf %sub3A_624, %mul3A_622 : vector<16xf32>
      %mul3A_626 = arith.mulf %mul3A_617, %sub3A_625 : vector<16xf32>
      %mul3A_627 = arith.constant 16 : i32
      %mul3A_628 = arith.muli %scan3A_481, %mul3A_627 : i32
      %swap3A = arith.index_cast %mul3A_628 : i32 to index
      %swap3A_629 = tpu.vector_load %arg7[%swap3A] {strides = array<i32>} : memref<640xf32, #tpu.memory_space<vmem>>, vector<16xf32>,
      tpu.vector_store %arg7[%swap3A], %mul3A_626 {strides = array<i32>} : memref<640xf32, #tpu.memory_space<vmem>>, vector<16xf32>,
      %scan3A_630 = arith.constant 0 : i32
      scf.yield %scan3A_630 : i32
    }
    %scan3A_469 = arith.constant 40 : i32
    %eq3A = arith.constant 0 : i32
    %eq3A_470 = arith.cmpi eq, %arg0, %eq3A : i32
    %lt3A = arith.constant 15 : i32
    %lt3A_471 = arith.cmpi slt, %arg1, %lt3A : i32
    %and3A = arith.andi %eq3A_470, %lt3A_471 : i1
    %convert_element_type3A = arith.extui %and3A : i1 to i32
    %cond3A = arith.constant 0 : i32
    %cond3A_472 = arith.cmpi ne, %convert_element_type3A, %cond3A : i32
    scf.if %cond3A_472 {
      %mul3A_481 = arith.constant 640 : i32
      %mul3A_482 = arith.muli %arg1, %mul3A_481 : i32
      "tpu.region"() ({
        %run_scoped3A = tpu.sem_alloc : memref<!tpu.dma_semaphore, #tpu.memory_space<semaphore_mem>>
        %dma_start3A_483 = tpu.memref_slice %arg3[%mul3A_482] : memref<10000xf32, #tpu.memory_space<hbm>> -> memref<640xf32, #tpu.memory_space<hbm>>
        %dma_start3A_484 = tpu.memref_slice %arg3[%mul3A_482] : memref<10000xf32, #tpu.memory_space<hbm>> -> memref<640xf32, #tpu.memory_space<hbm>>
        tpu.enqueue_dma source(%arg7 : memref<640xf32, #tpu.memory_space<vmem>>) target(%dma_start3A_484 : memref<640xf32, #tpu.memory_space<hbm>>) target_semaphore(%run_scoped3A : memref<!tpu.dma_semaphore, #tpu.memory_space<semaphore_mem>>)
        %dma_wait3A_485 = tpu.memref_slice %arg3[%mul3A_482] : memref<10000xf32, #tpu.memory_space<hbm>> -> memref<640xf32, #tpu.memory_space<hbm>>
        %dma_wait3A_486 = tpu.memref_slice %arg3[%mul3A_482] : memref<10000xf32, #tpu.memory_space<hbm>> -> memref<640xf32, #tpu.memory_space<hbm>>
        tpu.wait_dma2 semaphore(%run_scoped3A : memref<!tpu.dma_semaphore, #tpu.memory_space<semaphore_mem>>) src(%arg7 : memref<640xf32, #tpu.memory_space<vmem>>) dst(%dma_wait3A_486 : memref<640xf32, #tpu.memory_space<hbm>>)
        tpu.yield
      }) : () -> ()
    } else {
    }
    %eq3A_473 = arith.constant 0 : i32
    %eq3A_474 = arith.cmpi eq, %arg0, %eq3A_473 : i32
    %eq3A_475 = arith.constant 15 : i32
    %eq3A_476 = arith.cmpi eq, %arg1, %eq3A_475 : i32
    %and3A_477 = arith.andi %eq3A_474, %eq3A_476 : i1
    %convert_element_type3A_478 = arith.extui %and3A_477 : i1 to i32
    %cond3A_479 = arith.constant 0 : i32
    %cond3A_480 = arith.cmpi ne, %convert_element_type3A_478, %cond3A_479 : i32
    scf.if %cond3A_480 {
      "tpu.region"() ({
        %run_scoped3A = tpu.sem_alloc : memref<!tpu.dma_semaphore, #tpu.memory_space<semaphore_mem>>
        %dma_start3A_481 = arith.constant 0 : i32
        %dma_start3A_482 = tpu.memref_slice %arg7[%dma_start3A_481] : memref<640xf32, #tpu.memory_space<vmem>> -> memref<400xf32, #tpu.memory_space<vmem>>
        %dma_start3A_483 = arith.constant 9600 : i32
        %dma_start3A_484 = tpu.memref_slice %arg3[%dma_start3A_483] : memref<10000xf32, #tpu.memory_space<hbm>> -> memref<400xf32, #tpu.memory_space<hbm>>
        %dma_start3A_485 = arith.constant 9600 : i32
        %dma_start3A_486 = tpu.memref_slice %arg3[%dma_start3A_485] : memref<10000xf32, #tpu.memory_space<hbm>> -> memref<400xf32, #tpu.memory_space<hbm>>
        %dma_start3A_487 = arith.constant 0 : i32
        %dma_start3A_488 = tpu.memref_slice %arg7[%dma_start3A_487] : memref<640xf32, #tpu.memory_space<vmem>> -> memref<400xf32, #tpu.memory_space<vmem>>
        tpu.enqueue_dma source(%dma_start3A_488 : memref<400xf32, #tpu.memory_space<vmem>>) target(%dma_start3A_486 : memref<400xf32, #tpu.memory_space<hbm>>) target_semaphore(%run_scoped3A : memref<!tpu.dma_semaphore, #tpu.memory_space<semaphore_mem>>)
        %dma_wait3A_489 = arith.constant 0 : i32
        %dma_wait3A_490 = tpu.memref_slice %arg7[%dma_wait3A_489] : memref<640xf32, #tpu.memory_space<vmem>> -> memref<400xf32, #tpu.memory_space<vmem>>
        %dma_wait3A_491 = arith.constant 9600 : i32
        %dma_wait3A_492 = tpu.memref_slice %arg3[%dma_wait3A_491] : memref<10000xf32, #tpu.memory_space<hbm>> -> memref<400xf32, #tpu.memory_space<hbm>>
        %dma_wait3A_493 = arith.constant 9600 : i32
        %dma_wait3A_494 = tpu.memref_slice %arg3[%dma_wait3A_493] : memref<10000xf32, #tpu.memory_space<hbm>> -> memref<400xf32, #tpu.memory_space<hbm>>
        %dma_wait3A_495 = arith.constant 0 : i32
        %dma_wait3A_496 = tpu.memref_slice %arg7[%dma_wait3A_495] : memref<640xf32, #tpu.memory_space<vmem>> -> memref<400xf32, #tpu.memory_space<vmem>>
        tpu.wait_dma2 semaphore(%run_scoped3A : memref<!tpu.dma_semaphore, #tpu.memory_space<semaphore_mem>>) src(%dma_wait3A_496 : memref<400xf32, #tpu.memory_space<vmem>>) dst(%dma_wait3A_494 : memref<400xf32, #tpu.memory_space<hbm>>)
        tpu.yield
      }) : () -> ()
    } else {
    }
    return
  }
}

module attributes {stable_mosaic.version = 14 : i64} {
  func.func @_mm_body(%arg0: memref<256x256xf32, #tpu.memory_space<vmem>>, %arg1: memref<10000x256xf32, #tpu.memory_space<vmem>>, %arg2: memref<1x10000xf32, #tpu.memory_space<vmem>>, %arg3: memref<256x10000xf32, #tpu.memory_space<vmem>>) attributes {dimension_semantics = [], scalar_prefetch = 0 : i64, scratch_operands = 0 : i64, tpu.core_type = #tpu.core_type<tc>} {
    %get3A = arith.constant 0 : index
    %get3A_0 = arith.constant 0 : index
    %get3A_1 = vector.load %arg0[%get3A, %get3A_0] : memref<256x256xf32, #tpu.memory_space<vmem>>, vector<256x256xf32>
    %get3A_2 = arith.constant 0 : index
    %get3A_3 = arith.constant 0 : index
    %get3A_4 = vector.load %arg1[%get3A_2, %get3A_3] : memref<10000x256xf32, #tpu.memory_space<vmem>>, vector<10000x256xf32>
    %dot_general3A = arith.constant dense<0.000000e+00> : vector<256x10000xf32>
    %dot_general3A_5 = tpu.matmul %get3A_1, %get3A_4, %dot_general3A {dimension_numbers = #tpu.dot_dimension_numbers<[0], [1], [1], [0], [0, 1, 1, 0], [], []>, transpose_lhs_hint = false} : vector<256x256xf32>, vector<10000x256xf32>, vector<256x10000xf32> -> vector<256x10000xf32>
    %get3A_6 = arith.constant 0 : index
    %get3A_7 = arith.constant 0 : index
    %get3A_8 = vector.load %arg2[%get3A_6, %get3A_7] : memref<1x10000xf32, #tpu.memory_space<vmem>>, vector<1x10000xf32>
    %mul3A = vector.broadcast %get3A_8 : vector<1x10000xf32> to vector<256x10000xf32>
    %mul3A_9 = arith.mulf %dot_general3A_5, %mul3A : vector<256x10000xf32>
    %swap3A = arith.constant 0 : index
    %swap3A_10 = arith.constant 0 : index
    %swap3A_11 = vector.load %arg3[%swap3A, %swap3A_10] : memref<256x10000xf32, #tpu.memory_space<vmem>>, vector<256x10000xf32>
    tpu.vector_store %arg3[%swap3A, %swap3A_10], %mul3A_9 {strides = array<i32>} : memref<256x10000xf32, #tpu.memory_space<vmem>>, vector<256x10000xf32>,
    return
  }
}

module attributes {stable_mosaic.version = 14 : i64} {
  func.func @_ln_body(%arg0: i32, %arg1: memref<256x1280xf32, #tpu.memory_space<vmem>>, %arg2: memref<256x1280xf32, #tpu.memory_space<vmem>>, %arg3: memref<1x1280xf32, #tpu.memory_space<vmem>>, %arg4: memref<1280x256xf32, #tpu.memory_space<vmem>>, %arg5: memref<256x1xf32, #tpu.memory_space<vmem>>, %arg6: memref<256x1xf32, #tpu.memory_space<vmem>>, %arg7: memref<256x1xf32, #tpu.memory_space<vmem>>, %arg8: memref<1280x256xf32, #tpu.memory_space<vmem>>) attributes {dimension_semantics = [#tpu.dimension_semantics<arbitrary>], iteration_bounds = array<i64: 8>, scalar_prefetch = 0 : i64, scratch_operands = 0 : i64, tpu.core_type = #tpu.core_type<tc>, window_params = [{transform_indices = @transform_0, window_bounds = array<i64: 256, 1280>}, {transform_indices = @transform_1, window_bounds = array<i64: 256, 1280>}, {transform_indices = @transform_2, window_bounds = array<i64: 1, 1280>}, {transform_indices = @transform_3, window_bounds = array<i64: 1280, 256>}, {pipeline_mode = #tpu.pipeline_mode<synchronous>, transform_indices = @transform_4, window_bounds = array<i64: 256, 1>}, {pipeline_mode = #tpu.pipeline_mode<synchronous>, transform_indices = @transform_5, window_bounds = array<i64: 256, 1>}, {pipeline_mode = #tpu.pipeline_mode<synchronous>, transform_indices = @transform_6, window_bounds = array<i64: 256, 1>}, {transform_indices = @transform_7, window_bounds = array<i64: 1280, 256>}]} {
    %get3A = arith.constant 0 : index
    %get3A_0 = arith.constant 0 : index
    %get3A_1 = vector.load %arg3[%get3A, %get3A_0] : memref<1x1280xf32, #tpu.memory_space<vmem>>, vector<1x1280xf32>
    %get3A_2 = arith.constant 0 : index
    %get3A_3 = arith.constant 0 : index
    %get3A_4 = vector.load %arg1[%get3A_2, %get3A_3] : memref<256x1280xf32, #tpu.memory_space<vmem>>, vector<256x1280xf32>
    %get3A_5 = arith.constant 0 : index
    %get3A_6 = arith.constant 0 : index
    %get3A_7 = vector.load %arg2[%get3A_5, %get3A_6] : memref<256x1280xf32, #tpu.memory_space<vmem>>, vector<256x1280xf32>
    %add3A = arith.addf %get3A_4, %get3A_7 : vector<256x1280xf32>
    %mul3A = vector.broadcast %get3A_1 : vector<1x1280xf32> to vector<256x1280xf32>
    %mul3A_8 = arith.mulf %mul3A, %add3A : vector<256x1280xf32>
    %get3A_9 = arith.constant 0 : index
    %get3A_10 = arith.constant 0 : index
    %get3A_11 = vector.load %arg5[%get3A_9, %get3A_10] : memref<256x1xf32, #tpu.memory_space<vmem>>, vector<256x1xf32>
    %add3A_12 = vector.broadcast %get3A_11 : vector<256x1xf32> to vector<256x1280xf32>
    %add3A_13 = arith.addf %mul3A_8, %add3A_12 : vector<256x1280xf32>
    %reduce_sum3A = arith.constant dense<0.000000e+00> : vector<1280xf32>
    %reduce_sum3A_14 = vector.multi_reduction <add>, %add3A_13, %reduce_sum3A [0] : vector<256x1280xf32> to vector<1280xf32>
    %broadcast_in_dim3A = vector.shape_cast %reduce_sum3A_14 : vector<1280xf32> to vector<1x1280xf32>
    %div3A = arith.constant 2.560000e+02 : f32
    %div3A_15 = vector.broadcast %div3A : f32 to vector<1x1280xf32>
    %div3A_16 = arith.divf %broadcast_in_dim3A, %div3A_15 : vector<1x1280xf32>
    %sub3A = vector.broadcast %div3A_16 : vector<1x1280xf32> to vector<256x1280xf32>
    %sub3A_17 = arith.subf %add3A_13, %sub3A : vector<256x1280xf32>
    %integer_pow3A = arith.mulf %sub3A_17, %sub3A_17 : vector<256x1280xf32>
    %reduce_sum3A_18 = arith.constant dense<0.000000e+00> : vector<1280xf32>
    %reduce_sum3A_19 = vector.multi_reduction <add>, %integer_pow3A, %reduce_sum3A_18 [0] : vector<256x1280xf32> to vector<1280xf32>
    %broadcast_in_dim3A_20 = vector.shape_cast %reduce_sum3A_19 : vector<1280xf32> to vector<1x1280xf32>
    %div3A_21 = arith.constant 2.560000e+02 : f32
    %div3A_22 = vector.broadcast %div3A_21 : f32 to vector<1x1280xf32>
    %div3A_23 = arith.divf %broadcast_in_dim3A_20, %div3A_22 : vector<1x1280xf32>
    %sub3A_24 = vector.broadcast %div3A_16 : vector<1x1280xf32> to vector<256x1280xf32>
    %sub3A_25 = arith.subf %add3A_13, %sub3A_24 : vector<256x1280xf32>
    %add3A_26 = arith.constant 9.99999974E-6 : f32
    %add3A_27 = vector.broadcast %add3A_26 : f32 to vector<1x1280xf32>
    %add3A_28 = arith.addf %div3A_23, %add3A_27 : vector<1x1280xf32>
    %rsqrt3A = math.rsqrt %add3A_28 : vector<1x1280xf32>
    %mul3A_29 = vector.broadcast %rsqrt3A : vector<1x1280xf32> to vector<256x1280xf32>
    %mul3A_30 = arith.mulf %sub3A_25, %mul3A_29 : vector<256x1280xf32>
    %get3A_31 = arith.constant 0 : index
    %get3A_32 = arith.constant 0 : index
    %get3A_33 = vector.load %arg6[%get3A_31, %get3A_32] : memref<256x1xf32, #tpu.memory_space<vmem>>, vector<256x1xf32>
    %mul3A_34 = vector.broadcast %get3A_33 : vector<256x1xf32> to vector<256x1280xf32>
    %mul3A_35 = arith.mulf %mul3A_30, %mul3A_34 : vector<256x1280xf32>
    %get3A_36 = arith.constant 0 : index
    %get3A_37 = arith.constant 0 : index
    %get3A_38 = vector.load %arg7[%get3A_36, %get3A_37] : memref<256x1xf32, #tpu.memory_space<vmem>>, vector<256x1xf32>
    %add3A_39 = vector.broadcast %get3A_38 : vector<256x1xf32> to vector<256x1280xf32>
    %add3A_40 = arith.addf %mul3A_35, %add3A_39 : vector<256x1280xf32>
    %transpose3A = tpu.transpose %add3A_40, [1, 0] : vector<256x1280xf32> -> vector<1280x256xf32>
    %get3A_41 = arith.constant 0 : index
    %get3A_42 = arith.constant 0 : index
    %get3A_43 = vector.load %arg4[%get3A_41, %get3A_42] : memref<1280x256xf32, #tpu.memory_space<vmem>>, vector<1280x256xf32>
    %add3A_44 = arith.addf %transpose3A, %get3A_43 : vector<1280x256xf32>
    %max3A = arith.constant 0.000000e+00 : f32
    %max3A_45 = vector.broadcast %max3A : f32 to vector<1280x256xf32>
    %max3A_46 = arith.maximumf %add3A_44, %max3A_45 : vector<1280x256xf32>
    %swap3A = arith.constant 0 : index
    %swap3A_47 = arith.constant 0 : index
    %swap3A_48 = vector.load %arg8[%swap3A, %swap3A_47] : memref<1280x256xf32, #tpu.memory_space<vmem>>, vector<1280x256xf32>
    tpu.vector_store %arg8[%swap3A, %swap3A_47], %max3A_46 {strides = array<i32>} : memref<1280x256xf32, #tpu.memory_space<vmem>>, vector<1280x256xf32>,
    return
  }
  func.func @transform_0(%arg0: i32) -> (i32, i32) {
    %c0_i32 = arith.constant 0 : i32
    %c0_i32_0 = arith.constant 0 : i32
    return %c0_i32, %arg0 : i32, i32
  }
  func.func @transform_1(%arg0: i32) -> (i32, i32) {
    %c0_i32 = arith.constant 0 : i32
    %c0_i32_0 = arith.constant 0 : i32
    return %c0_i32, %arg0 : i32, i32
  }
  func.func @transform_2(%arg0: i32) -> (i32, i32) {
    %c0_i32 = arith.constant 0 : i32
    %c0_i32_0 = arith.constant 0 : i32
    return %c0_i32, %arg0 : i32, i32
  }
  func.func @transform_3(%arg0: i32) -> (i32, i32) {
    %c0_i32 = arith.constant 0 : i32
    %c0_i32_0 = arith.constant 0 : i32
    return %arg0, %c0_i32 : i32, i32
  }
  func.func @transform_4(%arg0: i32) -> (i32, i32) {
    %c0_i32 = arith.constant 0 : i32
    %c0_i32_0 = arith.constant 0 : i32
    %c0_i32_1 = arith.constant 0 : i32
    return %c0_i32, %c0_i32_0 : i32, i32
  }
  func.func @transform_5(%arg0: i32) -> (i32, i32) {
    %c0_i32 = arith.constant 0 : i32
    %c0_i32_0 = arith.constant 0 : i32
    %c0_i32_1 = arith.constant 0 : i32
    return %c0_i32, %c0_i32_0 : i32, i32
  }
  func.func @transform_6(%arg0: i32) -> (i32, i32) {
    %c0_i32 = arith.constant 0 : i32
    %c0_i32_0 = arith.constant 0 : i32
    %c0_i32_1 = arith.constant 0 : i32
    return %c0_i32, %c0_i32_0 : i32, i32
  }
  func.func @transform_7(%arg0: i32) -> (i32, i32) {
    %c0_i32 = arith.constant 0 : i32
    %c0_i32_0 = arith.constant 0 : i32
    return %arg0, %c0_i32 : i32, i32
  }
}

</mosaic_0001>

<sc_bundles>
// kernel: kernel.6.cloned.1.call-start
scs
__scs_entry_jumppad:
0x0: {  	(pc) =	sbr.rel $0x88, $3  }
0x1: {  	(tag) =	ssettag $0x0;
	lr =	simm.s32 $0x1  }
0x2: {  	[smem:$0x3F9B] =	sst lr;
	_ =	strace $0xD0000000  }
0x3: {  	_ = 	snop  }
0x4: {  	_ = 	snop  }
0x5: {  	_ = 	snop  }
0x6: {  	_ = 	snop  }
0x7: {  	_ = 	snop  }
__scs_overlays_trampoline_lowered:
0x8: {  	[smem:$0x3FAA] =	sst s0  }
0x9: {  	[smem:$0x3FAB] =	sst s1  }
0xa: {  	[smem:$0x3FAC] =	sst s2  }
0xb: {  	[smem:$0x3FAD] =	sst s3  }
0xc: {  	[smem:$0x3FAE] =	sst s4  }
0xd: {  	[smem:$0x3FAF] =	sst s5  }
0xe: {  	[smem:$0x3FB0] =	sst s6  }
0xf: {  	[smem:$0x3FB1] =	sst s7  }
0x10: {  	[smem:$0x3FB2] =	sst s8  }
0x11: {  	[smem:$0x3FB3] =	sst s9;
	s0 =	simm.s32 @!p0 $0x0  }
0x12: {  	s1 =	sld [smem:$0x3F99];
	s0 =	simm.s32 @p0 $0x1  }
0x13: {  	[smem:$0x3FB4] =	sst s0;
	s0 =	simm.s32 @!p1 $0x0  }
0x14: {  	s2 =	sld [smem:$0x3F98];
	s0 =	simm.s32 @p1 $0x1  }
0x15: {  	[smem:$0x3FB5] =	sst s0;
	s0 =	simm.s32 @!p2 $0x0  }
0x16: {  	s3 =	sld [smem:$0x3FDB];
	s0 =	simm.s32 @p2 $0x1  }
0x17: {  	s4 =	simm.s32 $0x1BF5;
	[smem:$0x3FB7] =	sst s0  }
0x18: {  	s0 =	sld [smem:$0x3F9A];
	_ =	swait.ge [sflag:s4], $0x0  }
0x19: {  	s7 =	sld [smem:$0x3F9B]  }
0x1a: {  	s8 =	sadd.s32 $0xFFFFE003, lr  }
0x1b: {  	s9 =	sadd.s32 $0xFFFFFEF7, lr;
	s5 =	simm.s32 $0xFFFFFFFF;
	p2 =	slt.u32 s8, $0xFFFFF086  }
0x1c: {  	p1 =	slt.u32 s9, $0xF7A;
	s5 =	simm.s32 @!p2 $0x0  }
0x1d: {  	s5 =	simm.s32 @p1 $0x1;
	p0 =	seq.s32 s7, s2  }
0x1e: {  	s7 =	smul.u32 @!p0 $0xF7A, s2;
	p2 =	seq.s32 @!p0 s5, $0x0  }
0x1f: {  	s9 =	smul.u32 $0xF7A, s1;
	s8 =	simm.s32 @!p0 $0x1BF5;
	p2 =	por !p2, p0  }
0x20: {  	[sflag:s8] =	ssyncset.s32 @!p0 $0xFFFFF086;
	s6 =	sadd.s32 @!p0 s3, s7;
	s7 =	simm.s32 @!p0 $0x108  }
0x21: {  	s3 =	sadd.s32 s3, s9;
	s6 =	sadd.s32 @!p0 $0x88, s6;
	s7 =	simm.s32 @p2 $0x1082  }
0x22: {  	[simem:s7], [sflag:s8] =	dma.local @!p0 [hbm:s6], $0xF7A  }
0x23: {  	s9 =	sor.u32 $0xD0000000, s2;
	s6 =	simm.s32 $0x108;
	_ =	swait.ge @!p0 [sflag:s8], $0x0  }
0x24: {  	s3 =	sadd.s32 $0x88, s3;
	s6 =	simm.s32 @!p1 $0x1082;
	[sflag:s4] =	ssyncset.s32 $0xFFFFF086  }
0x25: {  	[simem:s6], [sflag:s4] =	dma.local [hbm:s3], $0xF7A  }
0x26: {  	[smem:$0x3F9B] =	sst s1;
	(tag) =	ssettag s2;
	_ =	strace s9  }
0x27: {  	s1 =	sld [smem:$0x3FAB]  }
0x28: {  	s2 =	sld [smem:$0x3FAC]  }
0x29: {  	s4 =	sld [smem:$0x3FAE]  }
0x2a: {  	p0 =	seq.s32 s5, $0x0;
	s5 =	sld [smem:$0x3FAF]  }
0x2b: {  	s6 =	sld [smem:$0x3FB0]  }
0x2c: {  	s7 =	sld [smem:$0x3FB1]  }
0x2d: {  	s3 =	simm.s32 $0x108;
	s8 =	sld [smem:$0x3FB2]  }
0x2e: {  	s3 =	simm.s32 @!p0 $0x1082;
	s9 =	sld [smem:$0x3FB3]  }
0x2f: {  	lr =	sadd.s32 s0, s3;
	s0 =	sld [smem:$0x3FAA]  }
0x30: {  	s3 =	sld [smem:$0x3FAD]  }
0x31: {  	[smem:$0x3FB6] =	sst s10  }
0x32: {  	s10 =	sld [smem:$0x3FB4];
	_ =	sdelay $0x3  }
0x33: {  	p0 =	seq.s32 s10, $0x1;
	s10 =	sld [smem:$0x3FB6];
	_ =	sdelay $0x3  }
0x34: {  	[smem:$0x3FB6] =	sst s10  }
0x35: {  	s10 =	sld [smem:$0x3FB5];
	_ =	sdelay $0x3  }
0x36: {  	p1 =	seq.s32 s10, $0x1;
	s10 =	sld [smem:$0x3FB6];
	_ =	sdelay $0x3  }
0x37: {  	[smem:$0x3FB6] =	sst s10  }
0x38: {  	s10 =	sld [smem:$0x3FB7]  }
0x39: {  	_ = 	snop;
	(pc) =	sbr.ind lr, $3  }
0x3a: {  	_ = 	snop  }
0x3b: {  	_ = 	snop  }
0x3c: {  	p2 =	seq.s32 s10, $0x1;
	s10 =	sld [smem:$0x3FB6]  }
0x3d: {  	_ =	shalt  }
0x3e: {  	_ =	shalt  }
0x3f: {  	_ =	shalt  }
0x40: {  	_ =	shalt  }
0x41: {  	_ =	shalt  }
0x42: {  	_ =	shalt  }
0x43: {  	_ =	shalt  }
0x44: {  	_ =	shalt  }
0x45: {  	_ =	shalt  }
0x46: {  	_ =	shalt  }
0x47: {  	_ =	shalt  }
0x48: {  	_ =	shalt  }
0x49: {  	_ =	shalt  }
0x4a: {  	_ =	shalt  }
0x4b: {  	_ =	shalt  }
0x4c: {  	_ =	shalt  }
0x4d: {  	_ =	shalt  }
0x4e: {  	_ =	shalt  }
0x4f: {  	_ =	shalt  }
0x50: {  	_ =	shalt  }
0x51: {  	_ =	shalt  }
0x52: {  	_ =	shalt  }
0x53: {  	_ =	shalt  }
0x54: {  	_ =	shalt  }
0x55: {  	_ =	shalt  }
0x56: {  	_ =	shalt  }
0x57: {  	_ =	shalt  }
0x58: {  	_ =	shalt  }
0x59: {  	_ =	shalt  }
0x5a: {  	_ =	shalt  }
0x5b: {  	_ =	shalt  }
0x5c: {  	_ =	shalt  }
0x5d: {  	_ =	shalt  }
0x5e: {  	_ =	shalt  }
0x5f: {  	_ =	shalt  }
0x60: {  	_ =	shalt  }
0x61: {  	_ =	shalt  }
0x62: {  	_ =	shalt  }
0x63: {  	_ =	shalt  }
0x64: {  	_ =	shalt  }
0x65: {  	_ =	shalt  }
0x66: {  	_ =	shalt  }
0x67: {  	_ =	shalt  }
0x68: {  	_ =	shalt  }
0x69: {  	_ =	shalt  }
0x6a: {  	_ =	shalt  }
0x6b: {  	_ =	shalt  }
0x6c: {  	_ =	shalt  }
0x6d: {  	_ =	shalt  }
0x6e: {  	_ =	shalt  }
0x6f: {  	_ =	shalt  }
0x70: {  	_ =	shalt  }
0x71: {  	_ =	shalt  }
0x72: {  	_ =	shalt  }
0x73: {  	_ =	shalt  }
0x74: {  	_ =	shalt  }
0x75: {  	_ =	shalt  }
0x76: {  	_ =	shalt  }
0x77: {  	_ =	shalt  }
0x78: {  	_ =	shalt  }
0x79: {  	_ =	shalt  }
0x7a: {  	_ =	shalt  }
0x7b: {  	_ =	shalt  }
0x7c: {  	_ =	shalt  }
0x7d: {  	_ =	shalt  }
0x7e: {  	_ =	shalt  }
0x7f: {  	_ =	shalt  }
0x80: {  	_ =	shalt  }
0x81: {  	_ =	shalt  }
0x82: {  	_ =	shalt  }
0x83: {  	_ =	shalt  }
0x84: {  	_ =	shalt  }
0x85: {  	_ =	shalt  }
0x86: {  	_ =	shalt  }
0x87: {  	_ =	shalt  }
.Lfunc_end0:
.L_simem_size_0:
called_computation_lowered:
.L_overlay_start_0:
0x88: {  	s2 =	sld [smem:$0x3FD9]  }
0x89: {  	s3 =	sld [smem:$0x3FFE];
	_ =	sdelay $0x1  }
0x8a: {  	s1 =	srdreg.scid  }
0x8b: {  	s0 =	sand.u32 $0x1, s1  }
0x8c: {  	s16 =	sshll.u32 s0, $0xA;
	s2 =	sadd.s32 s3, s2  }
0x8d: {  	s2 =	sadd.s32 s2, s16  }
0x8e: {  	[smem:$0x3FC2] =	sst s2  }
0x8f: {  	_ = 	snop  }
0x90: {  	(tm) =	ssettm $0x1  }
0x91: {  	s17 =	sld [smem:$0x3FFB];
	_ =	sdelay $0x3  }
0x92: {  	_ =	strace s17  }
0x93: {  	s2 =	sld [smem:$0x3FFC];
	_ =	sdelay $0x3  }
0x94: {  	_ =	strace s2  }
0x95: {  	s2 =	sld [smem:$0x3FFD];
	_ =	sdelay $0x3  }
0x96: {  	_ =	strace s2  }
0x97: {  	_ =	strace $0x8FFFFFFF  }
0x98: {  	s18 =	sld [smem:$0x3FDB];
	_ =	sdelay $0x1  }
0x99: {  	s19 =	simm.s32 $_scs_section_size  }
0x9a: {  	s4 =	simm.s32 $_size__tile_overlayer_lowered;
	s5 =	simm.s32 $_tile_overlayer_lowered  }
0x9b: {  	s22 =	simm.s32 $0x1BFF;
	s21 =	sshll.u32 s5, $0x1;
	s2 =	sadd.s32 s19, s18  }
0x9c: {  	s6 =	simm.s32 $0x0;
	s20 =	sshll.u32 s4, $0x1;
	s4 =	sadd.s32 s21, s2  }
0x9d: {  	[timem:s6], [sflag:s22] =	dma.local [hbm:s4], s20  }
0x9e: {  	_ =	swait.ge [sflag:s22], s20  }
0x9f: {  	s3 =	ssub.s32 $0x0, s20;
	[sflag:s22] =	ssyncset.done $0x0  }
0xa0: {  	[sflag:s22] =	ssyncadd.s32 s3;
	_ =	sdelay $0x1  }
0xa1: {  	s23 =	simm.s32 $0x1B8B  }
0xa2: {  	_ =	swait.ge [sflag:s23], $0x1  }
0xa3: {  	[sflag:s23] =	ssyncset.done $0x0  }
0xa4: {  	s25 =	simm.s32 $0x1B8E;
	s24 =	sld [smem:$0x3FFE];
	[sflag:s23] =	ssyncadd.s32 $0xFFFFFFFF  }
0xa5: {  	s26 =	simm.s32 $execute0_lowered;
	[smem:$0x3FD2] =	sst s25  }
0xa6: {  	s4 =	sshll.u32 s26, $0x1;
	_ =	strace $0x80000046;
	[dreg:$0x1] =	wrdreg $0xFFFFFFFF  }
0xa7: {  	s28 =	simm.s32 $_size_execute0_lowered;
	s2 =	sadd.s32 s2, s4;
	[dreg:$0x0] =	wrdreg $0x0  }
0xa8: {  	s4 =	sshll.u32 s28, $0x1;
	[dreg:$0x2] =	wrdreg s2  }
0xa9: {  	[dreg:$0x3] =	wrdreg s4  }
0xaa: {  	[dreg:$0x4] =	wrdreg $0xC0  }
0xab: {  	_ =	task [dreg:s6], $0x5FFFF  }
0xac: {  	[dreg:$0x1] =	wrdreg $0xFFFFFFFF  }
0xad: {  	[dreg:$0x0] =	wrdreg $0x60  }
0xae: {  	[dreg:$0x2] =	wrdreg s24  }
0xaf: {  	[dreg:$0x3] =	wrdreg $0x7A000  }
0xb0: {  	[dreg:$0x4] =	wrdreg $0x9  }
0xb1: {  	_ =	task.clear_ibuf [dreg:s6], $0x5FFFF;
	_ =	strace $0x90000046  }
0xb2: {  	s29 =	simm.s32 $0x9;
	_ =	strace $0x80000048  }
0xb3: {  	_ =	swait.ge [sflag:s29], $0x1  }
0xb4: {  	[sflag:s29] =	ssyncadd.s32 $0xFFFFFFFF  }
0xb5: {  	_ =	strace $0x90000048  }
0xb6: {  	_ =	sfence  }
0xb7: {  	s30 =	sld [smem:$0x0];
	_ =	sdelay $0x2  }
0xb8: {  	s31 =	sshll.u32 s1, $0xD;
	s1 =	sshrl.u32 s1, $0x2  }
0xb9: {  	s3 =	sand.u32 $0x4000, s31;
	s1 =	sadd.s32 s1, s30  }
0xba: {  	s0 =	sor.u32 s3, s0;
	s1 =	sshll.u32 s1, $0x11  }
0xbb: {  	s0 =	sor.u32 s1, s0  }
0xbc: {  	s0 =	sadd.s32 $0x8F2B, s0  }
0xbd: {  	[sflag:s0] =	ssyncadd.remote.s32 $0x1  }
0xbe: {  	_ =	sfence.sel $0xFFFF  }
0xbf: {  	[dreg:$0x0] =	wrdreg $0xFFFFFFFF;
	(pc) =	sbr.abs _section_cstart, $3  }
0xc0: {  	[dreg:$0x1] =	wrdreg $0xFFFFFFFF  }
0xc1: {  	_ =	task.clear_ibuf [dreg:s6], $0x2FFFF;
	_ =	strace $0x9FFFFFFF  }
0xc2: {  	(tm) =	ssettm $0x7FFFFFFF  }
0xc3: {  	_ =	shalt  }
tec
execute0_lowered:
.L_overlay_start_1:
0x0: {  	(tag) =	ssettag $0x1  }
0x1: {  	s11 =	stileid.u32  }
0x2: {  	s3 =	smul.u32 $0x4E2, s11  }
0x3: {  	s0 =	rddreg [dreg:$0x0];
	s2 =	simm.s32 $0x0;
	s5 =	smul.u32 $0x50, s11  }
0x4: {  	[smem:$0x7FF] =	sst s2;
	s9 =	smul.u32 $0x5000, s11  }
0x5: {  	s1 =	rddreg [dreg:$0x1];
	_ =	strace $0x80000047;
	s10 =	sadd.s32 s3, s0  }
0x6: {  	s5 =	sadd.s32 s5, s0;
	s25 =	sshrl.u32 s9, $0x2;
	s0 =	sadd.s32 $0x6EB0, s0  }
0x7: {  	s3 =	sadd.s32 s25, s1;
	s10 =	sadd.s32 $0x1A00, s10;
	[dreg:$0x14] =	wrdreg s0  }
0x8: {  	[dreg:$0x3] =	wrdreg s10;
	s13 =	sadd.s32 $0x80, s3  }
0x9: {  	s14 =	sadd.s32 $0x100, s3;
	[dreg:$0x5] =	wrdreg s13  }
0xa: {  	s15 =	sadd.s32 $0x180, s3;
	[dreg:$0x6] =	wrdreg s14  }
0xb: {  	s16 =	sadd.s32 $0x200, s3;
	[dreg:$0x7] =	wrdreg s15  }
0xc: {  	s17 =	sadd.s32 $0x280, s3;
	[dreg:$0x8] =	wrdreg s16  }
0xd: {  	s18 =	sadd.s32 $0x300, s3;
	[dreg:$0x9] =	wrdreg s17  }
0xe: {  	s4 =	srdreg.scid;
	s19 =	sadd.s32 $0x380, s3;
	[dreg:$0xa] =	wrdreg s18  }
0xf: {  	s4 =	sand.u32 $0x1, s4;
	s20 =	sadd.s32 $0x14000, s3;
	[dreg:$0xb] =	wrdreg s19  }
0x10: {  	s24 =	sshll.u32 s11, $0x7;
	s21 =	sadd.s32 $0x14080, s3;
	[dreg:$0xc] =	wrdreg s20  }
0x11: {  	s7 =	ssub.s32 $0x2, s4;
	s22 =	sadd.s32 $0x14100, s3;
	[dreg:$0xd] =	wrdreg s21  }
0x12: {  	s26 =	sand.u32 $0x380, s24;
	s23 =	sadd.s32 $0x14180, s3;
	[dreg:$0xe] =	wrdreg s22  }
0x13: {  	p0 =	seq.s32 s4, $0x0;
	s24 =	sadd.s32 $0x14200, s3;
	[dreg:$0xf] =	wrdreg s23  }
0x14: {  	s8 =	sshrl.u32 s7, $0x1;
	s25 =	sadd.s32 $0x14280, s3;
	[dreg:$0x10] =	wrdreg s24  }
0x15: {  	s7 =	ssub.s32 s7, s8;
	s4 =	sadd.s32 $0x14380, s3;
	[dreg:$0x11] =	wrdreg s25  }
0x16: {  	s6 =	sshrl.u32 s11, $0x3;
	s7 =	smax.u32 s7, $0x1;
	[dreg:$0x13] =	wrdreg s4  }
0x17: {  	p1 =	sne.s32 s11, $0xF;
	s8 =	sadd.s32 $0x400, s3;
	[dreg:$0x16] =	wrdreg s7  }
0x18: {  	s6 =	smul.u32 $0x50000, s6;
	s9 =	sadd.s32 $0x800, s3;
	[dreg:$0x17] =	wrdreg s8  }
0x19: {  	p2 =	seq.s32 s11, $0xF;
	s10 =	sadd.s32 $0xC00, s3;
	[dreg:$0x18] =	wrdreg s9  }
0x1a: {  	s6 =	sshrl.u32 s6, $0x2;
	s11 =	sadd.s32 $0x1000, s3;
	[dreg:$0x19] =	wrdreg s10  }
0x1b: {  	s6 =	sadd.s32 s6, s1;
	s1 =	sadd.s32 $0x1200, s3;
	[dreg:$0x1a] =	wrdreg s11  }
0x1c: {  	s12 =	sadd.s32 s26, s6;
	[smem:$0x7E6] =	sst s1  }
0x1d: {  	s26 =	sadd.s32 $0x14300, s3;
	[dreg:$0x4] =	wrdreg s12  }
0x1e: {  	s6 =	sadd.s32 $0x6A00, s5;
	[dreg:$0x12] =	wrdreg s26  }
0x1f: {  	s13 =	sadd.s32 $0x880, s3;
	[dreg:$0x15] =	wrdreg s6  }
0x20: {  	s14 =	sadd.s32 $0xC80, s3;
	[dreg:$0x1c] =	wrdreg s13  }
0x21: {  	s15 =	sadd.s32 $0x1080, s3;
	[dreg:$0x1d] =	wrdreg s14  }
0x22: {  	s16 =	sadd.s32 $0x500, s3;
	[dreg:$0x1e] =	wrdreg s15  }
0x23: {  	s17 =	sadd.s32 $0x900, s3;
	[dreg:$0x1f] =	wrdreg s16  }
0x24: {  	s18 =	sadd.s32 $0xD00, s3;
	[smem:$0x7DC] =	sst s17  }
0x25: {  	s19 =	sadd.s32 $0x1100, s3;
	[smem:$0x7DD] =	sst s18  }
0x26: {  	s20 =	sadd.s32 $0x580, s3;
	[smem:$0x7DE] =	sst s19  }
0x27: {  	s21 =	sadd.s32 $0x980, s3;
	[smem:$0x7DF] =	sst s20  }
0x28: {  	s22 =	sadd.s32 $0xD80, s3;
	[smem:$0x7E0] =	sst s21  }
0x29: {  	s23 =	sadd.s32 $0x1180, s3;
	[smem:$0x7E1] =	sst s22  }
0x2a: {  	s24 =	sadd.s32 $0x600, s3;
	[smem:$0x7E2] =	sst s23  }
0x2b: {  	s25 =	sadd.s32 $0xA00, s3;
	[smem:$0x7E3] =	sst s24  }
0x2c: {  	s4 =	sadd.s32 $0x680, s3;
	[smem:$0x7E4] =	sst s25  }
0x2d: {  	s5 =	sadd.s32 $0xA80, s3;
	[smem:$0x7E7] =	sst s4  }
0x2e: {  	s7 =	sadd.s32 $0x1280, s3;
	[smem:$0x7E8] =	sst s5  }
0x2f: {  	s8 =	sadd.s32 $0x700, s3;
	[smem:$0x7EA] =	sst s7  }
0x30: {  	s9 =	sadd.s32 $0xB00, s3;
	[smem:$0x7EB] =	sst s8  }
0x31: {  	s10 =	sadd.s32 $0xF00, s3;
	[smem:$0x7EC] =	sst s9  }
0x32: {  	s11 =	sadd.s32 $0x1300, s3;
	[smem:$0x7ED] =	sst s10  }
0x33: {  	s12 =	sadd.s32 $0x480, s3;
	[smem:$0x7EE] =	sst s11  }
0x34: {  	s26 =	sadd.s32 $0xE00, s3;
	[dreg:$0x1b] =	wrdreg s12  }
0x35: {  	s6 =	sadd.s32 $0xE80, s3;
	[smem:$0x7E5] =	sst s26  }
0x36: {  	s31 =	simm.s32 $0x2;
	s13 =	sadd.s32 $0xB80, s3;
	[smem:$0x7E9] =	sst s6  }
0x37: {  	p1 =	por !p0, !p1;
	s14 =	sadd.s32 $0xF80, s3;
	[smem:$0x7F0] =	sst s13  }
0x38: {  	p2 =	por !p0, !p2;
	s15 =	sadd.s32 $0x1380, s3;
	[smem:$0x7F1] =	sst s14  }
0x39: {  	p0 =	por !p1, !p1;
	s16 =	sadd.s32 $0x14400, s3;
	[smem:$0x7F2] =	sst s15  }
0x3a: {  	p6 =	por !p2, !p2;
	s17 =	sadd.s32 $0x14800, s3;
	[smem:$0x7F3] =	sst s16  }
0x3b: {  	s0 =	simm.s32 $0x2780;
	s18 =	sadd.s32 $0x14C00, s3;
	[smem:$0x7F4] =	sst s17  }
0x3c: {  	p1 =	por !p6, p0;
	s19 =	sadd.s32 $0x15000, s3;
	[smem:$0x7F5] =	sst s18  }
0x3d: {  	s28 =	sadd.s32 $0x14B80, s3;
	s20 =	sadd.s32 $0x14480, s3;
	[smem:$0x7F6] =	sst s19  }
0x3e: {  	s29 =	sadd.s32 $0x14F80, s3;
	s21 =	sadd.s32 $0x14880, s3;
	[smem:$0x7F7] =	sst s20  }
0x3f: {  	s30 =	sadd.s32 $0x15380, s3;
	s22 =	sadd.s32 $0x14C80, s3;
	[smem:$0x7F8] =	sst s21  }
0x40: {  	s1 =	simm.s32 $0x1;
	s23 =	sadd.s32 $0x15080, s3;
	[smem:$0x7F9] =	sst s22  }
0x41: {  	s24 =	sadd.s32 $0x14500, s3;
	s25 =	sadd.s32 $0x14900, s3;
	[smem:$0x7FA] =	sst s23  }
0x42: {  	s9 =	sadd.s32 $0x15100, s3;
	s10 =	sadd.s32 $0x14580, s3;
	[smem:$0x7FB] =	sst s24  }
0x43: {  	s11 =	sadd.s32 $0x14980, s3;
	s12 =	sadd.s32 $0x780, s3;
	[smem:$0x7FC] =	sst s25  }
0x44: {  	s26 =	sadd.s32 $0x14D00, s3;
	s13 =	sadd.s32 $0x15180, s3;
	s14 =	sadd.s32 $0x14600, s3  }
0x45: {  	s15 =	sadd.s32 $0x14A00, s3;
	s16 =	sadd.s32 $0x14E00, s3;
	s17 =	sadd.s32 $0x15200, s3  }
0x46: {  	s18 =	sadd.s32 $0x14680, s3;
	s19 =	sadd.s32 $0x14A80, s3;
	s20 =	sadd.s32 $0x14E80, s3  }
0x47: {  	s21 =	sadd.s32 $0x15280, s3;
	s22 =	sadd.s32 $0x14700, s3;
	s23 =	sadd.s32 $0x14B00, s3  }
0x48: {  	s24 =	sadd.s32 $0x14F00, s3;
	s25 =	sadd.s32 $0x15300, s3;
	[smem:$0x7EF] =	sst s12  }
0x49: {  	v0 =	vimm.f32 $0.0e+00;
	v1 =	vimm.f32 $1.000000000e+00;
	[smem:$0x7FD] =	sst s26;
	s12 =	sadd.s32 $0x14D80, s3;
	s26 =	sadd.s32 $0x14780, s3  }
.LBB2_1:
0x4a: {  	s4 =	simm.s32 $0x40;
	s5 =	simm.s32 $0x0  }
.LBB2_2:
0x4b: {  	p2 =	sne.s32 s4, $0x9FC0;
	[tilespmem:s5+$0x2780] =	vst v0;
	s5 =	smov.u32 s4;
	s4 =	sadd.s32 $0x40, s4  }
.Ltmp0:
0x4c: {  	(pc) =	sbr.rel @p2 .LBB2_2-.Ltmp0, $2  }
0x4d: {  	_ =	sdelay $0x2  }
0x4e: {  	s5 =	sshra.s32 s5, $0x2  }
0x4f: {  	[tilespmem:s5+$0x2780] =	vst v0;
	s4 =	simm.s32 $0x0;
	s8 =	rddreg [dreg:$0x3]  }
0x50: {  	[tilespmem:s4], [sflag:$0x2] =	stream.linear.gather [hbm4b:s8+s4], $0x2710, $0x38;
	[tilespmem:$0xA200] =	vst v63  }
0x51: {  	_ =	swait.ge [sflag:s31], $0x2710  }
0x52: {  	[sflag:s31] =	ssyncset.done $0x0  }
0x53: {  	s5 =	simm.s32 $0x0;
	s4 =	simm.s32 $0x40;
	[sflag:s31] =	ssyncadd.s32 $0xFFFFD8F0  }
.LBB2_4:
0x54: {  	p2 =	sne.s32 s4, $0x9C00;
	v2 =	vld [tilespmem:s5+$0x0];
	_ =	sdelay $0x3  }
.Ltmp1:
0x55: {  	(pc) =	sbr.rel @p2 .LBB2_4-.Ltmp1, $2  }
0x56: {  	_ =	sdelay $0x2  }
0x57: {  	s5 =	sshra.s32 s4, $0x2;
	s4 =	sadd.s32 $0x40, s4;
	[tilespmem:v2+s0+$0x0] =	vst.idx.add.f32.msk $0xffff, v1  }
0x58: {  	v2 =	vld [tilespmem:s5+$0x0];
	_ =	sdelay $0x7  }
0x59: {  	s4 =	rddreg [dreg:$0x4];
	s8 =	simm.s32 $0x80;
	s6 =	simm.s32 $0x400;
	[tilespmem:v2+s0+$0x0] =	vst.idx.add.f32.msk $0xffff, v1  }
0x5a: {  	[spmem:s4] =	stream.strided.scatter [tilespmem:s0], [sflag:$0x2], $0x2800, s6, s8, $0x38;
	[tilespmem:$0xA200] =	vst v63  }
0x5b: {  	_ =	swait.ge [sflag:s31], $0x2800  }
0x5c: {  	[sflag:s31] =	ssyncset.done $0x0  }
0x5d: {  	[sflag:s31] =	ssyncadd.s32 $0xFFFFD800  }
0x5e: {  	s6 =	simm.s32 $0x4F80;
	[bflag:$0x0] =	sbarrier.arrive $0xFFFF  }
0x5f: {  	[tilespmem:s6], [sflag:$0x1] =	stream.linear.gather [spmem:s3], $0x80, $0x38;
	[tilespmem:$0xA200] =	vst v63  }
0x60: {  	s7 =	rddreg [dreg:$0x17]  }
0x61: {  	s8 =	simm.s32 $0x5380;
	s5 =	rddreg [dreg:$0x18]  }
0x62: {  	[tilespmem:s8], [sflag:$0x1] =	stream.linear.gather [spmem:s7], $0x80, $0x38;
	[tilespmem:$0xA200] =	vst v63  }
0x63: {  	s6 =	simm.s32 $0x5780;
	s7 =	rddreg [dreg:$0x19]  }
0x64: {  	[tilespmem:s6], [sflag:$0x1] =	stream.linear.gather [spmem:s5], $0x80, $0x38;
	[tilespmem:$0xA200] =	vst v63  }
0x65: {  	s8 =	simm.s32 $0x5B80;
	s5 =	rddreg [dreg:$0x1a]  }
0x66: {  	[tilespmem:s8], [sflag:$0x1] =	stream.linear.gather [spmem:s7], $0x80, $0x38;
	[tilespmem:$0xA200] =	vst v63  }
0x67: {  	s6 =	simm.s32 $0x5F80;
	s7 =	rddreg [dreg:$0x5]  }
0x68: {  	[tilespmem:s6], [sflag:$0x1] =	stream.linear.gather [spmem:s5], $0x80, $0x38;
	[tilespmem:$0xA200] =	vst v63  }
0x69: {  	s8 =	simm.s32 $0x5000;
	s5 =	rddreg [dreg:$0x1b]  }
0x6a: {  	[tilespmem:s8], [sflag:$0x1] =	stream.linear.gather [spmem:s7], $0x80, $0x38;
	[tilespmem:$0xA200] =	vst v63  }
0x6b: {  	s6 =	simm.s32 $0x5400;
	s7 =	rddreg [dreg:$0x1c]  }
0x6c: {  	[tilespmem:s6], [sflag:$0x1] =	stream.linear.gather [spmem:s5], $0x80, $0x38;
	[tilespmem:$0xA200] =	vst v63  }
0x6d: {  	s8 =	simm.s32 $0x5800;
	s5 =	rddreg [dreg:$0x1d]  }
0x6e: {  	[tilespmem:s8], [sflag:$0x1] =	stream.linear.gather [spmem:s7], $0x80, $0x38;
	[tilespmem:$0xA200] =	vst v63  }
0x6f: {  	s6 =	simm.s32 $0x5C00;
	s7 =	rddreg [dreg:$0x1e]  }
0x70: {  	[tilespmem:s6], [sflag:$0x1] =	stream.linear.gather [spmem:s5], $0x80, $0x38;
	[tilespmem:$0xA200] =	vst v63  }
0x71: {  	s8 =	simm.s32 $0x6000;
	s5 =	rddreg [dreg:$0x6]  }
0x72: {  	[tilespmem:s8], [sflag:$0x1] =	stream.linear.gather [spmem:s7], $0x80, $0x38;
	[tilespmem:$0xA200] =	vst v63  }
0x73: {  	s6 =	simm.s32 $0x5080;
	s7 =	rddreg [dreg:$0x1f]  }
0x74: {  	[tilespmem:s6], [sflag:$0x1] =	stream.linear.gather [spmem:s5], $0x80, $0x38;
	[tilespmem:$0xA200] =	vst v63  }
0x75: {  	s8 =	simm.s32 $0x5480;
	s5 =	sld [smem:$0x7DC]  }
0x76: {  	[tilespmem:s8], [sflag:$0x1] =	stream.linear.gather [spmem:s7], $0x80, $0x38;
	[tilespmem:$0xA200] =	vst v63  }
0x77: {  	s6 =	simm.s32 $0x5880;
	s7 =	sld [smem:$0x7DD]  }
0x78: {  	[tilespmem:s6], [sflag:$0x1] =	stream.linear.gather [spmem:s5], $0x80, $0x38;
	[tilespmem:$0xA200] =	vst v63  }
0x79: {  	s8 =	simm.s32 $0x5C80;
	s5 =	sld [smem:$0x7DE]  }
0x7a: {  	[tilespmem:s8], [sflag:$0x1] =	stream.linear.gather [spmem:s7], $0x80, $0x38;
	[tilespmem:$0xA200] =	vst v63  }
0x7b: {  	s6 =	simm.s32 $0x6080;
	s7 =	rddreg [dreg:$0x7]  }
0x7c: {  	[tilespmem:s6], [sflag:$0x1] =	stream.linear.gather [spmem:s5], $0x80, $0x38;
	[tilespmem:$0xA200] =	vst v63  }
0x7d: {  	s8 =	simm.s32 $0x5100;
	s5 =	sld [smem:$0x7DF]  }
0x7e: {  	[tilespmem:s8], [sflag:$0x1] =	stream.linear.gather [spmem:s7], $0x80, $0x38;
	[tilespmem:$0xA200] =	vst v63  }
0x7f: {  	s6 =	simm.s32 $0x5500;
	s7 =	sld [smem:$0x7E0]  }
0x80: {  	[tilespmem:s6], [sflag:$0x1] =	stream.linear.gather [spmem:s5], $0x80, $0x38;
	[tilespmem:$0xA200] =	vst v63  }
0x81: {  	s8 =	simm.s32 $0x5900;
	s5 =	sld [smem:$0x7E1]  }
0x82: {  	[tilespmem:s8], [sflag:$0x1] =	stream.linear.gather [spmem:s7], $0x80, $0x38;
	[tilespmem:$0xA200] =	vst v63  }
0x83: {  	s6 =	simm.s32 $0x5D00;
	s7 =	sld [smem:$0x7E2]  }
0x84: {  	[tilespmem:s6], [sflag:$0x1] =	stream.linear.gather [spmem:s5], $0x80, $0x38;
	[tilespmem:$0xA200] =	vst v63  }
0x85: {  	s8 =	simm.s32 $0x6100;
	s5 =	rddreg [dreg:$0x8]  }
0x86: {  	[tilespmem:s8], [sflag:$0x1] =	stream.linear.gather [spmem:s7], $0x80, $0x38;
	[tilespmem:$0xA200] =	vst v63  }
0x87: {  	s6 =	simm.s32 $0x5180;
	s7 =	sld [smem:$0x7E3]  }
0x88: {  	[tilespmem:s6], [sflag:$0x1] =	stream.linear.gather [spmem:s5], $0x80, $0x38;
	[tilespmem:$0xA200] =	vst v63  }
0x89: {  	s8 =	simm.s32 $0x5580;
	s5 =	sld [smem:$0x7E4]  }
0x8a: {  	[tilespmem:s8], [sflag:$0x1] =	stream.linear.gather [spmem:s7], $0x80, $0x38;
	[tilespmem:$0xA200] =	vst v63  }
0x8b: {  	s6 =	simm.s32 $0x5980;
	s7 =	sld [smem:$0x7E5]  }
0x8c: {  	[tilespmem:s6], [sflag:$0x1] =	stream.linear.gather [spmem:s5], $0x80, $0x38;
	[tilespmem:$0xA200] =	vst v63  }
0x8d: {  	s8 =	simm.s32 $0x5D80;
	s5 =	sld [smem:$0x7E6]  }
0x8e: {  	[tilespmem:s8], [sflag:$0x1] =	stream.linear.gather [spmem:s7], $0x80, $0x38;
	[tilespmem:$0xA200] =	vst v63  }
0x8f: {  	s6 =	simm.s32 $0x6180;
	s7 =	rddreg [dreg:$0x9]  }
0x90: {  	[tilespmem:s6], [sflag:$0x1] =	stream.linear.gather [spmem:s5], $0x80, $0x38;
	[tilespmem:$0xA200] =	vst v63  }
0x91: {  	s8 =	simm.s32 $0x5200;
	s5 =	sld [smem:$0x7E7]  }
0x92: {  	[tilespmem:s8], [sflag:$0x1] =	stream.linear.gather [spmem:s7], $0x80, $0x38;
	[tilespmem:$0xA200] =	vst v63  }
0x93: {  	s6 =	simm.s32 $0x5600;
	s7 =	sld [smem:$0x7E8]  }
0x94: {  	[tilespmem:s6], [sflag:$0x1] =	stream.linear.gather [spmem:s5], $0x80, $0x38;
	[tilespmem:$0xA200] =	vst v63  }
0x95: {  	s8 =	simm.s32 $0x5A00;
	s5 =	sld [smem:$0x7E9]  }
0x96: {  	[tilespmem:s8], [sflag:$0x1] =	stream.linear.gather [spmem:s7], $0x80, $0x38;
	[tilespmem:$0xA200] =	vst v63  }
0x97: {  	s6 =	simm.s32 $0x5E00;
	s7 =	sld [smem:$0x7EA]  }
0x98: {  	[tilespmem:s6], [sflag:$0x1] =	stream.linear.gather [spmem:s5], $0x80, $0x38;
	[tilespmem:$0xA200] =	vst v63  }
0x99: {  	s8 =	simm.s32 $0x6200;
	s5 =	rddreg [dreg:$0xa]  }
0x9a: {  	[tilespmem:s8], [sflag:$0x1] =	stream.linear.gather [spmem:s7], $0x80, $0x38;
	[tilespmem:$0xA200] =	vst v63  }
0x9b: {  	s6 =	simm.s32 $0x5280;
	s7 =	sld [smem:$0x7EB]  }
0x9c: {  	[tilespmem:s6], [sflag:$0x1] =	stream.linear.gather [spmem:s5], $0x80, $0x38;
	[tilespmem:$0xA200] =	vst v63  }
0x9d: {  	s8 =	simm.s32 $0x5680;
	s5 =	sld [smem:$0x7EC]  }
0x9e: {  	[tilespmem:s8], [sflag:$0x1] =	stream.linear.gather [spmem:s7], $0x80, $0x38;
	[tilespmem:$0xA200] =	vst v63  }
0x9f: {  	s6 =	simm.s32 $0x5A80;
	s7 =	sld [smem:$0x7ED]  }
0xa0: {  	[tilespmem:s6], [sflag:$0x1] =	stream.linear.gather [spmem:s5], $0x80, $0x38;
	[tilespmem:$0xA200] =	vst v63  }
0xa1: {  	s8 =	simm.s32 $0x5E80;
	s5 =	sld [smem:$0x7EE]  }
0xa2: {  	[tilespmem:s8], [sflag:$0x1] =	stream.linear.gather [spmem:s7], $0x80, $0x38;
	[tilespmem:$0xA200] =	vst v63  }
0xa3: {  	s6 =	simm.s32 $0x6280;
	s7 =	rddreg [dreg:$0xb]  }
0xa4: {  	[tilespmem:s6], [sflag:$0x1] =	stream.linear.gather [spmem:s5], $0x80, $0x38;
	[tilespmem:$0xA200] =	vst v63  }
0xa5: {  	s8 =	simm.s32 $0x5300;
	s5 =	sld [smem:$0x7EF]  }
0xa6: {  	[tilespmem:s8], [sflag:$0x1] =	stream.linear.gather [spmem:s7], $0x80, $0x38;
	[tilespmem:$0xA200] =	vst v63  }
0xa7: {  	s6 =	simm.s32 $0x5700;
	s7 =	sld [smem:$0x7F0]  }
0xa8: {  	[tilespmem:s6], [sflag:$0x1] =	stream.linear.gather [spmem:s5], $0x80, $0x38;
	[tilespmem:$0xA200] =	vst v63  }
0xa9: {  	s8 =	simm.s32 $0x5B00;
	s5 =	sld [smem:$0x7F1]  }
0xaa: {  	[tilespmem:s8], [sflag:$0x1] =	stream.linear.gather [spmem:s7], $0x80, $0x38;
	[tilespmem:$0xA200] =	vst v63  }
0xab: {  	s6 =	simm.s32 $0x5F00;
	s7 =	sld [smem:$0x7F2]  }
0xac: {  	[tilespmem:s6], [sflag:$0x1] =	stream.linear.gather [spmem:s5], $0x80, $0x38;
	[tilespmem:$0xA200] =	vst v63  }
0xad: {  	s8 =	simm.s32 $0x6300;
	s5 =	rddreg [dreg:$0xc]  }
0xae: {  	[tilespmem:s8], [sflag:$0x1] =	stream.linear.gather [spmem:s7], $0x80, $0x38;
	[tilespmem:$0xA200] =	vst v63  }
0xaf: {  	s6 =	simm.s32 $0x6380;
	s7 =	sld [smem:$0x7F3]  }
0xb0: {  	[tilespmem:s6], [sflag:$0x1] =	stream.linear.gather [spmem:s5], $0x80, $0x38;
	[tilespmem:$0xA200] =	vst v63  }
0xb1: {  	s8 =	simm.s32 $0x6780;
	s5 =	sld [smem:$0x7F4]  }
0xb2: {  	[tilespmem:s8], [sflag:$0x1] =	stream.linear.gather [spmem:s7], $0x80, $0x38;
	[tilespmem:$0xA200] =	vst v63  }
0xb3: {  	s6 =	simm.s32 $0x6B80;
	s7 =	sld [smem:$0x7F5]  }
0xb4: {  	[tilespmem:s6], [sflag:$0x1] =	stream.linear.gather [spmem:s5], $0x80, $0x38;
	[tilespmem:$0xA200] =	vst v63  }
0xb5: {  	s8 =	simm.s32 $0x6F80;
	s5 =	sld [smem:$0x7F6]  }
0xb6: {  	[tilespmem:s8], [sflag:$0x1] =	stream.linear.gather [spmem:s7], $0x80, $0x38;
	[tilespmem:$0xA200] =	vst v63  }
0xb7: {  	s6 =	simm.s32 $0x7380;
	s7 =	rddreg [dreg:$0xd]  }
0xb8: {  	[tilespmem:s6], [sflag:$0x1] =	stream.linear.gather [spmem:s5], $0x80, $0x38;
	[tilespmem:$0xA200] =	vst v63  }
0xb9: {  	s8 =	simm.s32 $0x6400;
	s5 =	sld [smem:$0x7F7]  }
0xba: {  	[tilespmem:s8], [sflag:$0x1] =	stream.linear.gather [spmem:s7], $0x80, $0x38;
	[tilespmem:$0xA200] =	vst v63  }
0xbb: {  	s6 =	simm.s32 $0x6800;
	s7 =	sld [smem:$0x7F8]  }
0xbc: {  	[tilespmem:s6], [sflag:$0x1] =	stream.linear.gather [spmem:s5], $0x80, $0x38;
	[tilespmem:$0xA200] =	vst v63  }
0xbd: {  	s8 =	simm.s32 $0x6C00;
	s5 =	sld [smem:$0x7F9]  }
0xbe: {  	[tilespmem:s8], [sflag:$0x1] =	stream.linear.gather [spmem:s7], $0x80, $0x38;
	[tilespmem:$0xA200] =	vst v63  }
0xbf: {  	s6 =	simm.s32 $0x7000;
	s7 =	sld [smem:$0x7FA]  }
0xc0: {  	[tilespmem:s6], [sflag:$0x1] =	stream.linear.gather [spmem:s5], $0x80, $0x38;
	[tilespmem:$0xA200] =	vst v63  }
0xc1: {  	s8 =	simm.s32 $0x7400;
	s5 =	rddreg [dreg:$0xe]  }
0xc2: {  	[tilespmem:s8], [sflag:$0x1] =	stream.linear.gather [spmem:s7], $0x80, $0x38;
	[tilespmem:$0xA200] =	vst v63  }
0xc3: {  	s6 =	simm.s32 $0x6480;
	s7 =	sld [smem:$0x7FB]  }
0xc4: {  	[tilespmem:s6], [sflag:$0x1] =	stream.linear.gather [spmem:s5], $0x80, $0x38;
	[tilespmem:$0xA200] =	vst v63  }
0xc5: {  	s8 =	simm.s32 $0x6880;
	s5 =	sld [smem:$0x7FC]  }
0xc6: {  	[tilespmem:s8], [sflag:$0x1] =	stream.linear.gather [spmem:s7], $0x80, $0x38;
	[tilespmem:$0xA200] =	vst v63  }
0xc7: {  	s6 =	simm.s32 $0x6C80;
	s7 =	sld [smem:$0x7FD]  }
0xc8: {  	[tilespmem:s6], [sflag:$0x1] =	stream.linear.gather [spmem:s5], $0x80, $0x38;
	[tilespmem:$0xA200] =	vst v63  }
0xc9: {  	s8 =	simm.s32 $0x7080  }
0xca: {  	[tilespmem:s8], [sflag:$0x1] =	stream.linear.gather [spmem:s7], $0x80, $0x38;
	[tilespmem:$0xA200] =	vst v63  }
0xcb: {  	s6 =	simm.s32 $0x7480  }
0xcc: {  	[tilespmem:s6], [sflag:$0x1] =	stream.linear.gather [spmem:s9], $0x80, $0x38;
	[tilespmem:$0xA200] =	vst v63  }
0xcd: {  	s7 =	rddreg [dreg:$0xf];
	s8 =	simm.s32 $0x6500  }
0xce: {  	[tilespmem:s8], [sflag:$0x1] =	stream.linear.gather [spmem:s7], $0x80, $0x38;
	[tilespmem:$0xA200] =	vst v63  }
0xcf: {  	s5 =	simm.s32 $0x6900  }
0xd0: {  	[tilespmem:s5], [sflag:$0x1] =	stream.linear.gather [spmem:s10], $0x80, $0x38;
	[tilespmem:$0xA200] =	vst v63  }
0xd1: {  	s6 =	simm.s32 $0x6D00  }
0xd2: {  	[tilespmem:s6], [sflag:$0x1] =	stream.linear.gather [spmem:s11], $0x80, $0x38;
	[tilespmem:$0xA200] =	vst v63  }
0xd3: {  	s7 =	simm.s32 $0x7100  }
0xd4: {  	[tilespmem:s7], [sflag:$0x1] =	stream.linear.gather [spmem:s12], $0x80, $0x38;
	[tilespmem:$0xA200] =	vst v63  }
0xd5: {  	s8 =	simm.s32 $0x7500  }
0xd6: {  	[tilespmem:s8], [sflag:$0x1] =	stream.linear.gather [spmem:s13], $0x80, $0x38;
	[tilespmem:$0xA200] =	vst v63  }
0xd7: {  	s5 =	rddreg [dreg:$0x10];
	s6 =	simm.s32 $0x6580  }
0xd8: {  	[tilespmem:s6], [sflag:$0x1] =	stream.linear.gather [spmem:s5], $0x80, $0x38;
	[tilespmem:$0xA200] =	vst v63  }
0xd9: {  	s7 =	simm.s32 $0x6980  }
0xda: {  	[tilespmem:s7], [sflag:$0x1] =	stream.linear.gather [spmem:s14], $0x80, $0x38;
	[tilespmem:$0xA200] =	vst v63  }
0xdb: {  	s8 =	simm.s32 $0x6D80  }
0xdc: {  	[tilespmem:s8], [sflag:$0x1] =	stream.linear.gather [spmem:s15], $0x80, $0x38;
	[tilespmem:$0xA200] =	vst v63  }
0xdd: {  	s5 =	simm.s32 $0x7180  }
0xde: {  	[tilespmem:s5], [sflag:$0x1] =	stream.linear.gather [spmem:s16], $0x80, $0x38;
	[tilespmem:$0xA200] =	vst v63  }
0xdf: {  	s6 =	simm.s32 $0x7580  }
0xe0: {  	[tilespmem:s6], [sflag:$0x1] =	stream.linear.gather [spmem:s17], $0x80, $0x38;
	[tilespmem:$0xA200] =	vst v63  }
0xe1: {  	s7 =	rddreg [dreg:$0x11];
	s8 =	simm.s32 $0x6600  }
0xe2: {  	[tilespmem:s8], [sflag:$0x1] =	stream.linear.gather [spmem:s7], $0x80, $0x38;
	[tilespmem:$0xA200] =	vst v63  }
0xe3: {  	s5 =	simm.s32 $0x6A00  }
0xe4: {  	[tilespmem:s5], [sflag:$0x1] =	stream.linear.gather [spmem:s18], $0x80, $0x38;
	[tilespmem:$0xA200] =	vst v63  }
0xe5: {  	s6 =	simm.s32 $0x6E00  }
0xe6: {  	[tilespmem:s6], [sflag:$0x1] =	stream.linear.gather [spmem:s19], $0x80, $0x38;
	[tilespmem:$0xA200] =	vst v63  }
0xe7: {  	s7 =	simm.s32 $0x7200  }
0xe8: {  	[tilespmem:s7], [sflag:$0x1] =	stream.linear.gather [spmem:s20], $0x80, $0x38;
	[tilespmem:$0xA200] =	vst v63  }
0xe9: {  	s8 =	simm.s32 $0x7600  }
0xea: {  	[tilespmem:s8], [sflag:$0x1] =	stream.linear.gather [spmem:s21], $0x80, $0x38;
	[tilespmem:$0xA200] =	vst v63  }
0xeb: {  	s5 =	rddreg [dreg:$0x12];
	s6 =	simm.s32 $0x6680  }
0xec: {  	[tilespmem:s6], [sflag:$0x1] =	stream.linear.gather [spmem:s5], $0x80, $0x38;
	[tilespmem:$0xA200] =	vst v63  }
0xed: {  	s7 =	simm.s32 $0x6A80  }
0xee: {  	[tilespmem:s7], [sflag:$0x1] =	stream.linear.gather [spmem:s22], $0x80, $0x38;
	[tilespmem:$0xA200] =	vst v63  }
0xef: {  	s8 =	simm.s32 $0x6E80  }
0xf0: {  	[tilespmem:s8], [sflag:$0x1] =	stream.linear.gather [spmem:s23], $0x80, $0x38;
	[tilespmem:$0xA200] =	vst v63  }
0xf1: {  	s5 =	simm.s32 $0x7280  }
0xf2: {  	[tilespmem:s5], [sflag:$0x1] =	stream.linear.gather [spmem:s24], $0x80, $0x38;
	[tilespmem:$0xA200] =	vst v63  }
0xf3: {  	s6 =	simm.s32 $0x7680  }
0xf4: {  	[tilespmem:s6], [sflag:$0x1] =	stream.linear.gather [spmem:s25], $0x80, $0x38;
	[tilespmem:$0xA200] =	vst v63  }
0xf5: {  	s7 =	rddreg [dreg:$0x13];
	s8 =	simm.s32 $0x6700  }
0xf6: {  	[tilespmem:s8], [sflag:$0x1] =	stream.linear.gather [spmem:s7], $0x80, $0x38;
	[tilespmem:$0xA200] =	vst v63  }
0xf7: {  	s6 =	simm.s32 $0x6B00  }
0xf8: {  	[tilespmem:s6], [sflag:$0x1] =	stream.linear.gather [spmem:s26], $0x80, $0x38;
	[tilespmem:$0xA200] =	vst v63  }
0xf9: {  	s7 =	simm.s32 $0x6F00  }
0xfa: {  	[tilespmem:s7], [sflag:$0x1] =	stream.linear.gather [spmem:s28], $0x80, $0x38;
	[tilespmem:$0xA200] =	vst v63  }
0xfb: {  	s8 =	simm.s32 $0x7300  }
0xfc: {  	[tilespmem:s8], [sflag:$0x1] =	stream.linear.gather [spmem:s29], $0x80, $0x38;
	[tilespmem:$0xA200] =	vst v63  }
0xfd: {  	s5 =	simm.s32 $0x7700  }
0xfe: {  	[tilespmem:s5], [sflag:$0x1] =	stream.linear.gather [spmem:s30], $0x80, $0x38;
	[tilespmem:$0xA200] =	vst v63  }
0xff: {  	_ =	swait.ge [sflag:s1], $0x280  }
0x100: {  	[sflag:s1] =	ssyncset.done $0x0  }
0x101: {  	[sflag:s1] =	ssyncadd.s32 $0xFFFFFD80  }
0x102: {  	_ =	swait.ge [sflag:s1], $0x280  }
0x103: {  	[sflag:s1] =	ssyncset.done $0x0  }
0x104: {  	[sflag:s1] =	ssyncadd.s32 $0xFFFFFD80  }
0x105: {  	_ =	swait.ge [sflag:s1], $0x280  }
0x106: {  	[sflag:s1] =	ssyncset.done $0x0  }
0x107: {  	[sflag:s1] =	ssyncadd.s32 $0xFFFFFD80  }
0x108: {  	_ =	swait.ge [sflag:s1], $0x280  }
0x109: {  	[sflag:s1] =	ssyncset.done $0x0  }
0x10a: {  	[sflag:s1] =	ssyncadd.s32 $0xFFFFFD80  }
0x10b: {  	_ =	swait.ge [sflag:s1], $0x280  }
0x10c: {  	[sflag:s1] =	ssyncset.done $0x0  }
0x10d: {  	[sflag:s1] =	ssyncadd.s32 $0xFFFFFD80  }
0x10e: {  	_ =	swait.ge [sflag:s1], $0x280  }
0x10f: {  	[sflag:s1] =	ssyncset.done $0x0  }
0x110: {  	[sflag:s1] =	ssyncadd.s32 $0xFFFFFD80  }
0x111: {  	_ =	swait.ge [sflag:s1], $0x280  }
0x112: {  	[sflag:s1] =	ssyncset.done $0x0  }
0x113: {  	[sflag:s1] =	ssyncadd.s32 $0xFFFFFD80  }
0x114: {  	_ =	swait.ge [sflag:s1], $0x280  }
0x115: {  	[sflag:s1] =	ssyncset.done $0x0  }
0x116: {  	[sflag:s1] =	ssyncadd.s32 $0xFFFFFD80  }
0x117: {  	_ =	swait.ge [sflag:s1], $0x280  }
0x118: {  	[sflag:s1] =	ssyncset.done $0x0  }
0x119: {  	[sflag:s1] =	ssyncadd.s32 $0xFFFFFD80  }
0x11a: {  	_ =	swait.ge [sflag:s1], $0x280  }
0x11b: {  	[sflag:s1] =	ssyncset.done $0x0  }
0x11c: {  	[sflag:s1] =	ssyncadd.s32 $0xFFFFFD80  }
0x11d: {  	_ =	swait.ge [sflag:s1], $0x280  }
0x11e: {  	[sflag:s1] =	ssyncset.done $0x0  }
0x11f: {  	[sflag:s1] =	ssyncadd.s32 $0xFFFFFD80  }
0x120: {  	_ =	swait.ge [sflag:s1], $0x280  }
0x121: {  	[sflag:s1] =	ssyncset.done $0x0  }
0x122: {  	[sflag:s1] =	ssyncadd.s32 $0xFFFFFD80  }
0x123: {  	_ =	swait.ge [sflag:s1], $0x280  }
0x124: {  	[sflag:s1] =	ssyncset.done $0x0  }
0x125: {  	[sflag:s1] =	ssyncadd.s32 $0xFFFFFD80  }
0x126: {  	_ =	swait.ge [sflag:s1], $0x280  }
0x127: {  	[sflag:s1] =	ssyncset.done $0x0  }
0x128: {  	[sflag:s1] =	ssyncadd.s32 $0xFFFFFD80  }
0x129: {  	_ =	swait.ge [sflag:s1], $0x280  }
0x12a: {  	[sflag:s1] =	ssyncset.done $0x0  }
0x12b: {  	[sflag:s1] =	ssyncadd.s32 $0xFFFFFD80  }
0x12c: {  	s6 =	simm.s32 $0x0;
	_ =	swait.ge [sflag:s1], $0x280  }
0x12d: {  	s4 =	sand.u32 $0x1C00, s6;
	s7 =	sand.u32 $0x70, s6;
	[sflag:s1] =	ssyncset.done $0x0  }
0x12e: {  	s4 =	sor.u32 s7, s4;
	[sflag:s1] =	ssyncadd.s32 $0xFFFFFD80  }
0x12f: {  	v2 =	vld [tilespmem:s4+$0x5000]  }
0x130: {  	v3 =	vld [tilespmem:s4+$0x4F80];
	_ =	sdelay $0x1  }
0x131: {  	v4 =	vld [tilespmem:s4+$0x5080];
	_ =	sdelay $0x1  }
0x132: {  	v5 =	vld [tilespmem:s4+$0x5100]  }
0x133: {  	v2 =	vadd.f32 v2, v3  }
0x134: {  	v3 =	vld [tilespmem:s4+$0x5180]  }
0x135: {  	v2 =	vadd.f32 v4, v2  }
0x136: {  	v55 =	vld [tilespmem:s4+$0x5200]  }
0x137: {  	v2 =	vadd.f32 v5, v2  }
0x138: {  	v56 =	vld [tilespmem:s4+$0x5280]  }
0x139: {  	v2 =	vadd.f32 v3, v2  }
0x13a: {  	v3 =	vld [tilespmem:s4+$0x5300]  }
0x13b: {  	v2 =	vadd.f32 v55, v2  }
0x13c: {  	v57 =	vld [tilespmem:s4+$0x6380]  }
0x13d: {  	v2 =	vadd.f32 v56, v2  }
0x13e: {  	v58 =	vld [tilespmem:s4+$0x6400]  }
0x13f: {  	v2 =	vadd.f32 v3, v2  }
0x140: {  	v3 =	vld [tilespmem:s4+$0x6480]  }
0x141: {  	v2 =	vadd.f32 v57, v2  }
0x142: {  	v59 =	vld [tilespmem:s4+$0x6500]  }
0x143: {  	v2 =	vadd.f32 v58, v2  }
0x144: {  	v60 =	vld [tilespmem:s4+$0x6580]  }
0x145: {  	v2 =	vadd.f32 v3, v2  }
0x146: {  	v3 =	vld [tilespmem:s4+$0x6600]  }
0x147: {  	v2 =	vadd.f32 v59, v2  }
0x148: {  	v61 =	vld [tilespmem:s4+$0x6680]  }
0x149: {  	v2 =	vadd.f32 v60, v2  }
0x14a: {  	v62 =	vld [tilespmem:s4+$0x6700]  }
0x14b: {  	v2 =	vadd.f32 v3, v2;
	_ =	sdelay $0x1  }
0x14c: {  	v2 =	vadd.f32 v61, v2;
	_ =	sdelay $0x1  }
0x14d: {  	v2 =	vadd.f32 v62, v2;
	_ =	sdelay $0x1  }
0x14e: {  	v2 =	vadd.f32 $1.000000000e+00, v2;
	_ =	sdelay $0x1  }
0x14f: {  	v3 =	vshra.s32 v2, $0x1;
	v2 =	vmul.f32 $5.000000000e-01, v2  }
0x150: {  	v3 =	vsub.s32 $0x5F3759DF, v3  }
0x151: {  	v63 =	vmul.f32 v3, v2;
	_ =	sdelay $0x1  }
0x152: {  	v4 =	vmul.f32 v3, v63;
	_ =	sdelay $0x1  }
0x153: {  	v4 =	vsub.f32 $1.500000000e+00, v4;
	_ =	sdelay $0x1  }
0x154: {  	v3 =	vmul.f32 v3, v4;
	_ =	sdelay $0x1  }
0x155: {  	v4 =	vmul.f32 v3, v2;
	_ =	sdelay $0x1  }
0x156: {  	v4 =	vmul.f32 v4, v3;
	_ =	sdelay $0x1  }
0x157: {  	v4 =	vsub.f32 $1.500000000e+00, v4;
	_ =	sdelay $0x1  }
0x158: {  	v3 =	vmul.f32 v4, v3;
	_ =	sdelay $0x1  }
0x159: {  	v2 =	vmul.f32 v3, v2;
	_ =	sdelay $0x1  }
0x15a: {  	v2 =	vmul.f32 v2, v3;
	_ =	sdelay $0x1  }
0x15b: {  	v2 =	vsub.f32 $1.500000000e+00, v2;
	_ =	sdelay $0x1  }
0x15c: {  	s8 =	simm.s32 $0x10;
	s5 =	simm.s32 $0x80;
	v2 =	vmul.f32 v2, v3  }
0x15d: {  	s6 =	sand.u32 $0x70, s8;
	s7 =	sand.u32 $0x1C00, s5;
	s4 =	simm.s32 $0x7780  }
0x15e: {  	s7 =	sor.u32 s6, s7;
	s6 =	simm.s32 $0x20;
	[tilespmem:s4+$0x0] =	vst v2  }
.LBB2_6:
0x15f: {  	p2 =	sne.s32 s6, $0x270;
	v2 =	vld [tilespmem:s7+$0x5000]  }
0x160: {  	v3 =	vld [tilespmem:s7+$0x4F80];
	_ =	sdelay $0x1  }
0x161: {  	v4 =	vld [tilespmem:s7+$0x5080];
	_ =	sdelay $0x1  }
0x162: {  	v5 =	vld [tilespmem:s7+$0x5100]  }
0x163: {  	v2 =	vadd.f32 v2, v3  }
0x164: {  	v3 =	vld [tilespmem:s7+$0x5180]  }
0x165: {  	v2 =	vadd.f32 v4, v2  }
0x166: {  	v4 =	vld [tilespmem:s7+$0x5200]  }
0x167: {  	v2 =	vadd.f32 v5, v2  }
0x168: {  	v5 =	vld [tilespmem:s7+$0x5280]  }
0x169: {  	v2 =	vadd.f32 v3, v2  }
0x16a: {  	v3 =	vld [tilespmem:s7+$0x5300]  }
0x16b: {  	v2 =	vadd.f32 v4, v2  }
0x16c: {  	v4 =	vld [tilespmem:s7+$0x6380]  }
0x16d: {  	v2 =	vadd.f32 v5, v2  }
0x16e: {  	v5 =	vld [tilespmem:s7+$0x6400]  }
0x16f: {  	v2 =	vadd.f32 v3, v2  }
0x170: {  	v3 =	vld [tilespmem:s7+$0x6480]  }
0x171: {  	v2 =	vadd.f32 v4, v2  }
0x172: {  	v4 =	vld [tilespmem:s7+$0x6500]  }
0x173: {  	v2 =	vadd.f32 v5, v2  }
0x174: {  	v5 =	vld [tilespmem:s7+$0x6580]  }
0x175: {  	v2 =	vadd.f32 v3, v2  }
0x176: {  	v3 =	vld [tilespmem:s7+$0x6600]  }
0x177: {  	v2 =	vadd.f32 v4, v2  }
0x178: {  	v4 =	vld [tilespmem:s7+$0x6680]  }
0x179: {  	v2 =	vadd.f32 v5, v2  }
0x17a: {  	v5 =	vld [tilespmem:s7+$0x6700]  }
0x17b: {  	v2 =	vadd.f32 v3, v2;
	_ =	sdelay $0x1  }
0x17c: {  	v2 =	vadd.f32 v4, v2;
	_ =	sdelay $0x1  }
0x17d: {  	v2 =	vadd.f32 v5, v2;
	_ =	sdelay $0x1  }
0x17e: {  	v2 =	vadd.f32 $1.000000000e+00, v2;
	_ =	sdelay $0x1  }
0x17f: {  	v3 =	vshra.s32 v2, $0x1;
	v2 =	vmul.f32 $5.000000000e-01, v2  }
0x180: {  	v3 =	vsub.s32 $0x5F3759DF, v3  }
0x181: {  	v4 =	vmul.f32 v3, v2;
	_ =	sdelay $0x1  }
0x182: {  	v4 =	vmul.f32 v3, v4;
	_ =	sdelay $0x1  }
0x183: {  	v4 =	vsub.f32 $1.500000000e+00, v4;
	_ =	sdelay $0x1  }
0x184: {  	v3 =	vmul.f32 v3, v4;
	_ =	sdelay $0x1  }
0x185: {  	v4 =	vmul.f32 v3, v2;
	_ =	sdelay $0x1  }
0x186: {  	v4 =	vmul.f32 v4, v3;
	_ =	sdelay $0x1  }
0x187: {  	v4 =	vsub.f32 $1.500000000e+00, v4;
	_ =	sdelay $0x1  }
0x188: {  	v3 =	vmul.f32 v4, v3;
	_ =	sdelay $0x1  }
0x189: {  	v2 =	vmul.f32 v3, v2;
	_ =	sdelay $0x1  }
0x18a: {  	v2 =	vmul.f32 v2, v3;
	_ =	sdelay $0x1  }
.Ltmp2:
0x18b: {  	v2 =	vsub.f32 $1.500000000e+00, v2;
	(pc) =	sbr.rel @p2 .LBB2_6-.Ltmp2, $4  }
0x18c: {  	_ = 	snop  }
0x18d: {  	s5 =	sadd.s32 $0x80, s5;
	v2 =	vmul.f32 v2, v3  }
0x18e: {  	s4 =	sadd.s32 $0x10, s4;
	s8 =	sand.u32 $0x1C00, s5;
	s7 =	sand.u32 $0x70, s6  }
0x18f: {  	s6 =	sadd.s32 $0x10, s6;
	s7 =	sor.u32 s7, s8;
	[tilespmem:s4+$0x0] =	vst v2  }
0x190: {  	v2 =	vld [tilespmem:s7+$0x5000]  }
0x191: {  	v3 =	vld [tilespmem:s7+$0x4F80];
	_ =	sdelay $0x1  }
0x192: {  	v4 =	vld [tilespmem:s7+$0x5080];
	_ =	sdelay $0x1  }
0x193: {  	v5 =	vld [tilespmem:s7+$0x5100]  }
0x194: {  	v2 =	vadd.f32 v2, v3  }
0x195: {  	v3 =	vld [tilespmem:s7+$0x5180]  }
0x196: {  	v2 =	vadd.f32 v4, v2  }
0x197: {  	v55 =	vld [tilespmem:s7+$0x5200]  }
0x198: {  	v2 =	vadd.f32 v5, v2  }
0x199: {  	v56 =	vld [tilespmem:s7+$0x5280]  }
0x19a: {  	v2 =	vadd.f32 v3, v2  }
0x19b: {  	v3 =	vld [tilespmem:s7+$0x5300]  }
0x19c: {  	v2 =	vadd.f32 v55, v2  }
0x19d: {  	v57 =	vld [tilespmem:s7+$0x6380]  }
0x19e: {  	v2 =	vadd.f32 v56, v2  }
0x19f: {  	v58 =	vld [tilespmem:s7+$0x6400]  }
0x1a0: {  	v2 =	vadd.f32 v3, v2  }
0x1a1: {  	v3 =	vld [tilespmem:s7+$0x6480]  }
0x1a2: {  	v2 =	vadd.f32 v57, v2  }
0x1a3: {  	v59 =	vld [tilespmem:s7+$0x6500]  }
0x1a4: {  	v2 =	vadd.f32 v58, v2  }
0x1a5: {  	v60 =	vld [tilespmem:s7+$0x6580]  }
0x1a6: {  	v2 =	vadd.f32 v3, v2  }
0x1a7: {  	v3 =	vld [tilespmem:s7+$0x6600]  }
0x1a8: {  	v2 =	vadd.f32 v59, v2  }
0x1a9: {  	v61 =	vld [tilespmem:s7+$0x6680]  }
0x1aa: {  	v2 =	vadd.f32 v60, v2  }
0x1ab: {  	v62 =	vld [tilespmem:s7+$0x6700]  }
0x1ac: {  	v2 =	vadd.f32 v3, v2;
	_ =	sdelay $0x1  }
0x1ad: {  	v2 =	vadd.f32 v61, v2;
	_ =	sdelay $0x1  }
0x1ae: {  	v2 =	vadd.f32 v62, v2;
	_ =	sdelay $0x1  }
0x1af: {  	v2 =	vadd.f32 $1.000000000e+00, v2;
	_ =	sdelay $0x1  }
0x1b0: {  	v3 =	vshra.s32 v2, $0x1;
	v2 =	vmul.f32 $5.000000000e-01, v2  }
0x1b1: {  	v3 =	vsub.s32 $0x5F3759DF, v3  }
0x1b2: {  	v63 =	vmul.f32 v3, v2;
	_ =	sdelay $0x1  }
0x1b3: {  	v4 =	vmul.f32 v3, v63;
	_ =	sdelay $0x1  }
0x1b4: {  	v4 =	vsub.f32 $1.500000000e+00, v4;
	_ =	sdelay $0x1  }
0x1b5: {  	v3 =	vmul.f32 v3, v4;
	_ =	sdelay $0x1  }
0x1b6: {  	v4 =	vmul.f32 v3, v2;
	_ =	sdelay $0x1  }
0x1b7: {  	v4 =	vmul.f32 v4, v3;
	_ =	sdelay $0x1  }
0x1b8: {  	v4 =	vsub.f32 $1.500000000e+00, v4;
	_ =	sdelay $0x1  }
0x1b9: {  	v3 =	vmul.f32 v4, v3;
	_ =	sdelay $0x1  }
0x1ba: {  	v2 =	vmul.f32 v3, v2;
	_ =	sdelay $0x1  }
0x1bb: {  	v2 =	vmul.f32 v2, v3;
	_ =	sdelay $0x1  }
0x1bc: {  	v2 =	vsub.f32 $1.500000000e+00, v2;
	_ =	sdelay $0x1  }
0x1bd: {  	v2 =	vmul.f32 v2, v3  }
0x1be: {  	s4 =	sadd.s32 $0x10, s4  }
0x1bf: {  	s5 =	simm.s32 @!p1 $0x7780;
	s6 =	rddreg [dreg:$0x14];
	[tilespmem:s4+$0x0] =	vst v2;
	s4 =	simm.s32 @!p1 $0x0  }
0x1c0: {  	[hbm4b:s6+s4] =	stream.linear.scatter @!p1 [tilespmem:s5], [sflag:$0x2], $0x190, $0x38;
	[tilespmem:$0xA200] =	vst v63  }
0x1c1: {  	s4 =	simm.s32 @!p1 $0x2  }
0x1c2: {  	_ =	swait.ge @!p1 [sflag:s4], $0x190  }
0x1c3: {  	s5 =	simm.s32 @p0 $0x7780;
	[sflag:s4] =	ssyncset.done @!p1 $0x0  }
0x1c4: {  	s6 =	rddreg [dreg:$0x15];
	[sflag:s4] =	ssyncadd.s32 @!p1 $0xFFFFFE70;
	s4 =	simm.s32 @p0 $0x0  }
0x1c5: {  	[hbm4b:s6+s4] =	stream.linear.scatter @p0 [tilespmem:s5], [sflag:$0x2], $0x280, $0x38;
	[tilespmem:$0xA200] =	vst v63  }
0x1c6: {  	s4 =	simm.s32 @p0 $0x2  }
0x1c7: {  	_ =	swait.ge @p0 [sflag:s4], $0x280  }
0x1c8: {  	s2 =	sadd.s32 $0x1, s2;
	s8 =	rddreg [dreg:$0x16]  }
0x1c9: {  	p2 =	sne.s32 s2, s8  }
.Ltmp3:
0x1ca: {  	_ = 	snop;
	(pc) =	sbr.rel @p2 .LBB2_1-.Ltmp3, $3  }
0x1cb: {  	_ =	sdelay $0x1  }
0x1cc: {  	[sflag:s4] =	ssyncset.done @p0 $0x0  }
0x1cd: {  	[sflag:s4] =	ssyncadd.s32 @p0 $0xFFFFFD80  }
0x1ce: {  	_ =	sfence.sel $0x180000  }
0x1cf: {  	[bflag:$0x0] =	sbarrier.arrive $0xFFFF  }
0x1d0: {  	_ =	strace $0x90000047  }
0x1d1: {  	s0 =	stileid.u32;
	[bflag:$0x2] =	sbarrier.arrive $0xFFFF  }
0x1d2: {  	p0 =	sne.s32 s0, $0x0;
	s0 =	rddreg [dreg:$0x2]  }
0x1d3: {  	s0 =	sadd.s32 @!p0 $0x100000, s0  }
0x1d4: {  	[sflag:s0] =	ssyncadd.tile.s32 @!p0 $0x1;
	_ =	shalt  }
.Lfunc_end2:
_tile_overlayer_lowered:
.L_overlay_start_2:
0x1d5: {  	(tag) =	ssettag $0x2  }
0x1d6: {  	s0 =	rddreg [dreg:$0x0];
	s2 =	stileid.u32  }
0x1d7: {  	s1 =	rddreg [dreg:$0x1];
	p0 =	sne.s32 s2, $0x0  }
0x1d8: {  	s3 =	rddreg [dreg:$0x2];
	[bflag:$0x3] =	sbarrier.arrive $0xFFFF;
	s2 =	simm.s32 @!p0 $0x1C02  }
0x1d9: {  	[timem:s3], [sflag:s2] =	dma.local @!p0 [hbm:s0], s1  }
0x1da: {  	s0 =	simm.s32 @!p0 $0x2  }
0x1db: {  	_ =	swait.ge @!p0 [sflag:s0], s1  }
0x1dc: {  	s1 =	ssub.s32 @!p0 $0x0, s1;
	[sflag:s0] =	ssyncset.done @!p0 $0x0  }
0x1dd: {  	[sflag:s0] =	ssyncadd.s32 @!p0 s1  }
0x1de: {  	[bflag:$0x3] =	sbarrier.arrive $0xFFFF  }
0x1df: {  	_ =	shalt  }

// kernel: kernel.9.cloned.1.call-start
scs
__scs_entry_jumppad:
0x0: {  	(pc) =	sbr.rel $0x88, $3  }
0x1: {  	(tag) =	ssettag $0x0;
	lr =	simm.s32 $0x1  }
0x2: {  	[smem:$0x3F9B] =	sst lr;
	_ =	strace $0xD0000000  }
0x3: {  	_ = 	snop  }
0x4: {  	_ = 	snop  }
0x5: {  	_ = 	snop  }
0x6: {  	_ = 	snop  }
0x7: {  	_ = 	snop  }
__scs_overlays_trampoline_lowered:
0x8: {  	[smem:$0x3FAA] =	sst s0  }
0x9: {  	[smem:$0x3FAB] =	sst s1  }
0xa: {  	[smem:$0x3FAC] =	sst s2  }
0xb: {  	[smem:$0x3FAD] =	sst s3  }
0xc: {  	[smem:$0x3FAE] =	sst s4  }
0xd: {  	[smem:$0x3FAF] =	sst s5  }
0xe: {  	[smem:$0x3FB0] =	sst s6  }
0xf: {  	[smem:$0x3FB1] =	sst s7  }
0x10: {  	[smem:$0x3FB2] =	sst s8  }
0x11: {  	[smem:$0x3FB3] =	sst s9;
	s0 =	simm.s32 @!p0 $0x0  }
0x12: {  	s1 =	sld [smem:$0x3F99];
	s0 =	simm.s32 @p0 $0x1  }
0x13: {  	[smem:$0x3FB4] =	sst s0;
	s0 =	simm.s32 @!p1 $0x0  }
0x14: {  	s2 =	sld [smem:$0x3F98];
	s0 =	simm.s32 @p1 $0x1  }
0x15: {  	[smem:$0x3FB5] =	sst s0;
	s0 =	simm.s32 @!p2 $0x0  }
0x16: {  	s3 =	sld [smem:$0x3FDB];
	s0 =	simm.s32 @p2 $0x1  }
0x17: {  	s4 =	simm.s32 $0x1BF5;
	[smem:$0x3FB7] =	sst s0  }
0x18: {  	s0 =	sld [smem:$0x3F9A];
	_ =	swait.ge [sflag:s4], $0x0  }
0x19: {  	s7 =	sld [smem:$0x3F9B]  }
0x1a: {  	s8 =	sadd.s32 $0xFFFFE003, lr  }
0x1b: {  	s9 =	sadd.s32 $0xFFFFFEF7, lr;
	s5 =	simm.s32 $0xFFFFFFFF;
	p2 =	slt.u32 s8, $0xFFFFF086  }
0x1c: {  	p1 =	slt.u32 s9, $0xF7A;
	s5 =	simm.s32 @!p2 $0x0  }
0x1d: {  	s5 =	simm.s32 @p1 $0x1;
	p0 =	seq.s32 s7, s2  }
0x1e: {  	s7 =	smul.u32 @!p0 $0xF7A, s2;
	p2 =	seq.s32 @!p0 s5, $0x0  }
0x1f: {  	s9 =	smul.u32 $0xF7A, s1;
	s8 =	simm.s32 @!p0 $0x1BF5;
	p2 =	por !p2, p0  }
0x20: {  	[sflag:s8] =	ssyncset.s32 @!p0 $0xFFFFF086;
	s6 =	sadd.s32 @!p0 s3, s7;
	s7 =	simm.s32 @!p0 $0x108  }
0x21: {  	s3 =	sadd.s32 s3, s9;
	s6 =	sadd.s32 @!p0 $0x88, s6;
	s7 =	simm.s32 @p2 $0x1082  }
0x22: {  	[simem:s7], [sflag:s8] =	dma.local @!p0 [hbm:s6], $0xF7A  }
0x23: {  	s9 =	sor.u32 $0xD0000000, s2;
	s6 =	simm.s32 $0x108;
	_ =	swait.ge @!p0 [sflag:s8], $0x0  }
0x24: {  	s3 =	sadd.s32 $0x88, s3;
	s6 =	simm.s32 @!p1 $0x1082;
	[sflag:s4] =	ssyncset.s32 $0xFFFFF086  }
0x25: {  	[simem:s6], [sflag:s4] =	dma.local [hbm:s3], $0xF7A  }
0x26: {  	[smem:$0x3F9B] =	sst s1;
	(tag) =	ssettag s2;
	_ =	strace s9  }
0x27: {  	s1 =	sld [smem:$0x3FAB]  }
0x28: {  	s2 =	sld [smem:$0x3FAC]  }
0x29: {  	s4 =	sld [smem:$0x3FAE]  }
0x2a: {  	p0 =	seq.s32 s5, $0x0;
	s5 =	sld [smem:$0x3FAF]  }
0x2b: {  	s6 =	sld [smem:$0x3FB0]  }
0x2c: {  	s7 =	sld [smem:$0x3FB1]  }
0x2d: {  	s3 =	simm.s32 $0x108;
	s8 =	sld [smem:$0x3FB2]  }
0x2e: {  	s3 =	simm.s32 @!p0 $0x1082;
	s9 =	sld [smem:$0x3FB3]  }
0x2f: {  	lr =	sadd.s32 s0, s3;
	s0 =	sld [smem:$0x3FAA]  }
0x30: {  	s3 =	sld [smem:$0x3FAD]  }
0x31: {  	[smem:$0x3FB6] =	sst s10  }
0x32: {  	s10 =	sld [smem:$0x3FB4];
	_ =	sdelay $0x3  }
0x33: {  	p0 =	seq.s32 s10, $0x1;
	s10 =	sld [smem:$0x3FB6];
	_ =	sdelay $0x3  }
0x34: {  	[smem:$0x3FB6] =	sst s10  }
0x35: {  	s10 =	sld [smem:$0x3FB5];
	_ =	sdelay $0x3  }
0x36: {  	p1 =	seq.s32 s10, $0x1;
	s10 =	sld [smem:$0x3FB6];
	_ =	sdelay $0x3  }
0x37: {  	[smem:$0x3FB6] =	sst s10  }
0x38: {  	s10 =	sld [smem:$0x3FB7]  }
0x39: {  	_ = 	snop;
	(pc) =	sbr.ind lr, $3  }
0x3a: {  	_ = 	snop  }
0x3b: {  	_ = 	snop  }
0x3c: {  	p2 =	seq.s32 s10, $0x1;
	s10 =	sld [smem:$0x3FB6]  }
0x3d: {  	_ =	shalt  }
0x3e: {  	_ =	shalt  }
0x3f: {  	_ =	shalt  }
0x40: {  	_ =	shalt  }
0x41: {  	_ =	shalt  }
0x42: {  	_ =	shalt  }
0x43: {  	_ =	shalt  }
0x44: {  	_ =	shalt  }
0x45: {  	_ =	shalt  }
0x46: {  	_ =	shalt  }
0x47: {  	_ =	shalt  }
0x48: {  	_ =	shalt  }
0x49: {  	_ =	shalt  }
0x4a: {  	_ =	shalt  }
0x4b: {  	_ =	shalt  }
0x4c: {  	_ =	shalt  }
0x4d: {  	_ =	shalt  }
0x4e: {  	_ =	shalt  }
0x4f: {  	_ =	shalt  }
0x50: {  	_ =	shalt  }
0x51: {  	_ =	shalt  }
0x52: {  	_ =	shalt  }
0x53: {  	_ =	shalt  }
0x54: {  	_ =	shalt  }
0x55: {  	_ =	shalt  }
0x56: {  	_ =	shalt  }
0x57: {  	_ =	shalt  }
0x58: {  	_ =	shalt  }
0x59: {  	_ =	shalt  }
0x5a: {  	_ =	shalt  }
0x5b: {  	_ =	shalt  }
0x5c: {  	_ =	shalt  }
0x5d: {  	_ =	shalt  }
0x5e: {  	_ =	shalt  }
0x5f: {  	_ =	shalt  }
0x60: {  	_ =	shalt  }
0x61: {  	_ =	shalt  }
0x62: {  	_ =	shalt  }
0x63: {  	_ =	shalt  }
0x64: {  	_ =	shalt  }
0x65: {  	_ =	shalt  }
0x66: {  	_ =	shalt  }
0x67: {  	_ =	shalt  }
0x68: {  	_ =	shalt  }
0x69: {  	_ =	shalt  }
0x6a: {  	_ =	shalt  }
0x6b: {  	_ =	shalt  }
0x6c: {  	_ =	shalt  }
0x6d: {  	_ =	shalt  }
0x6e: {  	_ =	shalt  }
0x6f: {  	_ =	shalt  }
0x70: {  	_ =	shalt  }
0x71: {  	_ =	shalt  }
0x72: {  	_ =	shalt  }
0x73: {  	_ =	shalt  }
0x74: {  	_ =	shalt  }
0x75: {  	_ =	shalt  }
0x76: {  	_ =	shalt  }
0x77: {  	_ =	shalt  }
0x78: {  	_ =	shalt  }
0x79: {  	_ =	shalt  }
0x7a: {  	_ =	shalt  }
0x7b: {  	_ =	shalt  }
0x7c: {  	_ =	shalt  }
0x7d: {  	_ =	shalt  }
0x7e: {  	_ =	shalt  }
0x7f: {  	_ =	shalt  }
0x80: {  	_ =	shalt  }
0x81: {  	_ =	shalt  }
0x82: {  	_ =	shalt  }
0x83: {  	_ =	shalt  }
0x84: {  	_ =	shalt  }
0x85: {  	_ =	shalt  }
0x86: {  	_ =	shalt  }
0x87: {  	_ =	shalt  }
.Lfunc_end0:
.L_simem_size_0:
called_computation.1_lowered:
.L_overlay_start_0:
0x88: {  	s2 =	sld [smem:$0x3FD9]  }
0x89: {  	s3 =	sld [smem:$0x3FFE];
	_ =	sdelay $0x1  }
0x8a: {  	s1 =	srdreg.scid  }
0x8b: {  	s0 =	sand.u32 $0x1, s1  }
0x8c: {  	s17 =	sshll.u32 s0, $0xA;
	s2 =	sadd.s32 s3, s2  }
0x8d: {  	s2 =	sadd.s32 s2, s17  }
0x8e: {  	[smem:$0x3FC2] =	sst s2  }
0x8f: {  	_ = 	snop  }
0x90: {  	s2 =	sld [smem:$0x3FD0];
	(tm) =	ssettm $0x1  }
0x91: {  	s18 =	sld [smem:$0x3FFB];
	_ =	sdelay $0x3  }
0x92: {  	_ =	strace s18  }
0x93: {  	s3 =	sld [smem:$0x3FFC];
	_ =	sdelay $0x3  }
0x94: {  	_ =	strace s3  }
0x95: {  	s3 =	sld [smem:$0x3FFD];
	_ =	sdelay $0x3  }
0x96: {  	_ =	strace s3  }
0x97: {  	_ =	strace $0x8FFFFFFF  }
0x98: {  	s19 =	sld [smem:$0x3FDB];
	_ =	sdelay $0x1  }
0x99: {  	s4 =	simm.s32 $_scs_section_size  }
0x9a: {  	s5 =	simm.s32 $_size__tile_overlayer_lowered;
	s6 =	simm.s32 $_tile_overlayer_lowered  }
0x9b: {  	s22 =	simm.s32 $0x1BFF;
	s21 =	sshll.u32 s6, $0x1;
	s3 =	sadd.s32 s4, s19  }
0x9c: {  	s7 =	simm.s32 $0x0;
	s20 =	sshll.u32 s5, $0x1;
	s5 =	sadd.s32 s21, s3  }
0x9d: {  	[timem:s7], [sflag:s22] =	dma.local [hbm:s5], s20  }
0x9e: {  	_ =	swait.ge [sflag:s22], s20  }
0x9f: {  	s4 =	ssub.s32 $0x0, s20;
	[sflag:s22] =	ssyncset.done $0x0  }
0xa0: {  	[sflag:s22] =	ssyncadd.s32 s4;
	_ =	sdelay $0x1  }
0xa1: {  	s23 =	simm.s32 $0x1B8B  }
0xa2: {  	_ =	swait.ge [sflag:s23], $0x1  }
0xa3: {  	[sflag:s23] =	ssyncset.done $0x0  }
0xa4: {  	s25 =	simm.s32 $0x1B8E;
	s24 =	sld [smem:$0x3FFE];
	[sflag:s23] =	ssyncadd.s32 $0xFFFFFFFF  }
0xa5: {  	s26 =	simm.s32 $execute0_lowered;
	[smem:$0x3FD2] =	sst s25  }
0xa6: {  	s5 =	sshll.u32 s26, $0x1;
	_ =	strace $0x80000049;
	[dreg:$0x1] =	wrdreg $0xFFFFFFFF  }
0xa7: {  	s28 =	simm.s32 $_size_execute0_lowered;
	s3 =	sadd.s32 s3, s5;
	[dreg:$0x0] =	wrdreg $0x0  }
0xa8: {  	s5 =	sshll.u32 s28, $0x1;
	[dreg:$0x2] =	wrdreg s3  }
0xa9: {  	[dreg:$0x3] =	wrdreg s5  }
0xaa: {  	[dreg:$0x4] =	wrdreg $0xC0  }
0xab: {  	_ =	task [dreg:s7], $0x5FFFF  }
0xac: {  	[dreg:$0x1] =	wrdreg $0xFFFFFFFF  }
0xad: {  	[dreg:$0x0] =	wrdreg $0x60  }
0xae: {  	[dreg:$0x2] =	wrdreg s24  }
0xaf: {  	[dreg:$0x3] =	wrdreg s2  }
0xb0: {  	[dreg:$0x4] =	wrdreg $0x9  }
0xb1: {  	_ =	task.clear_ibuf [dreg:s7], $0x5FFFF;
	_ =	strace $0x90000049  }
0xb2: {  	s29 =	simm.s32 $0x9;
	_ =	strace $0x8000004B  }
0xb3: {  	_ =	swait.ge [sflag:s29], $0x1  }
0xb4: {  	[sflag:s29] =	ssyncadd.s32 $0xFFFFFFFF  }
0xb5: {  	_ =	strace $0x9000004B  }
0xb6: {  	_ =	sfence  }
0xb7: {  	s30 =	sld [smem:$0x0];
	_ =	sdelay $0x2  }
0xb8: {  	s31 =	sshll.u32 s1, $0xD;
	s1 =	sshrl.u32 s1, $0x2  }
0xb9: {  	s3 =	sand.u32 $0x4000, s31;
	s1 =	sadd.s32 s1, s30  }
0xba: {  	s0 =	sor.u32 s3, s0;
	s1 =	sshll.u32 s1, $0x11  }
0xbb: {  	s0 =	sor.u32 s1, s0  }
0xbc: {  	s0 =	sadd.s32 $0x8F2B, s0  }
0xbd: {  	[sflag:s0] =	ssyncadd.remote.s32 $0x1  }
0xbe: {  	_ =	sfence.sel $0xFFFF  }
0xbf: {  	[dreg:$0x0] =	wrdreg $0xFFFFFFFF;
	(pc) =	sbr.abs _section_cstart, $3  }
0xc0: {  	[dreg:$0x1] =	wrdreg $0xFFFFFFFF  }
0xc1: {  	_ =	task.clear_ibuf [dreg:s7], $0x2FFFF;
	_ =	strace $0x9FFFFFFF  }
0xc2: {  	(tm) =	ssettm $0x7FFFFFFF  }
0xc3: {  	_ =	shalt  }
tec
execute0_lowered:
.L_overlay_start_1:
0x0: {  	(tag) =	ssettag $0x1  }
0x1: {  	s0 =	srdreg.scid;
	s1 =	rddreg [dreg:$0x0]  }
0x2: {  	s6 =	stileid.u32;
	s2 =	rddreg [dreg:$0x1];
	s28 =	simm.s32 $0xAA80  }
0x3: {  	s29 =	simm.s32 $0xD00;
	s30 =	simm.s32 $0x3;
	s31 =	simm.s32 $0x1  }
0x4: {  	s0 =	sand.u32 $0x1, s0;
	s4 =	sshll.u32 s6, $0x2;
	s6 =	sshll.u32 s6, $0x9  }
0x5: {  	s7 =	sadd.s32 $0x6A00, s1;
	s3 =	sshll.u32 s0, $0x6;
	s6 =	sand.u32 $0x200, s6  }
0x6: {  	s0 =	ssub.s32 $0x2, s0;
	s5 =	sor.u32 s4, s3;
	s3 =	simm.s32 $0x0  }
0x7: {  	s8 =	sshrl.u32 s0, $0x1;
	s4 =	sshrl.u32 s5, $0x3;
	[smem:$0x7FF] =	sst s3  }
0x8: {  	s0 =	ssub.s32 s0, s8;
	s17 =	sor.u32 $0x81, s5;
	s21 =	sor.u32 $0x82, s5  }
0x9: {  	s5 =	sor.u32 $0x83, s5;
	s4 =	smul.u32 $0x13C00, s4;
	_ =	strace $0x8000004A  }
0xa: {  	s20 =	sshrl.u32 s17, $0x3;
	s23 =	sshrl.u32 s5, $0x3;
	s5 =	sshll.u32 s5, $0x7  }
0xb: {  	s22 =	sshrl.u32 s21, $0x3;
	s5 =	sand.u32 $0x380, s5;
	s6 =	sor.u32 s6, s4  }
0xc: {  	s4 =	sadd.s32 $0x1A00, s1;
	s1 =	sadd.s32 $0x55A00, s1;
	s9 =	sshrl.u32 s6, $0x3  }
0xd: {  	s12 =	sadd.s32 s7, s9;
	s13 =	sor.u32 $0x10, s9;
	s10 =	sor.u32 $0x20, s9  }
0xe: {  	s11 =	sor.u32 $0x30, s9;
	s9 =	sadd.s32 s1, s9;
	[dreg:$0x3] =	wrdreg s12  }
0xf: {  	s6 =	sadd.s32 $0x13C000, s6;
	s12 =	sadd.s32 s7, s13;
	[dreg:$0x7] =	wrdreg s9  }
0x10: {  	s6 =	sshrl.u32 s6, $0x3;
	s14 =	sadd.s32 s7, s10;
	[dreg:$0x4] =	wrdreg s12  }
0x11: {  	s15 =	sadd.s32 s7, s11;
	s8 =	sadd.s32 s1, s13;
	[dreg:$0x5] =	wrdreg s14  }
0x12: {  	s16 =	sadd.s32 s1, s10;
	s18 =	sadd.s32 s1, s11;
	[dreg:$0x6] =	wrdreg s15  }
0x13: {  	s19 =	sadd.s32 s7, s6;
	s9 =	smul.u32 $0x13C00, s20;
	[dreg:$0x8] =	wrdreg s8  }
0x14: {  	s11 =	smul.u32 $0x13C00, s22;
	s10 =	sshll.u32 s21, $0x7;
	[dreg:$0x9] =	wrdreg s16  }
0x15: {  	s21 =	smax.u32 s0, $0x1;
	s22 =	simm.s32 $0x80;
	[dreg:$0xa] =	wrdreg s18  }
0x16: {  	s0 =	simm.s32 $0x2700;
	[dreg:$0xb] =	wrdreg s19;
	s8 =	sshll.u32 s17, $0x7  }
0x17: {  	s10 =	sand.u32 $0x300, s10;
	s12 =	smul.u32 $0x13C00, s23;
	s17 =	sadd.s32 s1, s6  }
0x18: {  	s23 =	simm.s32 $0x400;
	s6 =	simm.s32 $0xF980;
	s8 =	sand.u32 $0x280, s8  }
0x19: {  	s24 =	sor.u32 s10, s11;
	s10 =	simm.s32 $0x4;
	s11 =	simm.s32 $0x0  }
0x1a: {  	s8 =	sor.u32 s8, s9;
	s9 =	sshrl.u32 s24, $0x3;
	s5 =	sor.u32 s5, s12  }
0x1b: {  	s24 =	simm.s32 $0x3400;
	s8 =	sshrl.u32 s8, $0x3;
	s26 =	sadd.s32 s7, s9  }
0x1c: {  	s5 =	sshrl.u32 s5, $0x3;
	s19 =	sadd.s32 s1, s9;
	s9 =	simm.s32 $0x2  }
0x1d: {  	s25 =	sadd.s32 s7, s8;
	[dreg:$0xd] =	wrdreg s26;
	s16 =	sadd.s32 s7, s5  }
0x1e: {  	s18 =	sadd.s32 s1, s8;
	s20 =	sadd.s32 s1, s5;
	s26 =	simm.s32 $0x8300  }
0x1f: {  	s1 =	simm.s32 $0x1A00;
	s5 =	simm.s32 $0xD200;
	s7 =	simm.s32 $0x12100  }
0x20: {  	v0 =	vimm.f32 $0.0e+00;
	s8 =	simm.s32 $0x14880;
	[dreg:$0xc] =	wrdreg s25;
	s25 =	simm.s32 $0x5B80  }
.LBB2_1:
0x21: {  	s12 =	rddreg [dreg:$0x3]  }
0x22: {  	[tilespmem:s24], [sflag:$0x3] =	stream.strided.gather [hbm4b:s12+s22], $0x2780, s23, s22, $0x38;
	[tilespmem:$0x17000] =	vst v63  }
0x23: {  	s13 =	rddreg [dreg:$0x4]  }
0x24: {  	[tilespmem:s25], [sflag:$0x3] =	stream.strided.gather [hbm4b:s13+s22], $0x2780, s23, s22, $0x38;
	[tilespmem:$0x17000] =	vst v63  }
0x25: {  	s14 =	rddreg [dreg:$0x5]  }
0x26: {  	[tilespmem:s26], [sflag:$0x3] =	stream.strided.gather [hbm4b:s14+s22], $0x2780, s23, s22, $0x38;
	[tilespmem:$0x17000] =	vst v63  }
0x27: {  	s15 =	rddreg [dreg:$0x6]  }
0x28: {  	[tilespmem:s28], [sflag:$0x3] =	stream.strided.gather [hbm4b:s15+s22], $0x2780, s23, s22, $0x38;
	[tilespmem:$0x17000] =	vst v63  }
0x29: {  	_ = 	snop  }
0x2a: {  	[tilespmem:s3], [sflag:$0x1] =	stream.linear.gather [hbm4b:s2+s3], $0xC80, $0x38;
	[tilespmem:$0x17000] =	vst v63  }
0x2b: {  	s12 =	simm.s32 $0x0;
	s13 =	simm.s32 $0x40  }
0x2c: {  	[tilespmem:s29], [sflag:$0x1] =	stream.linear.gather [hbm4b:s4+s3], $0xC80, $0x38;
	[tilespmem:$0x17000] =	vst v63  }
.LBB2_2:
0x2d: {  	p0 =	sne.s32 s13, $0x9C00;
	[tilespmem:s12+$0x14880] =	vst v0;
	s14 =	smov.u32 s13;
	s13 =	sadd.s32 $0x40, s13  }
.Ltmp0:
0x2e: {  	[tilespmem:s12+$0x12100] =	vst v0;
	(pc) =	sbr.rel @p0 .LBB2_2-.Ltmp0, $3  }
0x2f: {  	[tilespmem:s12+$0xD200] =	vst v0  }
0x30: {  	[tilespmem:s12+$0xF980] =	vst v0;
	_ =	sdelay $0x1  }
0x31: {  	s12 =	sshra.s32 s14, $0x2  }
0x32: {  	[tilespmem:s12+$0x14880] =	vst v0  }
0x33: {  	[tilespmem:s12+$0x12100] =	vst v0  }
0x34: {  	[tilespmem:s12+$0xD200] =	vst v0  }
0x35: {  	[tilespmem:s12+$0xF980] =	vst v0  }
0x36: {  	_ =	swait.ge [sflag:s30], $0x2780  }
0x37: {  	[sflag:s30] =	ssyncset.done $0x0  }
0x38: {  	[sflag:s30] =	ssyncadd.s32 $0xFFFFD880  }
0x39: {  	_ =	swait.ge [sflag:s30], $0x2780  }
0x3a: {  	[sflag:s30] =	ssyncset.done $0x0  }
0x3b: {  	[sflag:s30] =	ssyncadd.s32 $0xFFFFD880  }
0x3c: {  	_ =	swait.ge [sflag:s30], $0x2780  }
0x3d: {  	[sflag:s30] =	ssyncset.done $0x0  }
0x3e: {  	[sflag:s30] =	ssyncadd.s32 $0xFFFFD880  }
0x3f: {  	_ =	swait.ge [sflag:s30], $0x2780  }
0x40: {  	[sflag:s30] =	ssyncset.done $0x0  }
0x41: {  	s12 =	simm.s32 $0x0;
	[sflag:s30] =	ssyncadd.s32 $0xFFFFD880  }
.LBB2_4:
0x42: {  	_ =	swait.ge [sflag:s31], $0xC80  }
0x43: {  	s13 =	smul.u32 $0x1900, s12;
	[sflag:s31] =	ssyncset.done $0x0  }
0x44: {  	[sflag:s31] =	ssyncadd.s32 $0xFFFFF380  }
0x45: {  	s14 =	sshrl.u32 s13, $0x3;
	_ =	swait.ge [sflag:s31], $0xC80  }
0x46: {  	s14 =	sadd.s32 $0x190, s14;
	[sflag:s31] =	ssyncset.done $0x0  }
0x47: {  	s15 =	sadd.s32 s2, s14;
	[sflag:s31] =	ssyncadd.s32 $0xFFFFF380  }
0x48: {  	[tilespmem:s1], [sflag:$0x2] =	stream.linear.gather [hbm4b:s15+s3], $0xC80, $0x38;
	[tilespmem:$0x17000] =	vst v63  }
0x49: {  	s14 =	sadd.s32 s4, s14  }
0x4a: {  	[tilespmem:s0], [sflag:$0x2] =	stream.linear.gather [hbm4b:s14+s3], $0xC80, $0x38;
	[tilespmem:$0x17000] =	vst v63  }
0x4b: {  	v2 =	vld [tilespmem:$0x0];
	_ =	sdelay $0x4  }
0x4c: {  	v1 =	vld [tilespmem:$0xD00]  }
0x4d: {  	v8 =	vld [tilespmem:$0x10]  }
0x4e: {  	v6 =	vld [tilespmem:$0xD10]  }
0x4f: {  	v5 =	vld.idx.msk [tilespmem:v2+s24+$0x0], $0xffff  }
0x50: {  	v4 =	vld.idx.msk [tilespmem:v2+s25+$0x0], $0xffff  }
0x51: {  	v3 =	vld.idx.msk [tilespmem:v2+s26+$0x0], $0xffff  }
0x52: {  	s14 =	simm.s32 $0x80;
	v2 =	vld.idx.msk [tilespmem:v2+s28+$0x0], $0xffff  }
.LBB2_5:
0x53: {  	_ = 	snop  }
0x54: {  	s15 =	sshra.s32 s14, $0x2  }
0x55: {  	v9 =	vld [tilespmem:s15+$0x0]  }
0x56: {  	v7 =	vmov v6;
	v6 =	vld [tilespmem:s15+$0xD00]  }
0x57: {  	v10 =	vmov v5;
	v5 =	vld.idx.msk [tilespmem:v8+s24+$0x0], $0xffff  }
0x58: {  	v11 =	vmov v4;
	v4 =	vld.idx.msk [tilespmem:v8+s25+$0x0], $0xffff  }
0x59: {  	p0 =	sne.s32 s14, $0x3200;
	v12 =	vmov v3;
	v3 =	vld.idx.msk [tilespmem:v8+s26+$0x0], $0xffff  }
.Ltmp1:
0x5a: {  	v13 =	vmov v2;
	v2 =	vld.idx.msk [tilespmem:v8+s28+$0x0], $0xffff;
	(pc) =	sbr.rel @p0 .LBB2_5-.Ltmp1, $4  }
0x5b: {  	[tilespmem:v1+s5+$0x0] =	vst.idx.add.f32.msk $0xffff, v10  }
0x5c: {  	[tilespmem:v1+s6+$0x0] =	vst.idx.add.f32.msk $0xffff, v11  }
0x5d: {  	[tilespmem:v1+s7+$0x0] =	vst.idx.add.f32.msk $0xffff, v12  }
0x5e: {  	s14 =	sadd.s32 $0x40, s14;
	[tilespmem:v1+s8+$0x0] =	vst.idx.add.f32.msk $0xffff, v13;
	v1 =	vmov v7;
	v8 =	vmov v9  }
0x5f: {  	_ =	sdelay $0x3  }
0x60: {  	[tilespmem:v7+s5+$0x0] =	vst.idx.add.f32.msk $0xffff, v5  }
0x61: {  	[tilespmem:v7+s6+$0x0] =	vst.idx.add.f32.msk $0xffff, v4  }
0x62: {  	[tilespmem:v7+s7+$0x0] =	vst.idx.add.f32.msk $0xffff, v3  }
0x63: {  	[tilespmem:v7+s8+$0x0] =	vst.idx.add.f32.msk $0xffff, v2  }
0x64: {  	_ =	swait.ge [sflag:s9], $0xC80  }
0x65: {  	[sflag:s9] =	ssyncset.done $0x0  }
0x66: {  	p0 =	seq.s32 s12, $0x18;
	[sflag:s9] =	ssyncadd.s32 $0xFFFFF380  }
0x67: {  	s13 =	sshrl.u32 @!p0 s13, $0x3;
	_ =	swait.ge [sflag:s9], $0xC80  }
0x68: {  	s13 =	sadd.s32 @!p0 $0x320, s13;
	[sflag:s9] =	ssyncset.done $0x0  }
0x69: {  	s15 =	simm.s32 @!p0 $0x0;
	s14 =	sadd.s32 @!p0 s2, s13;
	[sflag:s9] =	ssyncadd.s32 $0xFFFFF380  }
0x6a: {  	[tilespmem:s15], [sflag:$0x1] =	stream.linear.gather @!p0 [hbm4b:s14+s15], $0xC80, $0x38;
	[tilespmem:$0x17000] =	vst v63  }
0x6b: {  	s13 =	sadd.s32 @!p0 s4, s13;
	s14 =	simm.s32 @!p0 $0xD00  }
0x6c: {  	[tilespmem:s14], [sflag:$0x1] =	stream.linear.gather @!p0 [hbm4b:s13+s15], $0xC80, $0x38;
	[tilespmem:$0x17000] =	vst v63  }
0x6d: {  	v1 =	vld [tilespmem:$0x1A00];
	_ =	sdelay $0x4  }
0x6e: {  	v2 =	vld [tilespmem:$0x2700]  }
0x6f: {  	v8 =	vld [tilespmem:$0x1A10]  }
0x70: {  	v7 =	vld [tilespmem:$0x2710]  }
0x71: {  	v6 =	vld.idx.msk [tilespmem:v1+s24+$0x0], $0xffff  }
0x72: {  	v5 =	vld.idx.msk [tilespmem:v1+s25+$0x0], $0xffff  }
0x73: {  	v4 =	vld.idx.msk [tilespmem:v1+s26+$0x0], $0xffff  }
0x74: {  	s13 =	simm.s32 $0x80;
	v1 =	vld.idx.msk [tilespmem:v1+s28+$0x0], $0xffff  }
.LBB2_7:
0x75: {  	_ = 	snop  }
0x76: {  	s14 =	sshra.s32 s13, $0x2  }
0x77: {  	v9 =	vld [tilespmem:s14+$0x1A00]  }
0x78: {  	v3 =	vmov v7;
	v7 =	vld [tilespmem:s14+$0x2700]  }
0x79: {  	v10 =	vmov v6;
	v6 =	vld.idx.msk [tilespmem:v8+s24+$0x0], $0xffff  }
0x7a: {  	v11 =	vmov v5;
	v5 =	vld.idx.msk [tilespmem:v8+s25+$0x0], $0xffff  }
0x7b: {  	p0 =	sne.s32 s13, $0x3200;
	v12 =	vmov v4;
	v4 =	vld.idx.msk [tilespmem:v8+s26+$0x0], $0xffff  }
.Ltmp2:
0x7c: {  	v13 =	vmov v1;
	v1 =	vld.idx.msk [tilespmem:v8+s28+$0x0], $0xffff;
	(pc) =	sbr.rel @p0 .LBB2_7-.Ltmp2, $4  }
0x7d: {  	[tilespmem:v2+s5+$0x0] =	vst.idx.add.f32.msk $0xffff, v10  }
0x7e: {  	[tilespmem:v2+s6+$0x0] =	vst.idx.add.f32.msk $0xffff, v11  }
0x7f: {  	[tilespmem:v2+s7+$0x0] =	vst.idx.add.f32.msk $0xffff, v12  }
0x80: {  	s13 =	sadd.s32 $0x40, s13;
	[tilespmem:v2+s8+$0x0] =	vst.idx.add.f32.msk $0xffff, v13;
	v2 =	vmov v3;
	v8 =	vmov v9  }
0x81: {  	_ = 	snop  }
0x82: {  	s12 =	sadd.s32 $0x1, s12  }
0x83: {  	p0 =	sne.s32 s12, $0x19  }
.Ltmp3:
0x84: {  	_ = 	snop;
	(pc) =	sbr.rel @p0 .LBB2_4-.Ltmp3, $4  }
0x85: {  	[tilespmem:v3+s5+$0x0] =	vst.idx.add.f32.msk $0xffff, v6  }
0x86: {  	[tilespmem:v3+s6+$0x0] =	vst.idx.add.f32.msk $0xffff, v5  }
0x87: {  	[tilespmem:v3+s7+$0x0] =	vst.idx.add.f32.msk $0xffff, v4  }
0x88: {  	[tilespmem:v3+s8+$0x0] =	vst.idx.add.f32.msk $0xffff, v1  }
0x89: {  	s12 =	rddreg [dreg:$0x7]  }
0x8a: {  	[hbm4b:s12+s22] =	stream.strided.scatter [tilespmem:s5], [sflag:$0x4], $0x2780, s23, s22, $0x38;
	[tilespmem:$0x17000] =	vst v63  }
0x8b: {  	s15 =	rddreg [dreg:$0x8]  }
0x8c: {  	[hbm4b:s15+s22] =	stream.strided.scatter [tilespmem:s6], [sflag:$0x4], $0x2780, s23, s22, $0x38;
	[tilespmem:$0x17000] =	vst v63  }
0x8d: {  	s13 =	rddreg [dreg:$0x9]  }
0x8e: {  	[hbm4b:s13+s22] =	stream.strided.scatter [tilespmem:s7], [sflag:$0x4], $0x2780, s23, s22, $0x38;
	[tilespmem:$0x17000] =	vst v63  }
0x8f: {  	s14 =	rddreg [dreg:$0xa]  }
0x90: {  	[hbm4b:s14+s22] =	stream.strided.scatter [tilespmem:s8], [sflag:$0x4], $0x2780, s23, s22, $0x38;
	[tilespmem:$0x17000] =	vst v63  }
0x91: {  	s15 =	rddreg [dreg:$0xb]  }
0x92: {  	[tilespmem:s24], [sflag:$0x3] =	stream.strided.gather [hbm4b:s15+s22], $0x2780, s23, s22, $0x38;
	[tilespmem:$0x17000] =	vst v63  }
0x93: {  	s13 =	rddreg [dreg:$0xc]  }
0x94: {  	[tilespmem:s25], [sflag:$0x3] =	stream.strided.gather [hbm4b:s13+s22], $0x2780, s23, s22, $0x38;
	[tilespmem:$0x17000] =	vst v63  }
0x95: {  	s14 =	rddreg [dreg:$0xd]  }
0x96: {  	[tilespmem:s26], [sflag:$0x3] =	stream.strided.gather [hbm4b:s14+s22], $0x2780, s23, s22, $0x38;
	[tilespmem:$0x17000] =	vst v63  }
0x97: {  	_ = 	snop  }
0x98: {  	[tilespmem:s28], [sflag:$0x3] =	stream.strided.gather [hbm4b:s16+s22], $0x2780, s23, s22, $0x38;
	[tilespmem:$0x17000] =	vst v63  }
0x99: {  	_ =	swait.ge [sflag:s10], $0x2780  }
0x9a: {  	[sflag:s10] =	ssyncset.done $0x0  }
0x9b: {  	[sflag:s10] =	ssyncadd.s32 $0xFFFFD880  }
0x9c: {  	_ =	swait.ge [sflag:s10], $0x2780  }
0x9d: {  	[sflag:s10] =	ssyncset.done $0x0  }
0x9e: {  	[sflag:s10] =	ssyncadd.s32 $0xFFFFD880  }
0x9f: {  	_ =	swait.ge [sflag:s10], $0x2780  }
0xa0: {  	[sflag:s10] =	ssyncset.done $0x0  }
0xa1: {  	[sflag:s10] =	ssyncadd.s32 $0xFFFFD880  }
0xa2: {  	_ =	swait.ge [sflag:s10], $0x2780  }
0xa3: {  	[sflag:s10] =	ssyncset.done $0x0  }
0xa4: {  	s15 =	simm.s32 $0x0;
	[sflag:s10] =	ssyncadd.s32 $0xFFFFD880  }
0xa5: {  	[tilespmem:s15], [sflag:$0x1] =	stream.linear.gather [hbm4b:s2+s15], $0xC80, $0x38;
	[tilespmem:$0x17000] =	vst v63  }
0xa6: {  	s12 =	simm.s32 $0x0;
	s13 =	simm.s32 $0x40  }
0xa7: {  	[tilespmem:s29], [sflag:$0x1] =	stream.linear.gather [hbm4b:s4+s15], $0xC80, $0x38;
	[tilespmem:$0x17000] =	vst v63  }
.LBB2_10:
0xa8: {  	p0 =	sne.s32 s13, $0x9C00;
	[tilespmem:s12+$0x14880] =	vst v0;
	s14 =	smov.u32 s13;
	s13 =	sadd.s32 $0x40, s13  }
.Ltmp4:
0xa9: {  	[tilespmem:s12+$0x12100] =	vst v0;
	(pc) =	sbr.rel @p0 .LBB2_10-.Ltmp4, $3  }
0xaa: {  	[tilespmem:s12+$0xD200] =	vst v0  }
0xab: {  	[tilespmem:s12+$0xF980] =	vst v0;
	_ =	sdelay $0x1  }
0xac: {  	s12 =	sshra.s32 s14, $0x2  }
0xad: {  	[tilespmem:s12+$0x14880] =	vst v0  }
0xae: {  	[tilespmem:s12+$0x12100] =	vst v0  }
0xaf: {  	[tilespmem:s12+$0xD200] =	vst v0  }
0xb0: {  	[tilespmem:s12+$0xF980] =	vst v0  }
0xb1: {  	_ =	swait.ge [sflag:s30], $0x2780  }
0xb2: {  	[sflag:s30] =	ssyncset.done $0x0  }
0xb3: {  	[sflag:s30] =	ssyncadd.s32 $0xFFFFD880  }
0xb4: {  	_ =	swait.ge [sflag:s30], $0x2780  }
0xb5: {  	[sflag:s30] =	ssyncset.done $0x0  }
0xb6: {  	[sflag:s30] =	ssyncadd.s32 $0xFFFFD880  }
0xb7: {  	_ =	swait.ge [sflag:s30], $0x2780  }
0xb8: {  	[sflag:s30] =	ssyncset.done $0x0  }
0xb9: {  	[sflag:s30] =	ssyncadd.s32 $0xFFFFD880  }
0xba: {  	_ =	swait.ge [sflag:s30], $0x2780  }
0xbb: {  	[sflag:s30] =	ssyncset.done $0x0  }
0xbc: {  	s12 =	simm.s32 $0x0;
	[sflag:s30] =	ssyncadd.s32 $0xFFFFD880  }
.LBB2_12:
0xbd: {  	_ =	swait.ge [sflag:s31], $0xC80  }
0xbe: {  	s13 =	smul.u32 $0x1900, s12;
	[sflag:s31] =	ssyncset.done $0x0  }
0xbf: {  	[sflag:s31] =	ssyncadd.s32 $0xFFFFF380  }
0xc0: {  	s14 =	sshrl.u32 s13, $0x3;
	_ =	swait.ge [sflag:s31], $0xC80  }
0xc1: {  	s14 =	sadd.s32 $0x190, s14;
	[sflag:s31] =	ssyncset.done $0x0  }
0xc2: {  	s15 =	sadd.s32 s2, s14;
	[sflag:s31] =	ssyncadd.s32 $0xFFFFF380  }
0xc3: {  	[tilespmem:s1], [sflag:$0x2] =	stream.linear.gather [hbm4b:s15+s3], $0xC80, $0x38;
	[tilespmem:$0x17000] =	vst v63  }
0xc4: {  	s14 =	sadd.s32 s4, s14  }
0xc5: {  	[tilespmem:s0], [sflag:$0x2] =	stream.linear.gather [hbm4b:s14+s3], $0xC80, $0x38;
	[tilespmem:$0x17000] =	vst v63  }
0xc6: {  	v2 =	vld [tilespmem:$0x0];
	_ =	sdelay $0x4  }
0xc7: {  	v1 =	vld [tilespmem:$0xD00]  }
0xc8: {  	v8 =	vld [tilespmem:$0x10]  }
0xc9: {  	v6 =	vld [tilespmem:$0xD10]  }
0xca: {  	v5 =	vld.idx.msk [tilespmem:v2+s24+$0x0], $0xffff  }
0xcb: {  	v4 =	vld.idx.msk [tilespmem:v2+s25+$0x0], $0xffff  }
0xcc: {  	v3 =	vld.idx.msk [tilespmem:v2+s26+$0x0], $0xffff  }
0xcd: {  	s14 =	simm.s32 $0x80;
	v2 =	vld.idx.msk [tilespmem:v2+s28+$0x0], $0xffff  }
.LBB2_13:
0xce: {  	_ = 	snop  }
0xcf: {  	s15 =	sshra.s32 s14, $0x2  }
0xd0: {  	v9 =	vld [tilespmem:s15+$0x0]  }
0xd1: {  	v7 =	vmov v6;
	v6 =	vld [tilespmem:s15+$0xD00]  }
0xd2: {  	v10 =	vmov v5;
	v5 =	vld.idx.msk [tilespmem:v8+s24+$0x0], $0xffff  }
0xd3: {  	v11 =	vmov v4;
	v4 =	vld.idx.msk [tilespmem:v8+s25+$0x0], $0xffff  }
0xd4: {  	p0 =	sne.s32 s14, $0x3200;
	v12 =	vmov v3;
	v3 =	vld.idx.msk [tilespmem:v8+s26+$0x0], $0xffff  }
.Ltmp5:
0xd5: {  	v13 =	vmov v2;
	v2 =	vld.idx.msk [tilespmem:v8+s28+$0x0], $0xffff;
	(pc) =	sbr.rel @p0 .LBB2_13-.Ltmp5, $4  }
0xd6: {  	[tilespmem:v1+s5+$0x0] =	vst.idx.add.f32.msk $0xffff, v10  }
0xd7: {  	[tilespmem:v1+s6+$0x0] =	vst.idx.add.f32.msk $0xffff, v11  }
0xd8: {  	[tilespmem:v1+s7+$0x0] =	vst.idx.add.f32.msk $0xffff, v12  }
0xd9: {  	s14 =	sadd.s32 $0x40, s14;
	[tilespmem:v1+s8+$0x0] =	vst.idx.add.f32.msk $0xffff, v13;
	v1 =	vmov v7;
	v8 =	vmov v9  }
0xda: {  	_ =	sdelay $0x3  }
0xdb: {  	[tilespmem:v7+s5+$0x0] =	vst.idx.add.f32.msk $0xffff, v5  }
0xdc: {  	[tilespmem:v7+s6+$0x0] =	vst.idx.add.f32.msk $0xffff, v4  }
0xdd: {  	[tilespmem:v7+s7+$0x0] =	vst.idx.add.f32.msk $0xffff, v3  }
0xde: {  	[tilespmem:v7+s8+$0x0] =	vst.idx.add.f32.msk $0xffff, v2  }
0xdf: {  	_ =	swait.ge [sflag:s9], $0xC80  }
0xe0: {  	[sflag:s9] =	ssyncset.done $0x0  }
0xe1: {  	p0 =	seq.s32 s12, $0x18;
	[sflag:s9] =	ssyncadd.s32 $0xFFFFF380  }
0xe2: {  	s13 =	sshrl.u32 @!p0 s13, $0x3;
	_ =	swait.ge [sflag:s9], $0xC80  }
0xe3: {  	s13 =	sadd.s32 @!p0 $0x320, s13;
	[sflag:s9] =	ssyncset.done $0x0  }
0xe4: {  	s15 =	simm.s32 @!p0 $0x0;
	s14 =	sadd.s32 @!p0 s2, s13;
	[sflag:s9] =	ssyncadd.s32 $0xFFFFF380  }
0xe5: {  	[tilespmem:s15], [sflag:$0x1] =	stream.linear.gather @!p0 [hbm4b:s14+s15], $0xC80, $0x38;
	[tilespmem:$0x17000] =	vst v63  }
0xe6: {  	s13 =	sadd.s32 @!p0 s4, s13;
	s14 =	simm.s32 @!p0 $0xD00  }
0xe7: {  	[tilespmem:s14], [sflag:$0x1] =	stream.linear.gather @!p0 [hbm4b:s13+s15], $0xC80, $0x38;
	[tilespmem:$0x17000] =	vst v63  }
0xe8: {  	v1 =	vld [tilespmem:$0x1A00];
	_ =	sdelay $0x4  }
0xe9: {  	v2 =	vld [tilespmem:$0x2700]  }
0xea: {  	v8 =	vld [tilespmem:$0x1A10]  }
0xeb: {  	v7 =	vld [tilespmem:$0x2710]  }
0xec: {  	v6 =	vld.idx.msk [tilespmem:v1+s24+$0x0], $0xffff  }
0xed: {  	v5 =	vld.idx.msk [tilespmem:v1+s25+$0x0], $0xffff  }
0xee: {  	v4 =	vld.idx.msk [tilespmem:v1+s26+$0x0], $0xffff  }
0xef: {  	s13 =	simm.s32 $0x80;
	v1 =	vld.idx.msk [tilespmem:v1+s28+$0x0], $0xffff  }
.LBB2_15:
0xf0: {  	_ = 	snop  }
0xf1: {  	s14 =	sshra.s32 s13, $0x2  }
0xf2: {  	v9 =	vld [tilespmem:s14+$0x1A00]  }
0xf3: {  	v3 =	vmov v7;
	v7 =	vld [tilespmem:s14+$0x2700]  }
0xf4: {  	v10 =	vmov v6;
	v6 =	vld.idx.msk [tilespmem:v8+s24+$0x0], $0xffff  }
0xf5: {  	v11 =	vmov v5;
	v5 =	vld.idx.msk [tilespmem:v8+s25+$0x0], $0xffff  }
0xf6: {  	p0 =	sne.s32 s13, $0x3200;
	v12 =	vmov v4;
	v4 =	vld.idx.msk [tilespmem:v8+s26+$0x0], $0xffff  }
.Ltmp6:
0xf7: {  	v13 =	vmov v1;
	v1 =	vld.idx.msk [tilespmem:v8+s28+$0x0], $0xffff;
	(pc) =	sbr.rel @p0 .LBB2_15-.Ltmp6, $4  }
0xf8: {  	[tilespmem:v2+s5+$0x0] =	vst.idx.add.f32.msk $0xffff, v10  }
0xf9: {  	[tilespmem:v2+s6+$0x0] =	vst.idx.add.f32.msk $0xffff, v11  }
0xfa: {  	[tilespmem:v2+s7+$0x0] =	vst.idx.add.f32.msk $0xffff, v12  }
0xfb: {  	s13 =	sadd.s32 $0x40, s13;
	[tilespmem:v2+s8+$0x0] =	vst.idx.add.f32.msk $0xffff, v13;
	v2 =	vmov v3;
	v8 =	vmov v9  }
0xfc: {  	_ = 	snop  }
0xfd: {  	s12 =	sadd.s32 $0x1, s12  }
0xfe: {  	p0 =	sne.s32 s12, $0x19  }
.Ltmp7:
0xff: {  	_ = 	snop;
	(pc) =	sbr.rel @p0 .LBB2_12-.Ltmp7, $4  }
0x100: {  	[tilespmem:v3+s5+$0x0] =	vst.idx.add.f32.msk $0xffff, v6  }
0x101: {  	[tilespmem:v3+s6+$0x0] =	vst.idx.add.f32.msk $0xffff, v5  }
0x102: {  	[tilespmem:v3+s7+$0x0] =	vst.idx.add.f32.msk $0xffff, v4  }
0x103: {  	[tilespmem:v3+s8+$0x0] =	vst.idx.add.f32.msk $0xffff, v1  }
0x104: {  	[hbm4b:s17+s22] =	stream.strided.scatter [tilespmem:s5], [sflag:$0x4], $0x2780, s23, s22, $0x38;
	[tilespmem:$0x17000] =	vst v63  }
0x105: {  	_ = 	snop  }
0x106: {  	[hbm4b:s18+s22] =	stream.strided.scatter [tilespmem:s6], [sflag:$0x4], $0x2780, s23, s22, $0x38;
	[tilespmem:$0x17000] =	vst v63  }
0x107: {  	_ = 	snop  }
0x108: {  	[hbm4b:s19+s22] =	stream.strided.scatter [tilespmem:s7], [sflag:$0x4], $0x2780, s23, s22, $0x38;
	[tilespmem:$0x17000] =	vst v63  }
0x109: {  	_ = 	snop  }
0x10a: {  	[hbm4b:s20+s22] =	stream.strided.scatter [tilespmem:s8], [sflag:$0x4], $0x2780, s23, s22, $0x38;
	[tilespmem:$0x17000] =	vst v63  }
0x10b: {  	_ =	swait.ge [sflag:s10], $0x2780  }
0x10c: {  	[sflag:s10] =	ssyncset.done $0x0  }
0x10d: {  	[sflag:s10] =	ssyncadd.s32 $0xFFFFD880  }
0x10e: {  	_ =	swait.ge [sflag:s10], $0x2780  }
0x10f: {  	[sflag:s10] =	ssyncset.done $0x0  }
0x110: {  	s11 =	sadd.s32 $0x1, s11;
	[sflag:s10] =	ssyncadd.s32 $0xFFFFD880  }
0x111: {  	p0 =	sne.s32 s11, s21;
	_ =	swait.ge [sflag:s10], $0x2780  }
.Ltmp8:
0x112: {  	[sflag:s10] =	ssyncset.done $0x0;
	(pc) =	sbr.rel @p0 .LBB2_1-.Ltmp8, $4  }
0x113: {  	[sflag:s10] =	ssyncadd.s32 $0xFFFFD880  }
0x114: {  	_ =	swait.ge [sflag:s10], $0x2780  }
0x115: {  	[sflag:s10] =	ssyncset.done $0x0  }
0x116: {  	[sflag:s10] =	ssyncadd.s32 $0xFFFFD880  }
0x117: {  	_ =	sfence.sel $0x180000  }
0x118: {  	[bflag:$0x0] =	sbarrier.arrive $0xFFFF  }
0x119: {  	_ =	strace $0x9000004A  }
0x11a: {  	s0 =	stileid.u32;
	[bflag:$0x2] =	sbarrier.arrive $0xFFFF  }
0x11b: {  	p0 =	sne.s32 s0, $0x0;
	s0 =	rddreg [dreg:$0x2]  }
0x11c: {  	s0 =	sadd.s32 @!p0 $0x100000, s0  }
0x11d: {  	[sflag:s0] =	ssyncadd.tile.s32 @!p0 $0x1;
	_ =	shalt  }
.Lfunc_end2:
_tile_overlayer_lowered:
.L_overlay_start_2:
0x11e: {  	(tag) =	ssettag $0x2  }
0x11f: {  	s0 =	rddreg [dreg:$0x0];
	s2 =	stileid.u32  }
0x120: {  	s1 =	rddreg [dreg:$0x1];
	p0 =	sne.s32 s2, $0x0  }
0x121: {  	s3 =	rddreg [dreg:$0x2];
	[bflag:$0x3] =	sbarrier.arrive $0xFFFF;
	s2 =	simm.s32 @!p0 $0x1C05  }
0x122: {  	[timem:s3], [sflag:s2] =	dma.local @!p0 [hbm:s0], s1  }
0x123: {  	s0 =	simm.s32 @!p0 $0x5  }
0x124: {  	_ =	swait.ge @!p0 [sflag:s0], s1  }
0x125: {  	s1 =	ssub.s32 @!p0 $0x0, s1;
	[sflag:s0] =	ssyncset.done @!p0 $0x0  }
0x126: {  	[sflag:s0] =	ssyncadd.s32 @!p0 s1  }
0x127: {  	[bflag:$0x3] =	sbarrier.arrive $0xFFFF  }
0x128: {  	_ =	shalt  }

</sc_bundles>
